<compile_context>
chip_gen: v7x
topology: tpu7x:2x2x1
jax: 0.10.2.dev20260603
libtpu: 0.0.44.dev20260713+nightly
codegen_flags: <defaults>
</compile_context>

<pallas_src>
import jax
import jax.numpy as jnp
from jax import lax
from jax.experimental import pallas as pl
from jax.experimental.pallas import tpu as pltpu
from jax.experimental.pallas import tpu_sc as plsc

_NC = 2
_NS = 16
_NW = _NC * _NS

_B, _T, _F = 4096, 200, 128
_FO = _F // 2
_BPT = _B // _NW
_VPR = _FO // 16
_NBI = 2
_NBO = 3


def _make_sc_call():
  mesh = plsc.VectorSubcoreMesh(
      core_axis_name="c", subcore_axis_name="s",
      num_cores=_NC, num_subcores=_NS)

  def body(x_hbm, out_hbm, in0, in1, out0, out1, out2,
           si0, si1, so0, so1, so2):
    wid = lax.axis_index("c") * _NS + lax.axis_index("s")
    evens = lax.iota(jnp.int32, 16) * 2
    cols = [evens + 32 * q for q in range(_VPR)]

    in_bufs = (in0, in1)
    out_bufs = (out0, out1, out2)
    in_sems = (si0, si1)
    out_sems = (so0, so1, so2)

    def issue_in(k, bi):
      pltpu.async_copy(x_hbm.at[k * _NW + wid], in_bufs[bi], in_sems[bi])

    def wait_in(bi):
      pltpu.make_async_copy(x_hbm.at[0], in_bufs[bi], in_sems[bi]).wait()

    def issue_out(k, bo):
      pltpu.async_copy(out_bufs[bo], out_hbm.at[k * _NW + wid], out_sems[bo])

    def wait_out(bo):
      pltpu.make_async_copy(out_bufs[bo], out_hbm.at[0], out_sems[bo]).wait()

    def compute(bi, bo):
      src = in_bufs[bi]
      dst = out_bufs[bo]

      @plsc.parallel_loop(0, _T, unroll=8)
      def _(r):
        row = jnp.full((16,), r, jnp.int32)
        for q in range(_VPR):
          vals = plsc.load_gather(src, [row, cols[q]])
          dst[r, pl.ds(16 * q, 16)] = vals

    issue_in(0, 0)
    issue_in(1, 1)
    for k in range(_NBO):
      bi, bo = k % _NBI, k % _NBO
      wait_in(bi)
      compute(bi, bo)
      issue_out(k, bo)
      issue_in(k + _NBI, bi)

    @pl.loop(0, (_BPT - 8) // 6)
    def _(i):
      for j in range(6):
        k = 3 + 6 * i + j
        bi, bo = (3 + j) % _NBI, j % _NBO
        wait_in(bi)
        wait_out(bo)
        compute(bi, bo)
        issue_out(k, bo)
        issue_in(k + _NBI, bi)

    for k in (_BPT - 5, _BPT - 4, _BPT - 3):
      bi, bo = k % _NBI, k % _NBO
      wait_in(bi)
      wait_out(bo)
      compute(bi, bo)
      issue_out(k, bo)
      issue_in(k + _NBI, bi)
    for k in (_BPT - 2, _BPT - 1):
      bi, bo = k % _NBI, k % _NBO
      wait_in(bi)
      wait_out(bo)
      compute(bi, bo)
      issue_out(k, bo)
    for bo in range(_NBO):
      wait_out(bo)

  return pl.kernel(
      body,
      out_type=jax.ShapeDtypeStruct((_B, _T, _FO), jnp.float32),
      mesh=mesh,
      compiler_params=pltpu.CompilerParams(needs_layout_passes=False),
      scratch_types=[
          pltpu.VMEM((_T, _F), jnp.float32),
          pltpu.VMEM((_T, _F), jnp.float32),
          pltpu.VMEM((_T, _FO), jnp.float32),
          pltpu.VMEM((_T, _FO), jnp.float32),
          pltpu.VMEM((_T, _FO), jnp.float32),
          pltpu.SemaphoreType.DMA,
          pltpu.SemaphoreType.DMA,
          pltpu.SemaphoreType.DMA,
          pltpu.SemaphoreType.DMA,
          pltpu.SemaphoreType.DMA,
      ],
  )


_sc_slice = _make_sc_call()


def kernel(x):
  return _sc_slice(x)

# --- scband reference (transcript-rebuilt; emitter-appended) ---
"""Pipeline reference for scband-slice-73220602462546 (READ-ONLY COPY).

The authoritative reference and input builder live on the scoring server;
editing this copy changes nothing except your own understanding.
"""

import jax, jax.numpy as jnp
import numpy as np

INDICES = jnp.array(list(range(0, 128, 2)), dtype=jnp.int32)


def setup_inputs(seed: int = 0) -> dict:
    key = jax.random.key(seed)
    x = jax.random.normal(key, (4096, 200, 128), dtype=jnp.float32)
    return {"x": x}


def reference(x):
    # Faithful translation of Slice.call: transpose -> gather -> transpose
    xt = jnp.transpose(x, (2, 0, 1))
    gt = jnp.take(xt, INDICES, axis=0)
    return jnp.transpose(gt, (1, 2, 0))

if __name__ == "__main__":
    import jax
    _d = setup_inputs()
    print(jax.jit(kernel)(*tuple(_d.values())))

</pallas_src>

<mosaic_0001>
#map = affine_map<(d0, d1) -> (0, 0, 0)>
module attributes {stable_mosaic.version = 14 : i64} {
  func.func @body(%arg0: i32, %arg1: i32, %arg2: memref<4096x200x128xf32, #tpu.memory_space<hbm>>, %arg3: memref<4096x200x64xf32, #tpu.memory_space<hbm>>, %arg4: memref<200x128xf32, #tpu.memory_space<vmem>>, %arg5: memref<200x128xf32, #tpu.memory_space<vmem>>, %arg6: memref<200x64xf32, #tpu.memory_space<vmem>>, %arg7: memref<200x64xf32, #tpu.memory_space<vmem>>, %arg8: memref<200x64xf32, #tpu.memory_space<vmem>>, %arg9: memref<!tpu.dma_semaphore, #tpu.memory_space<semaphore_mem>>, %arg10: memref<!tpu.dma_semaphore, #tpu.memory_space<semaphore_mem>>, %arg11: memref<!tpu.dma_semaphore, #tpu.memory_space<semaphore_mem>>, %arg12: memref<!tpu.dma_semaphore, #tpu.memory_space<semaphore_mem>>, %arg13: memref<!tpu.dma_semaphore, #tpu.memory_space<semaphore_mem>>) attributes {dimension_semantics = [#tpu.dimension_semantics<core_parallel>, #tpu.dimension_semantics<subcore_parallel>], iteration_bounds = array<i64: 2, 16>, scalar_prefetch = 0 : i64, scratch_operands = 10 : i64, tpu.core_type = #tpu.core_type<sc_vector_subcore>, window_params = [{transform_indices = #map}, {transform_indices = #map}]} {
    %mul3A = arith.constant 16 : i32
    %mul3A_0 = arith.muli %arg0, %mul3A : i32
    %add3A = arith.addi %mul3A_0, %arg1 : i32
    %iota3A = tpu.iota {dimensions = array<i32: 0>} : vector<16xi32>
    %mul3A_1 = arith.constant 2 : i32
    %mul3A_2 = vector.broadcast %mul3A_1 : i32 to vector<16xi32>
    %mul3A_3 = arith.muli %iota3A, %mul3A_2 : vector<16xi32>
    %add3A_4 = arith.constant 0 : i32
    %add3A_5 = vector.broadcast %add3A_4 : i32 to vector<16xi32>
    %add3A_6 = arith.addi %mul3A_3, %add3A_5 : vector<16xi32>
    %add3A_7 = arith.constant 32 : i32
    %add3A_8 = vector.broadcast %add3A_7 : i32 to vector<16xi32>
    %add3A_9 = arith.addi %mul3A_3, %add3A_8 : vector<16xi32>
    %add3A_10 = arith.constant 64 : i32
    %add3A_11 = vector.broadcast %add3A_10 : i32 to vector<16xi32>
    %add3A_12 = arith.addi %mul3A_3, %add3A_11 : vector<16xi32>
    %add3A_13 = arith.constant 96 : i32
    %add3A_14 = vector.broadcast %add3A_13 : i32 to vector<16xi32>
    %add3A_15 = arith.addi %mul3A_3, %add3A_14 : vector<16xi32>
    %add3A_16 = arith.constant 0 : i32
    %add3A_17 = arith.addi %add3A_16, %add3A : i32
    %dma_start3A = arith.constant 0 : i32
    %dma_start3A_18 = arith.constant 0 : i32
    %dma_start3A_19 = tpu.memref_slice %arg2[%add3A_17, %dma_start3A, %dma_start3A_18] : memref<4096x200x128xf32, #tpu.memory_space<hbm>> -> memref<1x200x128xf32, #tpu.memory_space<hbm>>
    %dma_start3A_20 = tpu.memref_squeeze %dma_start3A_19 : memref<1x200x128xf32, #tpu.memory_space<hbm>> -> memref<200x128xf32, #tpu.memory_space<hbm>>
    %dma_start3A_21 = arith.constant 0 : i32
    %dma_start3A_22 = arith.constant 0 : i32
    %dma_start3A_23 = tpu.memref_slice %arg2[%add3A_17, %dma_start3A_21, %dma_start3A_22] : memref<4096x200x128xf32, #tpu.memory_space<hbm>> -> memref<1x200x128xf32, #tpu.memory_space<hbm>>
    %dma_start3A_24 = tpu.memref_squeeze %dma_start3A_23 : memref<1x200x128xf32, #tpu.memory_space<hbm>> -> memref<200x128xf32, #tpu.memory_space<hbm>>
    tpu.enqueue_dma source(%dma_start3A_24 : memref<200x128xf32, #tpu.memory_space<hbm>>) target(%arg4 : memref<200x128xf32, #tpu.memory_space<vmem>>) target_semaphore(%arg9 : memref<!tpu.dma_semaphore, #tpu.memory_space<semaphore_mem>>)
    %add3A_25 = arith.constant 32 : i32
    %add3A_26 = arith.addi %add3A_25, %add3A : i32
    %dma_start3A_27 = arith.constant 0 : i32
    %dma_start3A_28 = arith.constant 0 : i32
    %dma_start3A_29 = tpu.memref_slice %arg2[%add3A_26, %dma_start3A_27, %dma_start3A_28] : memref<4096x200x128xf32, #tpu.memory_space<hbm>> -> memref<1x200x128xf32, #tpu.memory_space<hbm>>
    %dma_start3A_30 = tpu.memref_squeeze %dma_start3A_29 : memref<1x200x128xf32, #tpu.memory_space<hbm>> -> memref<200x128xf32, #tpu.memory_space<hbm>>
    %dma_start3A_31 = arith.constant 0 : i32
    %dma_start3A_32 = arith.constant 0 : i32
    %dma_start3A_33 = tpu.memref_slice %arg2[%add3A_26, %dma_start3A_31, %dma_start3A_32] : memref<4096x200x128xf32, #tpu.memory_space<hbm>> -> memref<1x200x128xf32, #tpu.memory_space<hbm>>
    %dma_start3A_34 = tpu.memref_squeeze %dma_start3A_33 : memref<1x200x128xf32, #tpu.memory_space<hbm>> -> memref<200x128xf32, #tpu.memory_space<hbm>>
    tpu.enqueue_dma source(%dma_start3A_34 : memref<200x128xf32, #tpu.memory_space<hbm>>) target(%arg5 : memref<200x128xf32, #tpu.memory_space<vmem>>) target_semaphore(%arg10 : memref<!tpu.dma_semaphore, #tpu.memory_space<semaphore_mem>>)
    %dma_wait3A = arith.constant 0 : i32
    %dma_wait3A_35 = arith.constant 0 : i32
    %dma_wait3A_36 = arith.constant 0 : i32
    %dma_wait3A_37 = tpu.memref_slice %arg2[%dma_wait3A, %dma_wait3A_35, %dma_wait3A_36] : memref<4096x200x128xf32, #tpu.memory_space<hbm>> -> memref<1x200x128xf32, #tpu.memory_space<hbm>>
    %dma_wait3A_38 = tpu.memref_squeeze %dma_wait3A_37 : memref<1x200x128xf32, #tpu.memory_space<hbm>> -> memref<200x128xf32, #tpu.memory_space<hbm>>
    %dma_wait3A_39 = arith.constant 0 : i32
    %dma_wait3A_40 = arith.constant 0 : i32
    %dma_wait3A_41 = tpu.memref_slice %arg2[%dma_wait3A, %dma_wait3A_39, %dma_wait3A_40] : memref<4096x200x128xf32, #tpu.memory_space<hbm>> -> memref<1x200x128xf32, #tpu.memory_space<hbm>>
    %dma_wait3A_42 = tpu.memref_squeeze %dma_wait3A_41 : memref<1x200x128xf32, #tpu.memory_space<hbm>> -> memref<200x128xf32, #tpu.memory_space<hbm>>
    tpu.wait_dma2 semaphore(%arg9 : memref<!tpu.dma_semaphore, #tpu.memory_space<semaphore_mem>>) src(%dma_wait3A_42 : memref<200x128xf32, #tpu.memory_space<hbm>>) dst(%arg4 : memref<200x128xf32, #tpu.memory_space<vmem>>)
    %parallel_loop3A = arith.constant 0 : i32
    %parallel_loop3A_43 = arith.constant 200 : i32
    %parallel_loop3A_44 = arith.constant 1 : i32
    scf.for %parallel_loop3A_345 = %parallel_loop3A to %parallel_loop3A_43 step %parallel_loop3A_44  : i32 {
      %parallel_loop3A_346 = vector.broadcast %parallel_loop3A_345 : i32 to vector<16xi32>
      %parallel_loop3A_347 = tpu.vector_load_idx %arg4[%parallel_loop3A_346, %add3A_6] : memref<200x128xf32, #tpu.memory_space<vmem>>[vector<16xi32>, vector<16xi32>], vector<16xf32>,
      %parallel_loop3A_348 = arith.index_cast %parallel_loop3A_345 : i32 to index
      %parallel_loop3A_349 = arith.constant 0 : index
      %parallel_loop3A_350 = tpu.vector_load %arg6[%parallel_loop3A_348, %parallel_loop3A_349] {strides = array<i32>} : memref<200x64xf32, #tpu.memory_space<vmem>>, vector<16xf32>,
      tpu.vector_store %arg6[%parallel_loop3A_348, %parallel_loop3A_349], %parallel_loop3A_347 {strides = array<i32>} : memref<200x64xf32, #tpu.memory_space<vmem>>, vector<16xf32>,
      %parallel_loop3A_351 = tpu.vector_load_idx %arg4[%parallel_loop3A_346, %add3A_9] : memref<200x128xf32, #tpu.memory_space<vmem>>[vector<16xi32>, vector<16xi32>], vector<16xf32>,
      %parallel_loop3A_352 = arith.index_cast %parallel_loop3A_345 : i32 to index
      %parallel_loop3A_353 = arith.constant 16 : index
      %parallel_loop3A_354 = tpu.vector_load %arg6[%parallel_loop3A_352, %parallel_loop3A_353] {strides = array<i32>} : memref<200x64xf32, #tpu.memory_space<vmem>>, vector<16xf32>,
      tpu.vector_store %arg6[%parallel_loop3A_352, %parallel_loop3A_353], %parallel_loop3A_351 {strides = array<i32>} : memref<200x64xf32, #tpu.memory_space<vmem>>, vector<16xf32>,
      %parallel_loop3A_355 = tpu.vector_load_idx %arg4[%parallel_loop3A_346, %add3A_12] : memref<200x128xf32, #tpu.memory_space<vmem>>[vector<16xi32>, vector<16xi32>], vector<16xf32>,
      %parallel_loop3A_356 = arith.index_cast %parallel_loop3A_345 : i32 to index
      %parallel_loop3A_357 = arith.constant 32 : index
      %parallel_loop3A_358 = tpu.vector_load %arg6[%parallel_loop3A_356, %parallel_loop3A_357] {strides = array<i32>} : memref<200x64xf32, #tpu.memory_space<vmem>>, vector<16xf32>,
      tpu.vector_store %arg6[%parallel_loop3A_356, %parallel_loop3A_357], %parallel_loop3A_355 {strides = array<i32>} : memref<200x64xf32, #tpu.memory_space<vmem>>, vector<16xf32>,
      %parallel_loop3A_359 = tpu.vector_load_idx %arg4[%parallel_loop3A_346, %add3A_15] : memref<200x128xf32, #tpu.memory_space<vmem>>[vector<16xi32>, vector<16xi32>], vector<16xf32>,
      %parallel_loop3A_360 = arith.index_cast %parallel_loop3A_345 : i32 to index
      %parallel_loop3A_361 = arith.constant 48 : index
      %parallel_loop3A_362 = tpu.vector_load %arg6[%parallel_loop3A_360, %parallel_loop3A_361] {strides = array<i32>} : memref<200x64xf32, #tpu.memory_space<vmem>>, vector<16xf32>,
      tpu.vector_store %arg6[%parallel_loop3A_360, %parallel_loop3A_361], %parallel_loop3A_359 {strides = array<i32>} : memref<200x64xf32, #tpu.memory_space<vmem>>, vector<16xf32>,
    } {sc.loop_unroll_factor = 8 : i64, sc.parallel_access}
    %add3A_45 = arith.constant 0 : i32
    %add3A_46 = arith.addi %add3A_45, %add3A : i32
    %dma_start3A_47 = arith.constant 0 : i32
    %dma_start3A_48 = arith.constant 0 : i32
    %dma_start3A_49 = tpu.memref_slice %arg3[%add3A_46, %dma_start3A_47, %dma_start3A_48] : memref<4096x200x64xf32, #tpu.memory_space<hbm>> -> memref<1x200x64xf32, #tpu.memory_space<hbm>>
    %dma_start3A_50 = tpu.memref_squeeze %dma_start3A_49 : memref<1x200x64xf32, #tpu.memory_space<hbm>> -> memref<200x64xf32, #tpu.memory_space<hbm>>
    %dma_start3A_51 = arith.constant 0 : i32
    %dma_start3A_52 = arith.constant 0 : i32
    %dma_start3A_53 = tpu.memref_slice %arg3[%add3A_46, %dma_start3A_51, %dma_start3A_52] : memref<4096x200x64xf32, #tpu.memory_space<hbm>> -> memref<1x200x64xf32, #tpu.memory_space<hbm>>
    %dma_start3A_54 = tpu.memref_squeeze %dma_start3A_53 : memref<1x200x64xf32, #tpu.memory_space<hbm>> -> memref<200x64xf32, #tpu.memory_space<hbm>>
    tpu.enqueue_dma source(%arg6 : memref<200x64xf32, #tpu.memory_space<vmem>>) target(%dma_start3A_54 : memref<200x64xf32, #tpu.memory_space<hbm>>) target_semaphore(%arg11 : memref<!tpu.dma_semaphore, #tpu.memory_space<semaphore_mem>>)
    %add3A_55 = arith.constant 64 : i32
    %add3A_56 = arith.addi %add3A_55, %add3A : i32
    %dma_start3A_57 = arith.constant 0 : i32
    %dma_start3A_58 = arith.constant 0 : i32
    %dma_start3A_59 = tpu.memref_slice %arg2[%add3A_56, %dma_start3A_57, %dma_start3A_58] : memref<4096x200x128xf32, #tpu.memory_space<hbm>> -> memref<1x200x128xf32, #tpu.memory_space<hbm>>
    %dma_start3A_60 = tpu.memref_squeeze %dma_start3A_59 : memref<1x200x128xf32, #tpu.memory_space<hbm>> -> memref<200x128xf32, #tpu.memory_space<hbm>>
    %dma_start3A_61 = arith.constant 0 : i32
    %dma_start3A_62 = arith.constant 0 : i32
    %dma_start3A_63 = tpu.memref_slice %arg2[%add3A_56, %dma_start3A_61, %dma_start3A_62] : memref<4096x200x128xf32, #tpu.memory_space<hbm>> -> memref<1x200x128xf32, #tpu.memory_space<hbm>>
    %dma_start3A_64 = tpu.memref_squeeze %dma_start3A_63 : memref<1x200x128xf32, #tpu.memory_space<hbm>> -> memref<200x128xf32, #tpu.memory_space<hbm>>
    tpu.enqueue_dma source(%dma_start3A_64 : memref<200x128xf32, #tpu.memory_space<hbm>>) target(%arg4 : memref<200x128xf32, #tpu.memory_space<vmem>>) target_semaphore(%arg9 : memref<!tpu.dma_semaphore, #tpu.memory_space<semaphore_mem>>)
    %dma_wait3A_65 = arith.constant 0 : i32
    %dma_wait3A_66 = arith.constant 0 : i32
    %dma_wait3A_67 = arith.constant 0 : i32
    %dma_wait3A_68 = tpu.memref_slice %arg2[%dma_wait3A_65, %dma_wait3A_66, %dma_wait3A_67] : memref<4096x200x128xf32, #tpu.memory_space<hbm>> -> memref<1x200x128xf32, #tpu.memory_space<hbm>>
    %dma_wait3A_69 = tpu.memref_squeeze %dma_wait3A_68 : memref<1x200x128xf32, #tpu.memory_space<hbm>> -> memref<200x128xf32, #tpu.memory_space<hbm>>
    %dma_wait3A_70 = arith.constant 0 : i32
    %dma_wait3A_71 = arith.constant 0 : i32
    %dma_wait3A_72 = tpu.memref_slice %arg2[%dma_wait3A_65, %dma_wait3A_70, %dma_wait3A_71] : memref<4096x200x128xf32, #tpu.memory_space<hbm>> -> memref<1x200x128xf32, #tpu.memory_space<hbm>>
    %dma_wait3A_73 = tpu.memref_squeeze %dma_wait3A_72 : memref<1x200x128xf32, #tpu.memory_space<hbm>> -> memref<200x128xf32, #tpu.memory_space<hbm>>
    tpu.wait_dma2 semaphore(%arg10 : memref<!tpu.dma_semaphore, #tpu.memory_space<semaphore_mem>>) src(%dma_wait3A_73 : memref<200x128xf32, #tpu.memory_space<hbm>>) dst(%arg5 : memref<200x128xf32, #tpu.memory_space<vmem>>)
    %parallel_loop3A_74 = arith.constant 0 : i32
    %parallel_loop3A_75 = arith.constant 200 : i32
    %parallel_loop3A_76 = arith.constant 1 : i32
    scf.for %parallel_loop3A_345 = %parallel_loop3A_74 to %parallel_loop3A_75 step %parallel_loop3A_76  : i32 {
      %parallel_loop3A_346 = vector.broadcast %parallel_loop3A_345 : i32 to vector<16xi32>
      %parallel_loop3A_347 = tpu.vector_load_idx %arg5[%parallel_loop3A_346, %add3A_6] : memref<200x128xf32, #tpu.memory_space<vmem>>[vector<16xi32>, vector<16xi32>], vector<16xf32>,
      %parallel_loop3A_348 = arith.index_cast %parallel_loop3A_345 : i32 to index
      %parallel_loop3A_349 = arith.constant 0 : index
      %parallel_loop3A_350 = tpu.vector_load %arg7[%parallel_loop3A_348, %parallel_loop3A_349] {strides = array<i32>} : memref<200x64xf32, #tpu.memory_space<vmem>>, vector<16xf32>,
      tpu.vector_store %arg7[%parallel_loop3A_348, %parallel_loop3A_349], %parallel_loop3A_347 {strides = array<i32>} : memref<200x64xf32, #tpu.memory_space<vmem>>, vector<16xf32>,
      %parallel_loop3A_351 = tpu.vector_load_idx %arg5[%parallel_loop3A_346, %add3A_9] : memref<200x128xf32, #tpu.memory_space<vmem>>[vector<16xi32>, vector<16xi32>], vector<16xf32>,
      %parallel_loop3A_352 = arith.index_cast %parallel_loop3A_345 : i32 to index
      %parallel_loop3A_353 = arith.constant 16 : index
      %parallel_loop3A_354 = tpu.vector_load %arg7[%parallel_loop3A_352, %parallel_loop3A_353] {strides = array<i32>} : memref<200x64xf32, #tpu.memory_space<vmem>>, vector<16xf32>,
      tpu.vector_store %arg7[%parallel_loop3A_352, %parallel_loop3A_353], %parallel_loop3A_351 {strides = array<i32>} : memref<200x64xf32, #tpu.memory_space<vmem>>, vector<16xf32>,
      %parallel_loop3A_355 = tpu.vector_load_idx %arg5[%parallel_loop3A_346, %add3A_12] : memref<200x128xf32, #tpu.memory_space<vmem>>[vector<16xi32>, vector<16xi32>], vector<16xf32>,
      %parallel_loop3A_356 = arith.index_cast %parallel_loop3A_345 : i32 to index
      %parallel_loop3A_357 = arith.constant 32 : index
      %parallel_loop3A_358 = tpu.vector_load %arg7[%parallel_loop3A_356, %parallel_loop3A_357] {strides = array<i32>} : memref<200x64xf32, #tpu.memory_space<vmem>>, vector<16xf32>,
      tpu.vector_store %arg7[%parallel_loop3A_356, %parallel_loop3A_357], %parallel_loop3A_355 {strides = array<i32>} : memref<200x64xf32, #tpu.memory_space<vmem>>, vector<16xf32>,
      %parallel_loop3A_359 = tpu.vector_load_idx %arg5[%parallel_loop3A_346, %add3A_15] : memref<200x128xf32, #tpu.memory_space<vmem>>[vector<16xi32>, vector<16xi32>], vector<16xf32>,
      %parallel_loop3A_360 = arith.index_cast %parallel_loop3A_345 : i32 to index
      %parallel_loop3A_361 = arith.constant 48 : index
      %parallel_loop3A_362 = tpu.vector_load %arg7[%parallel_loop3A_360, %parallel_loop3A_361] {strides = array<i32>} : memref<200x64xf32, #tpu.memory_space<vmem>>, vector<16xf32>,
      tpu.vector_store %arg7[%parallel_loop3A_360, %parallel_loop3A_361], %parallel_loop3A_359 {strides = array<i32>} : memref<200x64xf32, #tpu.memory_space<vmem>>, vector<16xf32>,
    } {sc.loop_unroll_factor = 8 : i64, sc.parallel_access}
    %add3A_77 = arith.constant 32 : i32
    %add3A_78 = arith.addi %add3A_77, %add3A : i32
    %dma_start3A_79 = arith.constant 0 : i32
    %dma_start3A_80 = arith.constant 0 : i32
    %dma_start3A_81 = tpu.memref_slice %arg3[%add3A_78, %dma_start3A_79, %dma_start3A_80] : memref<4096x200x64xf32, #tpu.memory_space<hbm>> -> memref<1x200x64xf32, #tpu.memory_space<hbm>>
    %dma_start3A_82 = tpu.memref_squeeze %dma_start3A_81 : memref<1x200x64xf32, #tpu.memory_space<hbm>> -> memref<200x64xf32, #tpu.memory_space<hbm>>
    %dma_start3A_83 = arith.constant 0 : i32
    %dma_start3A_84 = arith.constant 0 : i32
    %dma_start3A_85 = tpu.memref_slice %arg3[%add3A_78, %dma_start3A_83, %dma_start3A_84] : memref<4096x200x64xf32, #tpu.memory_space<hbm>> -> memref<1x200x64xf32, #tpu.memory_space<hbm>>
    %dma_start3A_86 = tpu.memref_squeeze %dma_start3A_85 : memref<1x200x64xf32, #tpu.memory_space<hbm>> -> memref<200x64xf32, #tpu.memory_space<hbm>>
    tpu.enqueue_dma source(%arg7 : memref<200x64xf32, #tpu.memory_space<vmem>>) target(%dma_start3A_86 : memref<200x64xf32, #tpu.memory_space<hbm>>) target_semaphore(%arg12 : memref<!tpu.dma_semaphore, #tpu.memory_space<semaphore_mem>>)
    %add3A_87 = arith.constant 96 : i32
    %add3A_88 = arith.addi %add3A_87, %add3A : i32
    %dma_start3A_89 = arith.constant 0 : i32
    %dma_start3A_90 = arith.constant 0 : i32
    %dma_start3A_91 = tpu.memref_slice %arg2[%add3A_88, %dma_start3A_89, %dma_start3A_90] : memref<4096x200x128xf32, #tpu.memory_space<hbm>> -> memref<1x200x128xf32, #tpu.memory_space<hbm>>
    %dma_start3A_92 = tpu.memref_squeeze %dma_start3A_91 : memref<1x200x128xf32, #tpu.memory_space<hbm>> -> memref<200x128xf32, #tpu.memory_space<hbm>>
    %dma_start3A_93 = arith.constant 0 : i32
    %dma_start3A_94 = arith.constant 0 : i32
    %dma_start3A_95 = tpu.memref_slice %arg2[%add3A_88, %dma_start3A_93, %dma_start3A_94] : memref<4096x200x128xf32, #tpu.memory_space<hbm>> -> memref<1x200x128xf32, #tpu.memory_space<hbm>>
    %dma_start3A_96 = tpu.memref_squeeze %dma_start3A_95 : memref<1x200x128xf32, #tpu.memory_space<hbm>> -> memref<200x128xf32, #tpu.memory_space<hbm>>
    tpu.enqueue_dma source(%dma_start3A_96 : memref<200x128xf32, #tpu.memory_space<hbm>>) target(%arg5 : memref<200x128xf32, #tpu.memory_space<vmem>>) target_semaphore(%arg10 : memref<!tpu.dma_semaphore, #tpu.memory_space<semaphore_mem>>)
    %dma_wait3A_97 = arith.constant 0 : i32
    %dma_wait3A_98 = arith.constant 0 : i32
    %dma_wait3A_99 = arith.constant 0 : i32
    %dma_wait3A_100 = tpu.memref_slice %arg2[%dma_wait3A_97, %dma_wait3A_98, %dma_wait3A_99] : memref<4096x200x128xf32, #tpu.memory_space<hbm>> -> memref<1x200x128xf32, #tpu.memory_space<hbm>>
    %dma_wait3A_101 = tpu.memref_squeeze %dma_wait3A_100 : memref<1x200x128xf32, #tpu.memory_space<hbm>> -> memref<200x128xf32, #tpu.memory_space<hbm>>
    %dma_wait3A_102 = arith.constant 0 : i32
    %dma_wait3A_103 = arith.constant 0 : i32
    %dma_wait3A_104 = tpu.memref_slice %arg2[%dma_wait3A_97, %dma_wait3A_102, %dma_wait3A_103] : memref<4096x200x128xf32, #tpu.memory_space<hbm>> -> memref<1x200x128xf32, #tpu.memory_space<hbm>>
    %dma_wait3A_105 = tpu.memref_squeeze %dma_wait3A_104 : memref<1x200x128xf32, #tpu.memory_space<hbm>> -> memref<200x128xf32, #tpu.memory_space<hbm>>
    tpu.wait_dma2 semaphore(%arg9 : memref<!tpu.dma_semaphore, #tpu.memory_space<semaphore_mem>>) src(%dma_wait3A_105 : memref<200x128xf32, #tpu.memory_space<hbm>>) dst(%arg4 : memref<200x128xf32, #tpu.memory_space<vmem>>)
    %parallel_loop3A_106 = arith.constant 0 : i32
    %parallel_loop3A_107 = arith.constant 200 : i32
    %parallel_loop3A_108 = arith.constant 1 : i32
    scf.for %parallel_loop3A_345 = %parallel_loop3A_106 to %parallel_loop3A_107 step %parallel_loop3A_108  : i32 {
      %parallel_loop3A_346 = vector.broadcast %parallel_loop3A_345 : i32 to vector<16xi32>
      %parallel_loop3A_347 = tpu.vector_load_idx %arg4[%parallel_loop3A_346, %add3A_6] : memref<200x128xf32, #tpu.memory_space<vmem>>[vector<16xi32>, vector<16xi32>], vector<16xf32>,
      %parallel_loop3A_348 = arith.index_cast %parallel_loop3A_345 : i32 to index
      %parallel_loop3A_349 = arith.constant 0 : index
      %parallel_loop3A_350 = tpu.vector_load %arg8[%parallel_loop3A_348, %parallel_loop3A_349] {strides = array<i32>} : memref<200x64xf32, #tpu.memory_space<vmem>>, vector<16xf32>,
      tpu.vector_store %arg8[%parallel_loop3A_348, %parallel_loop3A_349], %parallel_loop3A_347 {strides = array<i32>} : memref<200x64xf32, #tpu.memory_space<vmem>>, vector<16xf32>,
      %parallel_loop3A_351 = tpu.vector_load_idx %arg4[%parallel_loop3A_346, %add3A_9] : memref<200x128xf32, #tpu.memory_space<vmem>>[vector<16xi32>, vector<16xi32>], vector<16xf32>,
      %parallel_loop3A_352 = arith.index_cast %parallel_loop3A_345 : i32 to index
      %parallel_loop3A_353 = arith.constant 16 : index
      %parallel_loop3A_354 = tpu.vector_load %arg8[%parallel_loop3A_352, %parallel_loop3A_353] {strides = array<i32>} : memref<200x64xf32, #tpu.memory_space<vmem>>, vector<16xf32>,
      tpu.vector_store %arg8[%parallel_loop3A_352, %parallel_loop3A_353], %parallel_loop3A_351 {strides = array<i32>} : memref<200x64xf32, #tpu.memory_space<vmem>>, vector<16xf32>,
      %parallel_loop3A_355 = tpu.vector_load_idx %arg4[%parallel_loop3A_346, %add3A_12] : memref<200x128xf32, #tpu.memory_space<vmem>>[vector<16xi32>, vector<16xi32>], vector<16xf32>,
      %parallel_loop3A_356 = arith.index_cast %parallel_loop3A_345 : i32 to index
      %parallel_loop3A_357 = arith.constant 32 : index
      %parallel_loop3A_358 = tpu.vector_load %arg8[%parallel_loop3A_356, %parallel_loop3A_357] {strides = array<i32>} : memref<200x64xf32, #tpu.memory_space<vmem>>, vector<16xf32>,
      tpu.vector_store %arg8[%parallel_loop3A_356, %parallel_loop3A_357], %parallel_loop3A_355 {strides = array<i32>} : memref<200x64xf32, #tpu.memory_space<vmem>>, vector<16xf32>,
      %parallel_loop3A_359 = tpu.vector_load_idx %arg4[%parallel_loop3A_346, %add3A_15] : memref<200x128xf32, #tpu.memory_space<vmem>>[vector<16xi32>, vector<16xi32>], vector<16xf32>,
      %parallel_loop3A_360 = arith.index_cast %parallel_loop3A_345 : i32 to index
      %parallel_loop3A_361 = arith.constant 48 : index
      %parallel_loop3A_362 = tpu.vector_load %arg8[%parallel_loop3A_360, %parallel_loop3A_361] {strides = array<i32>} : memref<200x64xf32, #tpu.memory_space<vmem>>, vector<16xf32>,
      tpu.vector_store %arg8[%parallel_loop3A_360, %parallel_loop3A_361], %parallel_loop3A_359 {strides = array<i32>} : memref<200x64xf32, #tpu.memory_space<vmem>>, vector<16xf32>,
    } {sc.loop_unroll_factor = 8 : i64, sc.parallel_access}
    %add3A_109 = arith.constant 64 : i32
    %add3A_110 = arith.addi %add3A_109, %add3A : i32
    %dma_start3A_111 = arith.constant 0 : i32
    %dma_start3A_112 = arith.constant 0 : i32
    %dma_start3A_113 = tpu.memref_slice %arg3[%add3A_110, %dma_start3A_111, %dma_start3A_112] : memref<4096x200x64xf32, #tpu.memory_space<hbm>> -> memref<1x200x64xf32, #tpu.memory_space<hbm>>
    %dma_start3A_114 = tpu.memref_squeeze %dma_start3A_113 : memref<1x200x64xf32, #tpu.memory_space<hbm>> -> memref<200x64xf32, #tpu.memory_space<hbm>>
    %dma_start3A_115 = arith.constant 0 : i32
    %dma_start3A_116 = arith.constant 0 : i32
    %dma_start3A_117 = tpu.memref_slice %arg3[%add3A_110, %dma_start3A_115, %dma_start3A_116] : memref<4096x200x64xf32, #tpu.memory_space<hbm>> -> memref<1x200x64xf32, #tpu.memory_space<hbm>>
    %dma_start3A_118 = tpu.memref_squeeze %dma_start3A_117 : memref<1x200x64xf32, #tpu.memory_space<hbm>> -> memref<200x64xf32, #tpu.memory_space<hbm>>
    tpu.enqueue_dma source(%arg8 : memref<200x64xf32, #tpu.memory_space<vmem>>) target(%dma_start3A_118 : memref<200x64xf32, #tpu.memory_space<hbm>>) target_semaphore(%arg13 : memref<!tpu.dma_semaphore, #tpu.memory_space<semaphore_mem>>)
    %add3A_119 = arith.constant 128 : i32
    %add3A_120 = arith.addi %add3A_119, %add3A : i32
    %dma_start3A_121 = arith.constant 0 : i32
    %dma_start3A_122 = arith.constant 0 : i32
    %dma_start3A_123 = tpu.memref_slice %arg2[%add3A_120, %dma_start3A_121, %dma_start3A_122] : memref<4096x200x128xf32, #tpu.memory_space<hbm>> -> memref<1x200x128xf32, #tpu.memory_space<hbm>>
    %dma_start3A_124 = tpu.memref_squeeze %dma_start3A_123 : memref<1x200x128xf32, #tpu.memory_space<hbm>> -> memref<200x128xf32, #tpu.memory_space<hbm>>
    %dma_start3A_125 = arith.constant 0 : i32
    %dma_start3A_126 = arith.constant 0 : i32
    %dma_start3A_127 = tpu.memref_slice %arg2[%add3A_120, %dma_start3A_125, %dma_start3A_126] : memref<4096x200x128xf32, #tpu.memory_space<hbm>> -> memref<1x200x128xf32, #tpu.memory_space<hbm>>
    %dma_start3A_128 = tpu.memref_squeeze %dma_start3A_127 : memref<1x200x128xf32, #tpu.memory_space<hbm>> -> memref<200x128xf32, #tpu.memory_space<hbm>>
    tpu.enqueue_dma source(%dma_start3A_128 : memref<200x128xf32, #tpu.memory_space<hbm>>) target(%arg4 : memref<200x128xf32, #tpu.memory_space<vmem>>) target_semaphore(%arg9 : memref<!tpu.dma_semaphore, #tpu.memory_space<semaphore_mem>>)
    %scan3A = arith.constant 0 : i32
    %scan3A_129 = arith.constant 20 : i32
    %scan3A_130 = arith.addi %scan3A, %scan3A_129 : i32
    %scan3A_131 = arith.constant 1 : i32
    scf.for %scan3A_345 = %scan3A to %scan3A_130 step %scan3A_131  : i32 {
      %mul3A_346 = arith.constant 1 : i32
      %mul3A_347 = arith.muli %scan3A_345, %mul3A_346 : i32
      %add3A_348 = arith.constant 0 : i32
      %add3A_349 = arith.addi %add3A_348, %mul3A_347 : i32
      %mul3A_350 = arith.constant 6 : i32
      %mul3A_351 = arith.muli %mul3A_350, %add3A_349 : i32
      %add3A_352 = arith.constant 3 : i32
      %add3A_353 = arith.addi %add3A_352, %mul3A_351 : i32
      %add3A_354 = arith.constant 0 : i32
      %add3A_355 = arith.addi %add3A_353, %add3A_354 : i32
      %dma_wait3A_356 = arith.constant 0 : i32
      %dma_wait3A_357 = arith.constant 0 : i32
      %dma_wait3A_358 = arith.constant 0 : i32
      %dma_wait3A_359 = tpu.memref_slice %arg2[%dma_wait3A_356, %dma_wait3A_357, %dma_wait3A_358] : memref<4096x200x128xf32, #tpu.memory_space<hbm>> -> memref<1x200x128xf32, #tpu.memory_space<hbm>>
      %dma_wait3A_360 = tpu.memref_squeeze %dma_wait3A_359 : memref<1x200x128xf32, #tpu.memory_space<hbm>> -> memref<200x128xf32, #tpu.memory_space<hbm>>
      %dma_wait3A_361 = arith.constant 0 : i32
      %dma_wait3A_362 = arith.constant 0 : i32
      %dma_wait3A_363 = tpu.memref_slice %arg2[%dma_wait3A_356, %dma_wait3A_361, %dma_wait3A_362] : memref<4096x200x128xf32, #tpu.memory_space<hbm>> -> memref<1x200x128xf32, #tpu.memory_space<hbm>>
      %dma_wait3A_364 = tpu.memref_squeeze %dma_wait3A_363 : memref<1x200x128xf32, #tpu.memory_space<hbm>> -> memref<200x128xf32, #tpu.memory_space<hbm>>
      tpu.wait_dma2 semaphore(%arg10 : memref<!tpu.dma_semaphore, #tpu.memory_space<semaphore_mem>>) src(%dma_wait3A_364 : memref<200x128xf32, #tpu.memory_space<hbm>>) dst(%arg5 : memref<200x128xf32, #tpu.memory_space<vmem>>)
      %dma_wait3A_365 = arith.constant 0 : i32
      %dma_wait3A_366 = arith.constant 0 : i32
      %dma_wait3A_367 = arith.constant 0 : i32
      %dma_wait3A_368 = tpu.memref_slice %arg3[%dma_wait3A_365, %dma_wait3A_366, %dma_wait3A_367] : memref<4096x200x64xf32, #tpu.memory_space<hbm>> -> memref<1x200x64xf32, #tpu.memory_space<hbm>>
      %dma_wait3A_369 = tpu.memref_squeeze %dma_wait3A_368 : memref<1x200x64xf32, #tpu.memory_space<hbm>> -> memref<200x64xf32, #tpu.memory_space<hbm>>
      %dma_wait3A_370 = arith.constant 0 : i32
      %dma_wait3A_371 = arith.constant 0 : i32
      %dma_wait3A_372 = tpu.memref_slice %arg3[%dma_wait3A_365, %dma_wait3A_370, %dma_wait3A_371] : memref<4096x200x64xf32, #tpu.memory_space<hbm>> -> memref<1x200x64xf32, #tpu.memory_space<hbm>>
      %dma_wait3A_373 = tpu.memref_squeeze %dma_wait3A_372 : memref<1x200x64xf32, #tpu.memory_space<hbm>> -> memref<200x64xf32, #tpu.memory_space<hbm>>
      tpu.wait_dma2 semaphore(%arg11 : memref<!tpu.dma_semaphore, #tpu.memory_space<semaphore_mem>>) src(%arg6 : memref<200x64xf32, #tpu.memory_space<vmem>>) dst(%dma_wait3A_373 : memref<200x64xf32, #tpu.memory_space<hbm>>)
      %parallel_loop3A_374 = arith.constant 0 : i32
      %parallel_loop3A_375 = arith.constant 200 : i32
      %parallel_loop3A_376 = arith.constant 1 : i32
      scf.for %parallel_loop3A_656 = %parallel_loop3A_374 to %parallel_loop3A_375 step %parallel_loop3A_376  : i32 {
        %parallel_loop3A_657 = vector.broadcast %parallel_loop3A_656 : i32 to vector<16xi32>
        %parallel_loop3A_658 = tpu.vector_load_idx %arg5[%parallel_loop3A_657, %add3A_6] : memref<200x128xf32, #tpu.memory_space<vmem>>[vector<16xi32>, vector<16xi32>], vector<16xf32>,
        %parallel_loop3A_659 = arith.index_cast %parallel_loop3A_656 : i32 to index
        %parallel_loop3A_660 = arith.constant 0 : index
        %parallel_loop3A_661 = tpu.vector_load %arg6[%parallel_loop3A_659, %parallel_loop3A_660] {strides = array<i32>} : memref<200x64xf32, #tpu.memory_space<vmem>>, vector<16xf32>,
        tpu.vector_store %arg6[%parallel_loop3A_659, %parallel_loop3A_660], %parallel_loop3A_658 {strides = array<i32>} : memref<200x64xf32, #tpu.memory_space<vmem>>, vector<16xf32>,
        %parallel_loop3A_662 = tpu.vector_load_idx %arg5[%parallel_loop3A_657, %add3A_9] : memref<200x128xf32, #tpu.memory_space<vmem>>[vector<16xi32>, vector<16xi32>], vector<16xf32>,
        %parallel_loop3A_663 = arith.index_cast %parallel_loop3A_656 : i32 to index
        %parallel_loop3A_664 = arith.constant 16 : index
        %parallel_loop3A_665 = tpu.vector_load %arg6[%parallel_loop3A_663, %parallel_loop3A_664] {strides = array<i32>} : memref<200x64xf32, #tpu.memory_space<vmem>>, vector<16xf32>,
        tpu.vector_store %arg6[%parallel_loop3A_663, %parallel_loop3A_664], %parallel_loop3A_662 {strides = array<i32>} : memref<200x64xf32, #tpu.memory_space<vmem>>, vector<16xf32>,
        %parallel_loop3A_666 = tpu.vector_load_idx %arg5[%parallel_loop3A_657, %add3A_12] : memref<200x128xf32, #tpu.memory_space<vmem>>[vector<16xi32>, vector<16xi32>], vector<16xf32>,
        %parallel_loop3A_667 = arith.index_cast %parallel_loop3A_656 : i32 to index
        %parallel_loop3A_668 = arith.constant 32 : index
        %parallel_loop3A_669 = tpu.vector_load %arg6[%parallel_loop3A_667, %parallel_loop3A_668] {strides = array<i32>} : memref<200x64xf32, #tpu.memory_space<vmem>>, vector<16xf32>,
        tpu.vector_store %arg6[%parallel_loop3A_667, %parallel_loop3A_668], %parallel_loop3A_666 {strides = array<i32>} : memref<200x64xf32, #tpu.memory_space<vmem>>, vector<16xf32>,
        %parallel_loop3A_670 = tpu.vector_load_idx %arg5[%parallel_loop3A_657, %add3A_15] : memref<200x128xf32, #tpu.memory_space<vmem>>[vector<16xi32>, vector<16xi32>], vector<16xf32>,
        %parallel_loop3A_671 = arith.index_cast %parallel_loop3A_656 : i32 to index
        %parallel_loop3A_672 = arith.constant 48 : index
        %parallel_loop3A_673 = tpu.vector_load %arg6[%parallel_loop3A_671, %parallel_loop3A_672] {strides = array<i32>} : memref<200x64xf32, #tpu.memory_space<vmem>>, vector<16xf32>,
        tpu.vector_store %arg6[%parallel_loop3A_671, %parallel_loop3A_672], %parallel_loop3A_670 {strides = array<i32>} : memref<200x64xf32, #tpu.memory_space<vmem>>, vector<16xf32>,
      } {sc.loop_unroll_factor = 8 : i64, sc.parallel_access}
      %mul3A_377 = arith.constant 32 : i32
      %mul3A_378 = arith.muli %add3A_355, %mul3A_377 : i32
      %add3A_379 = arith.addi %mul3A_378, %add3A : i32
      %dma_start3A_380 = arith.constant 0 : i32
      %dma_start3A_381 = arith.constant 0 : i32
      %dma_start3A_382 = tpu.memref_slice %arg3[%add3A_379, %dma_start3A_380, %dma_start3A_381] : memref<4096x200x64xf32, #tpu.memory_space<hbm>> -> memref<1x200x64xf32, #tpu.memory_space<hbm>>
      %dma_start3A_383 = tpu.memref_squeeze %dma_start3A_382 : memref<1x200x64xf32, #tpu.memory_space<hbm>> -> memref<200x64xf32, #tpu.memory_space<hbm>>
      %dma_start3A_384 = arith.constant 0 : i32
      %dma_start3A_385 = arith.constant 0 : i32
      %dma_start3A_386 = tpu.memref_slice %arg3[%add3A_379, %dma_start3A_384, %dma_start3A_385] : memref<4096x200x64xf32, #tpu.memory_space<hbm>> -> memref<1x200x64xf32, #tpu.memory_space<hbm>>
      %dma_start3A_387 = tpu.memref_squeeze %dma_start3A_386 : memref<1x200x64xf32, #tpu.memory_space<hbm>> -> memref<200x64xf32, #tpu.memory_space<hbm>>
      tpu.enqueue_dma source(%arg6 : memref<200x64xf32, #tpu.memory_space<vmem>>) target(%dma_start3A_387 : memref<200x64xf32, #tpu.memory_space<hbm>>) target_semaphore(%arg11 : memref<!tpu.dma_semaphore, #tpu.memory_space<semaphore_mem>>)
      %add3A_388 = arith.constant 2 : i32
      %add3A_389 = arith.addi %add3A_355, %add3A_388 : i32
      %mul3A_390 = arith.constant 32 : i32
      %mul3A_391 = arith.muli %add3A_389, %mul3A_390 : i32
      %add3A_392 = arith.addi %mul3A_391, %add3A : i32
      %dma_start3A_393 = arith.constant 0 : i32
      %dma_start3A_394 = arith.constant 0 : i32
      %dma_start3A_395 = tpu.memref_slice %arg2[%add3A_392, %dma_start3A_393, %dma_start3A_394] : memref<4096x200x128xf32, #tpu.memory_space<hbm>> -> memref<1x200x128xf32, #tpu.memory_space<hbm>>
      %dma_start3A_396 = tpu.memref_squeeze %dma_start3A_395 : memref<1x200x128xf32, #tpu.memory_space<hbm>> -> memref<200x128xf32, #tpu.memory_space<hbm>>
      %dma_start3A_397 = arith.constant 0 : i32
      %dma_start3A_398 = arith.constant 0 : i32
      %dma_start3A_399 = tpu.memref_slice %arg2[%add3A_392, %dma_start3A_397, %dma_start3A_398] : memref<4096x200x128xf32, #tpu.memory_space<hbm>> -> memref<1x200x128xf32, #tpu.memory_space<hbm>>
      %dma_start3A_400 = tpu.memref_squeeze %dma_start3A_399 : memref<1x200x128xf32, #tpu.memory_space<hbm>> -> memref<200x128xf32, #tpu.memory_space<hbm>>
      tpu.enqueue_dma source(%dma_start3A_400 : memref<200x128xf32, #tpu.memory_space<hbm>>) target(%arg5 : memref<200x128xf32, #tpu.memory_space<vmem>>) target_semaphore(%arg10 : memref<!tpu.dma_semaphore, #tpu.memory_space<semaphore_mem>>)
      %mul3A_401 = arith.constant 6 : i32
      %mul3A_402 = arith.muli %mul3A_401, %add3A_349 : i32
      %add3A_403 = arith.constant 3 : i32
      %add3A_404 = arith.addi %add3A_403, %mul3A_402 : i32
      %add3A_405 = arith.constant 1 : i32
      %add3A_406 = arith.addi %add3A_404, %add3A_405 : i32
      %dma_wait3A_407 = arith.constant 0 : i32
      %dma_wait3A_408 = arith.constant 0 : i32
      %dma_wait3A_409 = arith.constant 0 : i32
      %dma_wait3A_410 = tpu.memref_slice %arg2[%dma_wait3A_407, %dma_wait3A_408, %dma_wait3A_409] : memref<4096x200x128xf32, #tpu.memory_space<hbm>> -> memref<1x200x128xf32, #tpu.memory_space<hbm>>
      %dma_wait3A_411 = tpu.memref_squeeze %dma_wait3A_410 : memref<1x200x128xf32, #tpu.memory_space<hbm>> -> memref<200x128xf32, #tpu.memory_space<hbm>>
      %dma_wait3A_412 = arith.constant 0 : i32
      %dma_wait3A_413 = arith.constant 0 : i32
      %dma_wait3A_414 = tpu.memref_slice %arg2[%dma_wait3A_407, %dma_wait3A_412, %dma_wait3A_413] : memref<4096x200x128xf32, #tpu.memory_space<hbm>> -> memref<1x200x128xf32, #tpu.memory_space<hbm>>
      %dma_wait3A_415 = tpu.memref_squeeze %dma_wait3A_414 : memref<1x200x128xf32, #tpu.memory_space<hbm>> -> memref<200x128xf32, #tpu.memory_space<hbm>>
      tpu.wait_dma2 semaphore(%arg9 : memref<!tpu.dma_semaphore, #tpu.memory_space<semaphore_mem>>) src(%dma_wait3A_415 : memref<200x128xf32, #tpu.memory_space<hbm>>) dst(%arg4 : memref<200x128xf32, #tpu.memory_space<vmem>>)
      %dma_wait3A_416 = arith.constant 0 : i32
      %dma_wait3A_417 = arith.constant 0 : i32
      %dma_wait3A_418 = arith.constant 0 : i32
      %dma_wait3A_419 = tpu.memref_slice %arg3[%dma_wait3A_416, %dma_wait3A_417, %dma_wait3A_418] : memref<4096x200x64xf32, #tpu.memory_space<hbm>> -> memref<1x200x64xf32, #tpu.memory_space<hbm>>
      %dma_wait3A_420 = tpu.memref_squeeze %dma_wait3A_419 : memref<1x200x64xf32, #tpu.memory_space<hbm>> -> memref<200x64xf32, #tpu.memory_space<hbm>>
      %dma_wait3A_421 = arith.constant 0 : i32
      %dma_wait3A_422 = arith.constant 0 : i32
      %dma_wait3A_423 = tpu.memref_slice %arg3[%dma_wait3A_416, %dma_wait3A_421, %dma_wait3A_422] : memref<4096x200x64xf32, #tpu.memory_space<hbm>> -> memref<1x200x64xf32, #tpu.memory_space<hbm>>
      %dma_wait3A_424 = tpu.memref_squeeze %dma_wait3A_423 : memref<1x200x64xf32, #tpu.memory_space<hbm>> -> memref<200x64xf32, #tpu.memory_space<hbm>>
      tpu.wait_dma2 semaphore(%arg12 : memref<!tpu.dma_semaphore, #tpu.memory_space<semaphore_mem>>) src(%arg7 : memref<200x64xf32, #tpu.memory_space<vmem>>) dst(%dma_wait3A_424 : memref<200x64xf32, #tpu.memory_space<hbm>>)
      %parallel_loop3A_425 = arith.constant 0 : i32
      %parallel_loop3A_426 = arith.constant 200 : i32
      %parallel_loop3A_427 = arith.constant 1 : i32
      scf.for %parallel_loop3A_656 = %parallel_loop3A_425 to %parallel_loop3A_426 step %parallel_loop3A_427  : i32 {
        %parallel_loop3A_657 = vector.broadcast %parallel_loop3A_656 : i32 to vector<16xi32>
        %parallel_loop3A_658 = tpu.vector_load_idx %arg4[%parallel_loop3A_657, %add3A_6] : memref<200x128xf32, #tpu.memory_space<vmem>>[vector<16xi32>, vector<16xi32>], vector<16xf32>,
        %parallel_loop3A_659 = arith.index_cast %parallel_loop3A_656 : i32 to index
        %parallel_loop3A_660 = arith.constant 0 : index
        %parallel_loop3A_661 = tpu.vector_load %arg7[%parallel_loop3A_659, %parallel_loop3A_660] {strides = array<i32>} : memref<200x64xf32, #tpu.memory_space<vmem>>, vector<16xf32>,
        tpu.vector_store %arg7[%parallel_loop3A_659, %parallel_loop3A_660], %parallel_loop3A_658 {strides = array<i32>} : memref<200x64xf32, #tpu.memory_space<vmem>>, vector<16xf32>,
        %parallel_loop3A_662 = tpu.vector_load_idx %arg4[%parallel_loop3A_657, %add3A_9] : memref<200x128xf32, #tpu.memory_space<vmem>>[vector<16xi32>, vector<16xi32>], vector<16xf32>,
        %parallel_loop3A_663 = arith.index_cast %parallel_loop3A_656 : i32 to index
        %parallel_loop3A_664 = arith.constant 16 : index
        %parallel_loop3A_665 = tpu.vector_load %arg7[%parallel_loop3A_663, %parallel_loop3A_664] {strides = array<i32>} : memref<200x64xf32, #tpu.memory_space<vmem>>, vector<16xf32>,
        tpu.vector_store %arg7[%parallel_loop3A_663, %parallel_loop3A_664], %parallel_loop3A_662 {strides = array<i32>} : memref<200x64xf32, #tpu.memory_space<vmem>>, vector<16xf32>,
        %parallel_loop3A_666 = tpu.vector_load_idx %arg4[%parallel_loop3A_657, %add3A_12] : memref<200x128xf32, #tpu.memory_space<vmem>>[vector<16xi32>, vector<16xi32>], vector<16xf32>,
        %parallel_loop3A_667 = arith.index_cast %parallel_loop3A_656 : i32 to index
        %parallel_loop3A_668 = arith.constant 32 : index
        %parallel_loop3A_669 = tpu.vector_load %arg7[%parallel_loop3A_667, %parallel_loop3A_668] {strides = array<i32>} : memref<200x64xf32, #tpu.memory_space<vmem>>, vector<16xf32>,
        tpu.vector_store %arg7[%parallel_loop3A_667, %parallel_loop3A_668], %parallel_loop3A_666 {strides = array<i32>} : memref<200x64xf32, #tpu.memory_space<vmem>>, vector<16xf32>,
        %parallel_loop3A_670 = tpu.vector_load_idx %arg4[%parallel_loop3A_657, %add3A_15] : memref<200x128xf32, #tpu.memory_space<vmem>>[vector<16xi32>, vector<16xi32>], vector<16xf32>,
        %parallel_loop3A_671 = arith.index_cast %parallel_loop3A_656 : i32 to index
        %parallel_loop3A_672 = arith.constant 48 : index
        %parallel_loop3A_673 = tpu.vector_load %arg7[%parallel_loop3A_671, %parallel_loop3A_672] {strides = array<i32>} : memref<200x64xf32, #tpu.memory_space<vmem>>, vector<16xf32>,
        tpu.vector_store %arg7[%parallel_loop3A_671, %parallel_loop3A_672], %parallel_loop3A_670 {strides = array<i32>} : memref<200x64xf32, #tpu.memory_space<vmem>>, vector<16xf32>,
      } {sc.loop_unroll_factor = 8 : i64, sc.parallel_access}
      %mul3A_428 = arith.constant 32 : i32
      %mul3A_429 = arith.muli %add3A_406, %mul3A_428 : i32
      %add3A_430 = arith.addi %mul3A_429, %add3A : i32
      %dma_start3A_431 = arith.constant 0 : i32
      %dma_start3A_432 = arith.constant 0 : i32
      %dma_start3A_433 = tpu.memref_slice %arg3[%add3A_430, %dma_start3A_431, %dma_start3A_432] : memref<4096x200x64xf32, #tpu.memory_space<hbm>> -> memref<1x200x64xf32, #tpu.memory_space<hbm>>
      %dma_start3A_434 = tpu.memref_squeeze %dma_start3A_433 : memref<1x200x64xf32, #tpu.memory_space<hbm>> -> memref<200x64xf32, #tpu.memory_space<hbm>>
      %dma_start3A_435 = arith.constant 0 : i32
      %dma_start3A_436 = arith.constant 0 : i32
      %dma_start3A_437 = tpu.memref_slice %arg3[%add3A_430, %dma_start3A_435, %dma_start3A_436] : memref<4096x200x64xf32, #tpu.memory_space<hbm>> -> memref<1x200x64xf32, #tpu.memory_space<hbm>>
      %dma_start3A_438 = tpu.memref_squeeze %dma_start3A_437 : memref<1x200x64xf32, #tpu.memory_space<hbm>> -> memref<200x64xf32, #tpu.memory_space<hbm>>
      tpu.enqueue_dma source(%arg7 : memref<200x64xf32, #tpu.memory_space<vmem>>) target(%dma_start3A_438 : memref<200x64xf32, #tpu.memory_space<hbm>>) target_semaphore(%arg12 : memref<!tpu.dma_semaphore, #tpu.memory_space<semaphore_mem>>)
      %add3A_439 = arith.constant 2 : i32
      %add3A_440 = arith.addi %add3A_406, %add3A_439 : i32
      %mul3A_441 = arith.constant 32 : i32
      %mul3A_442 = arith.muli %add3A_440, %mul3A_441 : i32
      %add3A_443 = arith.addi %mul3A_442, %add3A : i32
      %dma_start3A_444 = arith.constant 0 : i32
      %dma_start3A_445 = arith.constant 0 : i32
      %dma_start3A_446 = tpu.memref_slice %arg2[%add3A_443, %dma_start3A_444, %dma_start3A_445] : memref<4096x200x128xf32, #tpu.memory_space<hbm>> -> memref<1x200x128xf32, #tpu.memory_space<hbm>>
      %dma_start3A_447 = tpu.memref_squeeze %dma_start3A_446 : memref<1x200x128xf32, #tpu.memory_space<hbm>> -> memref<200x128xf32, #tpu.memory_space<hbm>>
      %dma_start3A_448 = arith.constant 0 : i32
      %dma_start3A_449 = arith.constant 0 : i32
      %dma_start3A_450 = tpu.memref_slice %arg2[%add3A_443, %dma_start3A_448, %dma_start3A_449] : memref<4096x200x128xf32, #tpu.memory_space<hbm>> -> memref<1x200x128xf32, #tpu.memory_space<hbm>>
      %dma_start3A_451 = tpu.memref_squeeze %dma_start3A_450 : memref<1x200x128xf32, #tpu.memory_space<hbm>> -> memref<200x128xf32, #tpu.memory_space<hbm>>
      tpu.enqueue_dma source(%dma_start3A_451 : memref<200x128xf32, #tpu.memory_space<hbm>>) target(%arg4 : memref<200x128xf32, #tpu.memory_space<vmem>>) target_semaphore(%arg9 : memref<!tpu.dma_semaphore, #tpu.memory_space<semaphore_mem>>)
      %mul3A_452 = arith.constant 6 : i32
      %mul3A_453 = arith.muli %mul3A_452, %add3A_349 : i32
      %add3A_454 = arith.constant 3 : i32
      %add3A_455 = arith.addi %add3A_454, %mul3A_453 : i32
      %add3A_456 = arith.constant 2 : i32
      %add3A_457 = arith.addi %add3A_455, %add3A_456 : i32
      %dma_wait3A_458 = arith.constant 0 : i32
      %dma_wait3A_459 = arith.constant 0 : i32
      %dma_wait3A_460 = arith.constant 0 : i32
      %dma_wait3A_461 = tpu.memref_slice %arg2[%dma_wait3A_458, %dma_wait3A_459, %dma_wait3A_460] : memref<4096x200x128xf32, #tpu.memory_space<hbm>> -> memref<1x200x128xf32, #tpu.memory_space<hbm>>
      %dma_wait3A_462 = tpu.memref_squeeze %dma_wait3A_461 : memref<1x200x128xf32, #tpu.memory_space<hbm>> -> memref<200x128xf32, #tpu.memory_space<hbm>>
      %dma_wait3A_463 = arith.constant 0 : i32
      %dma_wait3A_464 = arith.constant 0 : i32
      %dma_wait3A_465 = tpu.memref_slice %arg2[%dma_wait3A_458, %dma_wait3A_463, %dma_wait3A_464] : memref<4096x200x128xf32, #tpu.memory_space<hbm>> -> memref<1x200x128xf32, #tpu.memory_space<hbm>>
      %dma_wait3A_466 = tpu.memref_squeeze %dma_wait3A_465 : memref<1x200x128xf32, #tpu.memory_space<hbm>> -> memref<200x128xf32, #tpu.memory_space<hbm>>
      tpu.wait_dma2 semaphore(%arg10 : memref<!tpu.dma_semaphore, #tpu.memory_space<semaphore_mem>>) src(%dma_wait3A_466 : memref<200x128xf32, #tpu.memory_space<hbm>>) dst(%arg5 : memref<200x128xf32, #tpu.memory_space<vmem>>)
      %dma_wait3A_467 = arith.constant 0 : i32
      %dma_wait3A_468 = arith.constant 0 : i32
      %dma_wait3A_469 = arith.constant 0 : i32
      %dma_wait3A_470 = tpu.memref_slice %arg3[%dma_wait3A_467, %dma_wait3A_468, %dma_wait3A_469] : memref<4096x200x64xf32, #tpu.memory_space<hbm>> -> memref<1x200x64xf32, #tpu.memory_space<hbm>>
      %dma_wait3A_471 = tpu.memref_squeeze %dma_wait3A_470 : memref<1x200x64xf32, #tpu.memory_space<hbm>> -> memref<200x64xf32, #tpu.memory_space<hbm>>
      %dma_wait3A_472 = arith.constant 0 : i32
      %dma_wait3A_473 = arith.constant 0 : i32
      %dma_wait3A_474 = tpu.memref_slice %arg3[%dma_wait3A_467, %dma_wait3A_472, %dma_wait3A_473] : memref<4096x200x64xf32, #tpu.memory_space<hbm>> -> memref<1x200x64xf32, #tpu.memory_space<hbm>>
      %dma_wait3A_475 = tpu.memref_squeeze %dma_wait3A_474 : memref<1x200x64xf32, #tpu.memory_space<hbm>> -> memref<200x64xf32, #tpu.memory_space<hbm>>
      tpu.wait_dma2 semaphore(%arg13 : memref<!tpu.dma_semaphore, #tpu.memory_space<semaphore_mem>>) src(%arg8 : memref<200x64xf32, #tpu.memory_space<vmem>>) dst(%dma_wait3A_475 : memref<200x64xf32, #tpu.memory_space<hbm>>)
      %parallel_loop3A_476 = arith.constant 0 : i32
      %parallel_loop3A_477 = arith.constant 200 : i32
      %parallel_loop3A_478 = arith.constant 1 : i32
      scf.for %parallel_loop3A_656 = %parallel_loop3A_476 to %parallel_loop3A_477 step %parallel_loop3A_478  : i32 {
        %parallel_loop3A_657 = vector.broadcast %parallel_loop3A_656 : i32 to vector<16xi32>
        %parallel_loop3A_658 = tpu.vector_load_idx %arg5[%parallel_loop3A_657, %add3A_6] : memref<200x128xf32, #tpu.memory_space<vmem>>[vector<16xi32>, vector<16xi32>], vector<16xf32>,
        %parallel_loop3A_659 = arith.index_cast %parallel_loop3A_656 : i32 to index
        %parallel_loop3A_660 = arith.constant 0 : index
        %parallel_loop3A_661 = tpu.vector_load %arg8[%parallel_loop3A_659, %parallel_loop3A_660] {strides = array<i32>} : memref<200x64xf32, #tpu.memory_space<vmem>>, vector<16xf32>,
        tpu.vector_store %arg8[%parallel_loop3A_659, %parallel_loop3A_660], %parallel_loop3A_658 {strides = array<i32>} : memref<200x64xf32, #tpu.memory_space<vmem>>, vector<16xf32>,
        %parallel_loop3A_662 = tpu.vector_load_idx %arg5[%parallel_loop3A_657, %add3A_9] : memref<200x128xf32, #tpu.memory_space<vmem>>[vector<16xi32>, vector<16xi32>], vector<16xf32>,
        %parallel_loop3A_663 = arith.index_cast %parallel_loop3A_656 : i32 to index
        %parallel_loop3A_664 = arith.constant 16 : index
        %parallel_loop3A_665 = tpu.vector_load %arg8[%parallel_loop3A_663, %parallel_loop3A_664] {strides = array<i32>} : memref<200x64xf32, #tpu.memory_space<vmem>>, vector<16xf32>,
        tpu.vector_store %arg8[%parallel_loop3A_663, %parallel_loop3A_664], %parallel_loop3A_662 {strides = array<i32>} : memref<200x64xf32, #tpu.memory_space<vmem>>, vector<16xf32>,
        %parallel_loop3A_666 = tpu.vector_load_idx %arg5[%parallel_loop3A_657, %add3A_12] : memref<200x128xf32, #tpu.memory_space<vmem>>[vector<16xi32>, vector<16xi32>], vector<16xf32>,
        %parallel_loop3A_667 = arith.index_cast %parallel_loop3A_656 : i32 to index
        %parallel_loop3A_668 = arith.constant 32 : index
        %parallel_loop3A_669 = tpu.vector_load %arg8[%parallel_loop3A_667, %parallel_loop3A_668] {strides = array<i32>} : memref<200x64xf32, #tpu.memory_space<vmem>>, vector<16xf32>,
        tpu.vector_store %arg8[%parallel_loop3A_667, %parallel_loop3A_668], %parallel_loop3A_666 {strides = array<i32>} : memref<200x64xf32, #tpu.memory_space<vmem>>, vector<16xf32>,
        %parallel_loop3A_670 = tpu.vector_load_idx %arg5[%parallel_loop3A_657, %add3A_15] : memref<200x128xf32, #tpu.memory_space<vmem>>[vector<16xi32>, vector<16xi32>], vector<16xf32>,
        %parallel_loop3A_671 = arith.index_cast %parallel_loop3A_656 : i32 to index
        %parallel_loop3A_672 = arith.constant 48 : index
        %parallel_loop3A_673 = tpu.vector_load %arg8[%parallel_loop3A_671, %parallel_loop3A_672] {strides = array<i32>} : memref<200x64xf32, #tpu.memory_space<vmem>>, vector<16xf32>,
        tpu.vector_store %arg8[%parallel_loop3A_671, %parallel_loop3A_672], %parallel_loop3A_670 {strides = array<i32>} : memref<200x64xf32, #tpu.memory_space<vmem>>, vector<16xf32>,
      } {sc.loop_unroll_factor = 8 : i64, sc.parallel_access}
      %mul3A_479 = arith.constant 32 : i32
      %mul3A_480 = arith.muli %add3A_457, %mul3A_479 : i32
      %add3A_481 = arith.addi %mul3A_480, %add3A : i32
      %dma_start3A_482 = arith.constant 0 : i32
      %dma_start3A_483 = arith.constant 0 : i32
      %dma_start3A_484 = tpu.memref_slice %arg3[%add3A_481, %dma_start3A_482, %dma_start3A_483] : memref<4096x200x64xf32, #tpu.memory_space<hbm>> -> memref<1x200x64xf32, #tpu.memory_space<hbm>>
      %dma_start3A_485 = tpu.memref_squeeze %dma_start3A_484 : memref<1x200x64xf32, #tpu.memory_space<hbm>> -> memref<200x64xf32, #tpu.memory_space<hbm>>
      %dma_start3A_486 = arith.constant 0 : i32
      %dma_start3A_487 = arith.constant 0 : i32
      %dma_start3A_488 = tpu.memref_slice %arg3[%add3A_481, %dma_start3A_486, %dma_start3A_487] : memref<4096x200x64xf32, #tpu.memory_space<hbm>> -> memref<1x200x64xf32, #tpu.memory_space<hbm>>
      %dma_start3A_489 = tpu.memref_squeeze %dma_start3A_488 : memref<1x200x64xf32, #tpu.memory_space<hbm>> -> memref<200x64xf32, #tpu.memory_space<hbm>>
      tpu.enqueue_dma source(%arg8 : memref<200x64xf32, #tpu.memory_space<vmem>>) target(%dma_start3A_489 : memref<200x64xf32, #tpu.memory_space<hbm>>) target_semaphore(%arg13 : memref<!tpu.dma_semaphore, #tpu.memory_space<semaphore_mem>>)
      %add3A_490 = arith.constant 2 : i32
      %add3A_491 = arith.addi %add3A_457, %add3A_490 : i32
      %mul3A_492 = arith.constant 32 : i32
      %mul3A_493 = arith.muli %add3A_491, %mul3A_492 : i32
      %add3A_494 = arith.addi %mul3A_493, %add3A : i32
      %dma_start3A_495 = arith.constant 0 : i32
      %dma_start3A_496 = arith.constant 0 : i32
      %dma_start3A_497 = tpu.memref_slice %arg2[%add3A_494, %dma_start3A_495, %dma_start3A_496] : memref<4096x200x128xf32, #tpu.memory_space<hbm>> -> memref<1x200x128xf32, #tpu.memory_space<hbm>>
      %dma_start3A_498 = tpu.memref_squeeze %dma_start3A_497 : memref<1x200x128xf32, #tpu.memory_space<hbm>> -> memref<200x128xf32, #tpu.memory_space<hbm>>
      %dma_start3A_499 = arith.constant 0 : i32
      %dma_start3A_500 = arith.constant 0 : i32
      %dma_start3A_501 = tpu.memref_slice %arg2[%add3A_494, %dma_start3A_499, %dma_start3A_500] : memref<4096x200x128xf32, #tpu.memory_space<hbm>> -> memref<1x200x128xf32, #tpu.memory_space<hbm>>
      %dma_start3A_502 = tpu.memref_squeeze %dma_start3A_501 : memref<1x200x128xf32, #tpu.memory_space<hbm>> -> memref<200x128xf32, #tpu.memory_space<hbm>>
      tpu.enqueue_dma source(%dma_start3A_502 : memref<200x128xf32, #tpu.memory_space<hbm>>) target(%arg5 : memref<200x128xf32, #tpu.memory_space<vmem>>) target_semaphore(%arg10 : memref<!tpu.dma_semaphore, #tpu.memory_space<semaphore_mem>>)
      %mul3A_503 = arith.constant 6 : i32
      %mul3A_504 = arith.muli %mul3A_503, %add3A_349 : i32
      %add3A_505 = arith.constant 3 : i32
      %add3A_506 = arith.addi %add3A_505, %mul3A_504 : i32
      %add3A_507 = arith.constant 3 : i32
      %add3A_508 = arith.addi %add3A_506, %add3A_507 : i32
      %dma_wait3A_509 = arith.constant 0 : i32
      %dma_wait3A_510 = arith.constant 0 : i32
      %dma_wait3A_511 = arith.constant 0 : i32
      %dma_wait3A_512 = tpu.memref_slice %arg2[%dma_wait3A_509, %dma_wait3A_510, %dma_wait3A_511] : memref<4096x200x128xf32, #tpu.memory_space<hbm>> -> memref<1x200x128xf32, #tpu.memory_space<hbm>>
      %dma_wait3A_513 = tpu.memref_squeeze %dma_wait3A_512 : memref<1x200x128xf32, #tpu.memory_space<hbm>> -> memref<200x128xf32, #tpu.memory_space<hbm>>
      %dma_wait3A_514 = arith.constant 0 : i32
      %dma_wait3A_515 = arith.constant 0 : i32
      %dma_wait3A_516 = tpu.memref_slice %arg2[%dma_wait3A_509, %dma_wait3A_514, %dma_wait3A_515] : memref<4096x200x128xf32, #tpu.memory_space<hbm>> -> memref<1x200x128xf32, #tpu.memory_space<hbm>>
      %dma_wait3A_517 = tpu.memref_squeeze %dma_wait3A_516 : memref<1x200x128xf32, #tpu.memory_space<hbm>> -> memref<200x128xf32, #tpu.memory_space<hbm>>
      tpu.wait_dma2 semaphore(%arg9 : memref<!tpu.dma_semaphore, #tpu.memory_space<semaphore_mem>>) src(%dma_wait3A_517 : memref<200x128xf32, #tpu.memory_space<hbm>>) dst(%arg4 : memref<200x128xf32, #tpu.memory_space<vmem>>)
      %dma_wait3A_518 = arith.constant 0 : i32
      %dma_wait3A_519 = arith.constant 0 : i32
      %dma_wait3A_520 = arith.constant 0 : i32
      %dma_wait3A_521 = tpu.memref_slice %arg3[%dma_wait3A_518, %dma_wait3A_519, %dma_wait3A_520] : memref<4096x200x64xf32, #tpu.memory_space<hbm>> -> memref<1x200x64xf32, #tpu.memory_space<hbm>>
      %dma_wait3A_522 = tpu.memref_squeeze %dma_wait3A_521 : memref<1x200x64xf32, #tpu.memory_space<hbm>> -> memref<200x64xf32, #tpu.memory_space<hbm>>
      %dma_wait3A_523 = arith.constant 0 : i32
      %dma_wait3A_524 = arith.constant 0 : i32
      %dma_wait3A_525 = tpu.memref_slice %arg3[%dma_wait3A_518, %dma_wait3A_523, %dma_wait3A_524] : memref<4096x200x64xf32, #tpu.memory_space<hbm>> -> memref<1x200x64xf32, #tpu.memory_space<hbm>>
      %dma_wait3A_526 = tpu.memref_squeeze %dma_wait3A_525 : memref<1x200x64xf32, #tpu.memory_space<hbm>> -> memref<200x64xf32, #tpu.memory_space<hbm>>
      tpu.wait_dma2 semaphore(%arg11 : memref<!tpu.dma_semaphore, #tpu.memory_space<semaphore_mem>>) src(%arg6 : memref<200x64xf32, #tpu.memory_space<vmem>>) dst(%dma_wait3A_526 : memref<200x64xf32, #tpu.memory_space<hbm>>)
      %parallel_loop3A_527 = arith.constant 0 : i32
      %parallel_loop3A_528 = arith.constant 200 : i32
      %parallel_loop3A_529 = arith.constant 1 : i32
      scf.for %parallel_loop3A_656 = %parallel_loop3A_527 to %parallel_loop3A_528 step %parallel_loop3A_529  : i32 {
        %parallel_loop3A_657 = vector.broadcast %parallel_loop3A_656 : i32 to vector<16xi32>
        %parallel_loop3A_658 = tpu.vector_load_idx %arg4[%parallel_loop3A_657, %add3A_6] : memref<200x128xf32, #tpu.memory_space<vmem>>[vector<16xi32>, vector<16xi32>], vector<16xf32>,
        %parallel_loop3A_659 = arith.index_cast %parallel_loop3A_656 : i32 to index
        %parallel_loop3A_660 = arith.constant 0 : index
        %parallel_loop3A_661 = tpu.vector_load %arg6[%parallel_loop3A_659, %parallel_loop3A_660] {strides = array<i32>} : memref<200x64xf32, #tpu.memory_space<vmem>>, vector<16xf32>,
        tpu.vector_store %arg6[%parallel_loop3A_659, %parallel_loop3A_660], %parallel_loop3A_658 {strides = array<i32>} : memref<200x64xf32, #tpu.memory_space<vmem>>, vector<16xf32>,
        %parallel_loop3A_662 = tpu.vector_load_idx %arg4[%parallel_loop3A_657, %add3A_9] : memref<200x128xf32, #tpu.memory_space<vmem>>[vector<16xi32>, vector<16xi32>], vector<16xf32>,
        %parallel_loop3A_663 = arith.index_cast %parallel_loop3A_656 : i32 to index
        %parallel_loop3A_664 = arith.constant 16 : index
        %parallel_loop3A_665 = tpu.vector_load %arg6[%parallel_loop3A_663, %parallel_loop3A_664] {strides = array<i32>} : memref<200x64xf32, #tpu.memory_space<vmem>>, vector<16xf32>,
        tpu.vector_store %arg6[%parallel_loop3A_663, %parallel_loop3A_664], %parallel_loop3A_662 {strides = array<i32>} : memref<200x64xf32, #tpu.memory_space<vmem>>, vector<16xf32>,
        %parallel_loop3A_666 = tpu.vector_load_idx %arg4[%parallel_loop3A_657, %add3A_12] : memref<200x128xf32, #tpu.memory_space<vmem>>[vector<16xi32>, vector<16xi32>], vector<16xf32>,
        %parallel_loop3A_667 = arith.index_cast %parallel_loop3A_656 : i32 to index
        %parallel_loop3A_668 = arith.constant 32 : index
        %parallel_loop3A_669 = tpu.vector_load %arg6[%parallel_loop3A_667, %parallel_loop3A_668] {strides = array<i32>} : memref<200x64xf32, #tpu.memory_space<vmem>>, vector<16xf32>,
        tpu.vector_store %arg6[%parallel_loop3A_667, %parallel_loop3A_668], %parallel_loop3A_666 {strides = array<i32>} : memref<200x64xf32, #tpu.memory_space<vmem>>, vector<16xf32>,
        %parallel_loop3A_670 = tpu.vector_load_idx %arg4[%parallel_loop3A_657, %add3A_15] : memref<200x128xf32, #tpu.memory_space<vmem>>[vector<16xi32>, vector<16xi32>], vector<16xf32>,
        %parallel_loop3A_671 = arith.index_cast %parallel_loop3A_656 : i32 to index
        %parallel_loop3A_672 = arith.constant 48 : index
        %parallel_loop3A_673 = tpu.vector_load %arg6[%parallel_loop3A_671, %parallel_loop3A_672] {strides = array<i32>} : memref<200x64xf32, #tpu.memory_space<vmem>>, vector<16xf32>,
        tpu.vector_store %arg6[%parallel_loop3A_671, %parallel_loop3A_672], %parallel_loop3A_670 {strides = array<i32>} : memref<200x64xf32, #tpu.memory_space<vmem>>, vector<16xf32>,
      } {sc.loop_unroll_factor = 8 : i64, sc.parallel_access}
      %mul3A_530 = arith.constant 32 : i32
      %mul3A_531 = arith.muli %add3A_508, %mul3A_530 : i32
      %add3A_532 = arith.addi %mul3A_531, %add3A : i32
      %dma_start3A_533 = arith.constant 0 : i32
      %dma_start3A_534 = arith.constant 0 : i32
      %dma_start3A_535 = tpu.memref_slice %arg3[%add3A_532, %dma_start3A_533, %dma_start3A_534] : memref<4096x200x64xf32, #tpu.memory_space<hbm>> -> memref<1x200x64xf32, #tpu.memory_space<hbm>>
      %dma_start3A_536 = tpu.memref_squeeze %dma_start3A_535 : memref<1x200x64xf32, #tpu.memory_space<hbm>> -> memref<200x64xf32, #tpu.memory_space<hbm>>
      %dma_start3A_537 = arith.constant 0 : i32
      %dma_start3A_538 = arith.constant 0 : i32
      %dma_start3A_539 = tpu.memref_slice %arg3[%add3A_532, %dma_start3A_537, %dma_start3A_538] : memref<4096x200x64xf32, #tpu.memory_space<hbm>> -> memref<1x200x64xf32, #tpu.memory_space<hbm>>
      %dma_start3A_540 = tpu.memref_squeeze %dma_start3A_539 : memref<1x200x64xf32, #tpu.memory_space<hbm>> -> memref<200x64xf32, #tpu.memory_space<hbm>>
      tpu.enqueue_dma source(%arg6 : memref<200x64xf32, #tpu.memory_space<vmem>>) target(%dma_start3A_540 : memref<200x64xf32, #tpu.memory_space<hbm>>) target_semaphore(%arg11 : memref<!tpu.dma_semaphore, #tpu.memory_space<semaphore_mem>>)
      %add3A_541 = arith.constant 2 : i32
      %add3A_542 = arith.addi %add3A_508, %add3A_541 : i32
      %mul3A_543 = arith.constant 32 : i32
      %mul3A_544 = arith.muli %add3A_542, %mul3A_543 : i32
      %add3A_545 = arith.addi %mul3A_544, %add3A : i32
      %dma_start3A_546 = arith.constant 0 : i32
      %dma_start3A_547 = arith.constant 0 : i32
      %dma_start3A_548 = tpu.memref_slice %arg2[%add3A_545, %dma_start3A_546, %dma_start3A_547] : memref<4096x200x128xf32, #tpu.memory_space<hbm>> -> memref<1x200x128xf32, #tpu.memory_space<hbm>>
      %dma_start3A_549 = tpu.memref_squeeze %dma_start3A_548 : memref<1x200x128xf32, #tpu.memory_space<hbm>> -> memref<200x128xf32, #tpu.memory_space<hbm>>
      %dma_start3A_550 = arith.constant 0 : i32
      %dma_start3A_551 = arith.constant 0 : i32
      %dma_start3A_552 = tpu.memref_slice %arg2[%add3A_545, %dma_start3A_550, %dma_start3A_551] : memref<4096x200x128xf32, #tpu.memory_space<hbm>> -> memref<1x200x128xf32, #tpu.memory_space<hbm>>
      %dma_start3A_553 = tpu.memref_squeeze %dma_start3A_552 : memref<1x200x128xf32, #tpu.memory_space<hbm>> -> memref<200x128xf32, #tpu.memory_space<hbm>>
      tpu.enqueue_dma source(%dma_start3A_553 : memref<200x128xf32, #tpu.memory_space<hbm>>) target(%arg4 : memref<200x128xf32, #tpu.memory_space<vmem>>) target_semaphore(%arg9 : memref<!tpu.dma_semaphore, #tpu.memory_space<semaphore_mem>>)
      %mul3A_554 = arith.constant 6 : i32
      %mul3A_555 = arith.muli %mul3A_554, %add3A_349 : i32
      %add3A_556 = arith.constant 3 : i32
      %add3A_557 = arith.addi %add3A_556, %mul3A_555 : i32
      %add3A_558 = arith.constant 4 : i32
      %add3A_559 = arith.addi %add3A_557, %add3A_558 : i32
      %dma_wait3A_560 = arith.constant 0 : i32
      %dma_wait3A_561 = arith.constant 0 : i32
      %dma_wait3A_562 = arith.constant 0 : i32
      %dma_wait3A_563 = tpu.memref_slice %arg2[%dma_wait3A_560, %dma_wait3A_561, %dma_wait3A_562] : memref<4096x200x128xf32, #tpu.memory_space<hbm>> -> memref<1x200x128xf32, #tpu.memory_space<hbm>>
      %dma_wait3A_564 = tpu.memref_squeeze %dma_wait3A_563 : memref<1x200x128xf32, #tpu.memory_space<hbm>> -> memref<200x128xf32, #tpu.memory_space<hbm>>
      %dma_wait3A_565 = arith.constant 0 : i32
      %dma_wait3A_566 = arith.constant 0 : i32
      %dma_wait3A_567 = tpu.memref_slice %arg2[%dma_wait3A_560, %dma_wait3A_565, %dma_wait3A_566] : memref<4096x200x128xf32, #tpu.memory_space<hbm>> -> memref<1x200x128xf32, #tpu.memory_space<hbm>>
      %dma_wait3A_568 = tpu.memref_squeeze %dma_wait3A_567 : memref<1x200x128xf32, #tpu.memory_space<hbm>> -> memref<200x128xf32, #tpu.memory_space<hbm>>
      tpu.wait_dma2 semaphore(%arg10 : memref<!tpu.dma_semaphore, #tpu.memory_space<semaphore_mem>>) src(%dma_wait3A_568 : memref<200x128xf32, #tpu.memory_space<hbm>>) dst(%arg5 : memref<200x128xf32, #tpu.memory_space<vmem>>)
      %dma_wait3A_569 = arith.constant 0 : i32
      %dma_wait3A_570 = arith.constant 0 : i32
      %dma_wait3A_571 = arith.constant 0 : i32
      %dma_wait3A_572 = tpu.memref_slice %arg3[%dma_wait3A_569, %dma_wait3A_570, %dma_wait3A_571] : memref<4096x200x64xf32, #tpu.memory_space<hbm>> -> memref<1x200x64xf32, #tpu.memory_space<hbm>>
      %dma_wait3A_573 = tpu.memref_squeeze %dma_wait3A_572 : memref<1x200x64xf32, #tpu.memory_space<hbm>> -> memref<200x64xf32, #tpu.memory_space<hbm>>
      %dma_wait3A_574 = arith.constant 0 : i32
      %dma_wait3A_575 = arith.constant 0 : i32
      %dma_wait3A_576 = tpu.memref_slice %arg3[%dma_wait3A_569, %dma_wait3A_574, %dma_wait3A_575] : memref<4096x200x64xf32, #tpu.memory_space<hbm>> -> memref<1x200x64xf32, #tpu.memory_space<hbm>>
      %dma_wait3A_577 = tpu.memref_squeeze %dma_wait3A_576 : memref<1x200x64xf32, #tpu.memory_space<hbm>> -> memref<200x64xf32, #tpu.memory_space<hbm>>
      tpu.wait_dma2 semaphore(%arg12 : memref<!tpu.dma_semaphore, #tpu.memory_space<semaphore_mem>>) src(%arg7 : memref<200x64xf32, #tpu.memory_space<vmem>>) dst(%dma_wait3A_577 : memref<200x64xf32, #tpu.memory_space<hbm>>)
      %parallel_loop3A_578 = arith.constant 0 : i32
      %parallel_loop3A_579 = arith.constant 200 : i32
      %parallel_loop3A_580 = arith.constant 1 : i32
      scf.for %parallel_loop3A_656 = %parallel_loop3A_578 to %parallel_loop3A_579 step %parallel_loop3A_580  : i32 {
        %parallel_loop3A_657 = vector.broadcast %parallel_loop3A_656 : i32 to vector<16xi32>
        %parallel_loop3A_658 = tpu.vector_load_idx %arg5[%parallel_loop3A_657, %add3A_6] : memref<200x128xf32, #tpu.memory_space<vmem>>[vector<16xi32>, vector<16xi32>], vector<16xf32>,
        %parallel_loop3A_659 = arith.index_cast %parallel_loop3A_656 : i32 to index
        %parallel_loop3A_660 = arith.constant 0 : index
        %parallel_loop3A_661 = tpu.vector_load %arg7[%parallel_loop3A_659, %parallel_loop3A_660] {strides = array<i32>} : memref<200x64xf32, #tpu.memory_space<vmem>>, vector<16xf32>,
        tpu.vector_store %arg7[%parallel_loop3A_659, %parallel_loop3A_660], %parallel_loop3A_658 {strides = array<i32>} : memref<200x64xf32, #tpu.memory_space<vmem>>, vector<16xf32>,
        %parallel_loop3A_662 = tpu.vector_load_idx %arg5[%parallel_loop3A_657, %add3A_9] : memref<200x128xf32, #tpu.memory_space<vmem>>[vector<16xi32>, vector<16xi32>], vector<16xf32>,
        %parallel_loop3A_663 = arith.index_cast %parallel_loop3A_656 : i32 to index
        %parallel_loop3A_664 = arith.constant 16 : index
        %parallel_loop3A_665 = tpu.vector_load %arg7[%parallel_loop3A_663, %parallel_loop3A_664] {strides = array<i32>} : memref<200x64xf32, #tpu.memory_space<vmem>>, vector<16xf32>,
        tpu.vector_store %arg7[%parallel_loop3A_663, %parallel_loop3A_664], %parallel_loop3A_662 {strides = array<i32>} : memref<200x64xf32, #tpu.memory_space<vmem>>, vector<16xf32>,
        %parallel_loop3A_666 = tpu.vector_load_idx %arg5[%parallel_loop3A_657, %add3A_12] : memref<200x128xf32, #tpu.memory_space<vmem>>[vector<16xi32>, vector<16xi32>], vector<16xf32>,
        %parallel_loop3A_667 = arith.index_cast %parallel_loop3A_656 : i32 to index
        %parallel_loop3A_668 = arith.constant 32 : index
        %parallel_loop3A_669 = tpu.vector_load %arg7[%parallel_loop3A_667, %parallel_loop3A_668] {strides = array<i32>} : memref<200x64xf32, #tpu.memory_space<vmem>>, vector<16xf32>,
        tpu.vector_store %arg7[%parallel_loop3A_667, %parallel_loop3A_668], %parallel_loop3A_666 {strides = array<i32>} : memref<200x64xf32, #tpu.memory_space<vmem>>, vector<16xf32>,
        %parallel_loop3A_670 = tpu.vector_load_idx %arg5[%parallel_loop3A_657, %add3A_15] : memref<200x128xf32, #tpu.memory_space<vmem>>[vector<16xi32>, vector<16xi32>], vector<16xf32>,
        %parallel_loop3A_671 = arith.index_cast %parallel_loop3A_656 : i32 to index
        %parallel_loop3A_672 = arith.constant 48 : index
        %parallel_loop3A_673 = tpu.vector_load %arg7[%parallel_loop3A_671, %parallel_loop3A_672] {strides = array<i32>} : memref<200x64xf32, #tpu.memory_space<vmem>>, vector<16xf32>,
        tpu.vector_store %arg7[%parallel_loop3A_671, %parallel_loop3A_672], %parallel_loop3A_670 {strides = array<i32>} : memref<200x64xf32, #tpu.memory_space<vmem>>, vector<16xf32>,
      } {sc.loop_unroll_factor = 8 : i64, sc.parallel_access}
      %mul3A_581 = arith.constant 32 : i32
      %mul3A_582 = arith.muli %add3A_559, %mul3A_581 : i32
      %add3A_583 = arith.addi %mul3A_582, %add3A : i32
      %dma_start3A_584 = arith.constant 0 : i32
      %dma_start3A_585 = arith.constant 0 : i32
      %dma_start3A_586 = tpu.memref_slice %arg3[%add3A_583, %dma_start3A_584, %dma_start3A_585] : memref<4096x200x64xf32, #tpu.memory_space<hbm>> -> memref<1x200x64xf32, #tpu.memory_space<hbm>>
      %dma_start3A_587 = tpu.memref_squeeze %dma_start3A_586 : memref<1x200x64xf32, #tpu.memory_space<hbm>> -> memref<200x64xf32, #tpu.memory_space<hbm>>
      %dma_start3A_588 = arith.constant 0 : i32
      %dma_start3A_589 = arith.constant 0 : i32
      %dma_start3A_590 = tpu.memref_slice %arg3[%add3A_583, %dma_start3A_588, %dma_start3A_589] : memref<4096x200x64xf32, #tpu.memory_space<hbm>> -> memref<1x200x64xf32, #tpu.memory_space<hbm>>
      %dma_start3A_591 = tpu.memref_squeeze %dma_start3A_590 : memref<1x200x64xf32, #tpu.memory_space<hbm>> -> memref<200x64xf32, #tpu.memory_space<hbm>>
      tpu.enqueue_dma source(%arg7 : memref<200x64xf32, #tpu.memory_space<vmem>>) target(%dma_start3A_591 : memref<200x64xf32, #tpu.memory_space<hbm>>) target_semaphore(%arg12 : memref<!tpu.dma_semaphore, #tpu.memory_space<semaphore_mem>>)
      %add3A_592 = arith.constant 2 : i32
      %add3A_593 = arith.addi %add3A_559, %add3A_592 : i32
      %mul3A_594 = arith.constant 32 : i32
      %mul3A_595 = arith.muli %add3A_593, %mul3A_594 : i32
      %add3A_596 = arith.addi %mul3A_595, %add3A : i32
      %dma_start3A_597 = arith.constant 0 : i32
      %dma_start3A_598 = arith.constant 0 : i32
      %dma_start3A_599 = tpu.memref_slice %arg2[%add3A_596, %dma_start3A_597, %dma_start3A_598] : memref<4096x200x128xf32, #tpu.memory_space<hbm>> -> memref<1x200x128xf32, #tpu.memory_space<hbm>>
      %dma_start3A_600 = tpu.memref_squeeze %dma_start3A_599 : memref<1x200x128xf32, #tpu.memory_space<hbm>> -> memref<200x128xf32, #tpu.memory_space<hbm>>
      %dma_start3A_601 = arith.constant 0 : i32
      %dma_start3A_602 = arith.constant 0 : i32
      %dma_start3A_603 = tpu.memref_slice %arg2[%add3A_596, %dma_start3A_601, %dma_start3A_602] : memref<4096x200x128xf32, #tpu.memory_space<hbm>> -> memref<1x200x128xf32, #tpu.memory_space<hbm>>
      %dma_start3A_604 = tpu.memref_squeeze %dma_start3A_603 : memref<1x200x128xf32, #tpu.memory_space<hbm>> -> memref<200x128xf32, #tpu.memory_space<hbm>>
      tpu.enqueue_dma source(%dma_start3A_604 : memref<200x128xf32, #tpu.memory_space<hbm>>) target(%arg5 : memref<200x128xf32, #tpu.memory_space<vmem>>) target_semaphore(%arg10 : memref<!tpu.dma_semaphore, #tpu.memory_space<semaphore_mem>>)
      %mul3A_605 = arith.constant 6 : i32
      %mul3A_606 = arith.muli %mul3A_605, %add3A_349 : i32
      %add3A_607 = arith.constant 3 : i32
      %add3A_608 = arith.addi %add3A_607, %mul3A_606 : i32
      %add3A_609 = arith.constant 5 : i32
      %add3A_610 = arith.addi %add3A_608, %add3A_609 : i32
      %dma_wait3A_611 = arith.constant 0 : i32
      %dma_wait3A_612 = arith.constant 0 : i32
      %dma_wait3A_613 = arith.constant 0 : i32
      %dma_wait3A_614 = tpu.memref_slice %arg2[%dma_wait3A_611, %dma_wait3A_612, %dma_wait3A_613] : memref<4096x200x128xf32, #tpu.memory_space<hbm>> -> memref<1x200x128xf32, #tpu.memory_space<hbm>>
      %dma_wait3A_615 = tpu.memref_squeeze %dma_wait3A_614 : memref<1x200x128xf32, #tpu.memory_space<hbm>> -> memref<200x128xf32, #tpu.memory_space<hbm>>
      %dma_wait3A_616 = arith.constant 0 : i32
      %dma_wait3A_617 = arith.constant 0 : i32
      %dma_wait3A_618 = tpu.memref_slice %arg2[%dma_wait3A_611, %dma_wait3A_616, %dma_wait3A_617] : memref<4096x200x128xf32, #tpu.memory_space<hbm>> -> memref<1x200x128xf32, #tpu.memory_space<hbm>>
      %dma_wait3A_619 = tpu.memref_squeeze %dma_wait3A_618 : memref<1x200x128xf32, #tpu.memory_space<hbm>> -> memref<200x128xf32, #tpu.memory_space<hbm>>
      tpu.wait_dma2 semaphore(%arg9 : memref<!tpu.dma_semaphore, #tpu.memory_space<semaphore_mem>>) src(%dma_wait3A_619 : memref<200x128xf32, #tpu.memory_space<hbm>>) dst(%arg4 : memref<200x128xf32, #tpu.memory_space<vmem>>)
      %dma_wait3A_620 = arith.constant 0 : i32
      %dma_wait3A_621 = arith.constant 0 : i32
      %dma_wait3A_622 = arith.constant 0 : i32
      %dma_wait3A_623 = tpu.memref_slice %arg3[%dma_wait3A_620, %dma_wait3A_621, %dma_wait3A_622] : memref<4096x200x64xf32, #tpu.memory_space<hbm>> -> memref<1x200x64xf32, #tpu.memory_space<hbm>>
      %dma_wait3A_624 = tpu.memref_squeeze %dma_wait3A_623 : memref<1x200x64xf32, #tpu.memory_space<hbm>> -> memref<200x64xf32, #tpu.memory_space<hbm>>
      %dma_wait3A_625 = arith.constant 0 : i32
      %dma_wait3A_626 = arith.constant 0 : i32
      %dma_wait3A_627 = tpu.memref_slice %arg3[%dma_wait3A_620, %dma_wait3A_625, %dma_wait3A_626] : memref<4096x200x64xf32, #tpu.memory_space<hbm>> -> memref<1x200x64xf32, #tpu.memory_space<hbm>>
      %dma_wait3A_628 = tpu.memref_squeeze %dma_wait3A_627 : memref<1x200x64xf32, #tpu.memory_space<hbm>> -> memref<200x64xf32, #tpu.memory_space<hbm>>
      tpu.wait_dma2 semaphore(%arg13 : memref<!tpu.dma_semaphore, #tpu.memory_space<semaphore_mem>>) src(%arg8 : memref<200x64xf32, #tpu.memory_space<vmem>>) dst(%dma_wait3A_628 : memref<200x64xf32, #tpu.memory_space<hbm>>)
      %parallel_loop3A_629 = arith.constant 0 : i32
      %parallel_loop3A_630 = arith.constant 200 : i32
      %parallel_loop3A_631 = arith.constant 1 : i32
      scf.for %parallel_loop3A_656 = %parallel_loop3A_629 to %parallel_loop3A_630 step %parallel_loop3A_631  : i32 {
        %parallel_loop3A_657 = vector.broadcast %parallel_loop3A_656 : i32 to vector<16xi32>
        %parallel_loop3A_658 = tpu.vector_load_idx %arg4[%parallel_loop3A_657, %add3A_6] : memref<200x128xf32, #tpu.memory_space<vmem>>[vector<16xi32>, vector<16xi32>], vector<16xf32>,
        %parallel_loop3A_659 = arith.index_cast %parallel_loop3A_656 : i32 to index
        %parallel_loop3A_660 = arith.constant 0 : index
        %parallel_loop3A_661 = tpu.vector_load %arg8[%parallel_loop3A_659, %parallel_loop3A_660] {strides = array<i32>} : memref<200x64xf32, #tpu.memory_space<vmem>>, vector<16xf32>,
        tpu.vector_store %arg8[%parallel_loop3A_659, %parallel_loop3A_660], %parallel_loop3A_658 {strides = array<i32>} : memref<200x64xf32, #tpu.memory_space<vmem>>, vector<16xf32>,
        %parallel_loop3A_662 = tpu.vector_load_idx %arg4[%parallel_loop3A_657, %add3A_9] : memref<200x128xf32, #tpu.memory_space<vmem>>[vector<16xi32>, vector<16xi32>], vector<16xf32>,
        %parallel_loop3A_663 = arith.index_cast %parallel_loop3A_656 : i32 to index
        %parallel_loop3A_664 = arith.constant 16 : index
        %parallel_loop3A_665 = tpu.vector_load %arg8[%parallel_loop3A_663, %parallel_loop3A_664] {strides = array<i32>} : memref<200x64xf32, #tpu.memory_space<vmem>>, vector<16xf32>,
        tpu.vector_store %arg8[%parallel_loop3A_663, %parallel_loop3A_664], %parallel_loop3A_662 {strides = array<i32>} : memref<200x64xf32, #tpu.memory_space<vmem>>, vector<16xf32>,
        %parallel_loop3A_666 = tpu.vector_load_idx %arg4[%parallel_loop3A_657, %add3A_12] : memref<200x128xf32, #tpu.memory_space<vmem>>[vector<16xi32>, vector<16xi32>], vector<16xf32>,
        %parallel_loop3A_667 = arith.index_cast %parallel_loop3A_656 : i32 to index
        %parallel_loop3A_668 = arith.constant 32 : index
        %parallel_loop3A_669 = tpu.vector_load %arg8[%parallel_loop3A_667, %parallel_loop3A_668] {strides = array<i32>} : memref<200x64xf32, #tpu.memory_space<vmem>>, vector<16xf32>,
        tpu.vector_store %arg8[%parallel_loop3A_667, %parallel_loop3A_668], %parallel_loop3A_666 {strides = array<i32>} : memref<200x64xf32, #tpu.memory_space<vmem>>, vector<16xf32>,
        %parallel_loop3A_670 = tpu.vector_load_idx %arg4[%parallel_loop3A_657, %add3A_15] : memref<200x128xf32, #tpu.memory_space<vmem>>[vector<16xi32>, vector<16xi32>], vector<16xf32>,
        %parallel_loop3A_671 = arith.index_cast %parallel_loop3A_656 : i32 to index
        %parallel_loop3A_672 = arith.constant 48 : index
        %parallel_loop3A_673 = tpu.vector_load %arg8[%parallel_loop3A_671, %parallel_loop3A_672] {strides = array<i32>} : memref<200x64xf32, #tpu.memory_space<vmem>>, vector<16xf32>,
        tpu.vector_store %arg8[%parallel_loop3A_671, %parallel_loop3A_672], %parallel_loop3A_670 {strides = array<i32>} : memref<200x64xf32, #tpu.memory_space<vmem>>, vector<16xf32>,
      } {sc.loop_unroll_factor = 8 : i64, sc.parallel_access}
      %mul3A_632 = arith.constant 32 : i32
      %mul3A_633 = arith.muli %add3A_610, %mul3A_632 : i32
      %add3A_634 = arith.addi %mul3A_633, %add3A : i32
      %dma_start3A_635 = arith.constant 0 : i32
      %dma_start3A_636 = arith.constant 0 : i32
      %dma_start3A_637 = tpu.memref_slice %arg3[%add3A_634, %dma_start3A_635, %dma_start3A_636] : memref<4096x200x64xf32, #tpu.memory_space<hbm>> -> memref<1x200x64xf32, #tpu.memory_space<hbm>>
      %dma_start3A_638 = tpu.memref_squeeze %dma_start3A_637 : memref<1x200x64xf32, #tpu.memory_space<hbm>> -> memref<200x64xf32, #tpu.memory_space<hbm>>
      %dma_start3A_639 = arith.constant 0 : i32
      %dma_start3A_640 = arith.constant 0 : i32
      %dma_start3A_641 = tpu.memref_slice %arg3[%add3A_634, %dma_start3A_639, %dma_start3A_640] : memref<4096x200x64xf32, #tpu.memory_space<hbm>> -> memref<1x200x64xf32, #tpu.memory_space<hbm>>
      %dma_start3A_642 = tpu.memref_squeeze %dma_start3A_641 : memref<1x200x64xf32, #tpu.memory_space<hbm>> -> memref<200x64xf32, #tpu.memory_space<hbm>>
      tpu.enqueue_dma source(%arg8 : memref<200x64xf32, #tpu.memory_space<vmem>>) target(%dma_start3A_642 : memref<200x64xf32, #tpu.memory_space<hbm>>) target_semaphore(%arg13 : memref<!tpu.dma_semaphore, #tpu.memory_space<semaphore_mem>>)
      %add3A_643 = arith.constant 2 : i32
      %add3A_644 = arith.addi %add3A_610, %add3A_643 : i32
      %mul3A_645 = arith.constant 32 : i32
      %mul3A_646 = arith.muli %add3A_644, %mul3A_645 : i32
      %add3A_647 = arith.addi %mul3A_646, %add3A : i32
      %dma_start3A_648 = arith.constant 0 : i32
      %dma_start3A_649 = arith.constant 0 : i32
      %dma_start3A_650 = tpu.memref_slice %arg2[%add3A_647, %dma_start3A_648, %dma_start3A_649] : memref<4096x200x128xf32, #tpu.memory_space<hbm>> -> memref<1x200x128xf32, #tpu.memory_space<hbm>>
      %dma_start3A_651 = tpu.memref_squeeze %dma_start3A_650 : memref<1x200x128xf32, #tpu.memory_space<hbm>> -> memref<200x128xf32, #tpu.memory_space<hbm>>
      %dma_start3A_652 = arith.constant 0 : i32
      %dma_start3A_653 = arith.constant 0 : i32
      %dma_start3A_654 = tpu.memref_slice %arg2[%add3A_647, %dma_start3A_652, %dma_start3A_653] : memref<4096x200x128xf32, #tpu.memory_space<hbm>> -> memref<1x200x128xf32, #tpu.memory_space<hbm>>
      %dma_start3A_655 = tpu.memref_squeeze %dma_start3A_654 : memref<1x200x128xf32, #tpu.memory_space<hbm>> -> memref<200x128xf32, #tpu.memory_space<hbm>>
      tpu.enqueue_dma source(%dma_start3A_655 : memref<200x128xf32, #tpu.memory_space<hbm>>) target(%arg4 : memref<200x128xf32, #tpu.memory_space<vmem>>) target_semaphore(%arg9 : memref<!tpu.dma_semaphore, #tpu.memory_space<semaphore_mem>>)
    }
    %scan3A_132 = arith.constant 20 : i32
    %dma_wait3A_133 = arith.constant 0 : i32
    %dma_wait3A_134 = arith.constant 0 : i32
    %dma_wait3A_135 = arith.constant 0 : i32
    %dma_wait3A_136 = tpu.memref_slice %arg2[%dma_wait3A_133, %dma_wait3A_134, %dma_wait3A_135] : memref<4096x200x128xf32, #tpu.memory_space<hbm>> -> memref<1x200x128xf32, #tpu.memory_space<hbm>>
    %dma_wait3A_137 = tpu.memref_squeeze %dma_wait3A_136 : memref<1x200x128xf32, #tpu.memory_space<hbm>> -> memref<200x128xf32, #tpu.memory_space<hbm>>
    %dma_wait3A_138 = arith.constant 0 : i32
    %dma_wait3A_139 = arith.constant 0 : i32
    %dma_wait3A_140 = tpu.memref_slice %arg2[%dma_wait3A_133, %dma_wait3A_138, %dma_wait3A_139] : memref<4096x200x128xf32, #tpu.memory_space<hbm>> -> memref<1x200x128xf32, #tpu.memory_space<hbm>>
    %dma_wait3A_141 = tpu.memref_squeeze %dma_wait3A_140 : memref<1x200x128xf32, #tpu.memory_space<hbm>> -> memref<200x128xf32, #tpu.memory_space<hbm>>
    tpu.wait_dma2 semaphore(%arg10 : memref<!tpu.dma_semaphore, #tpu.memory_space<semaphore_mem>>) src(%dma_wait3A_141 : memref<200x128xf32, #tpu.memory_space<hbm>>) dst(%arg5 : memref<200x128xf32, #tpu.memory_space<vmem>>)
    %dma_wait3A_142 = arith.constant 0 : i32
    %dma_wait3A_143 = arith.constant 0 : i32
    %dma_wait3A_144 = arith.constant 0 : i32
    %dma_wait3A_145 = tpu.memref_slice %arg3[%dma_wait3A_142, %dma_wait3A_143, %dma_wait3A_144] : memref<4096x200x64xf32, #tpu.memory_space<hbm>> -> memref<1x200x64xf32, #tpu.memory_space<hbm>>
    %dma_wait3A_146 = tpu.memref_squeeze %dma_wait3A_145 : memref<1x200x64xf32, #tpu.memory_space<hbm>> -> memref<200x64xf32, #tpu.memory_space<hbm>>
    %dma_wait3A_147 = arith.constant 0 : i32
    %dma_wait3A_148 = arith.constant 0 : i32
    %dma_wait3A_149 = tpu.memref_slice %arg3[%dma_wait3A_142, %dma_wait3A_147, %dma_wait3A_148] : memref<4096x200x64xf32, #tpu.memory_space<hbm>> -> memref<1x200x64xf32, #tpu.memory_space<hbm>>
    %dma_wait3A_150 = tpu.memref_squeeze %dma_wait3A_149 : memref<1x200x64xf32, #tpu.memory_space<hbm>> -> memref<200x64xf32, #tpu.memory_space<hbm>>
    tpu.wait_dma2 semaphore(%arg11 : memref<!tpu.dma_semaphore, #tpu.memory_space<semaphore_mem>>) src(%arg6 : memref<200x64xf32, #tpu.memory_space<vmem>>) dst(%dma_wait3A_150 : memref<200x64xf32, #tpu.memory_space<hbm>>)
    %parallel_loop3A_151 = arith.constant 0 : i32
    %parallel_loop3A_152 = arith.constant 200 : i32
    %parallel_loop3A_153 = arith.constant 1 : i32
    scf.for %parallel_loop3A_345 = %parallel_loop3A_151 to %parallel_loop3A_152 step %parallel_loop3A_153  : i32 {
      %parallel_loop3A_346 = vector.broadcast %parallel_loop3A_345 : i32 to vector<16xi32>
      %parallel_loop3A_347 = tpu.vector_load_idx %arg5[%parallel_loop3A_346, %add3A_6] : memref<200x128xf32, #tpu.memory_space<vmem>>[vector<16xi32>, vector<16xi32>], vector<16xf32>,
      %parallel_loop3A_348 = arith.index_cast %parallel_loop3A_345 : i32 to index
      %parallel_loop3A_349 = arith.constant 0 : index
      %parallel_loop3A_350 = tpu.vector_load %arg6[%parallel_loop3A_348, %parallel_loop3A_349] {strides = array<i32>} : memref<200x64xf32, #tpu.memory_space<vmem>>, vector<16xf32>,
      tpu.vector_store %arg6[%parallel_loop3A_348, %parallel_loop3A_349], %parallel_loop3A_347 {strides = array<i32>} : memref<200x64xf32, #tpu.memory_space<vmem>>, vector<16xf32>,
      %parallel_loop3A_351 = tpu.vector_load_idx %arg5[%parallel_loop3A_346, %add3A_9] : memref<200x128xf32, #tpu.memory_space<vmem>>[vector<16xi32>, vector<16xi32>], vector<16xf32>,
      %parallel_loop3A_352 = arith.index_cast %parallel_loop3A_345 : i32 to index
      %parallel_loop3A_353 = arith.constant 16 : index
      %parallel_loop3A_354 = tpu.vector_load %arg6[%parallel_loop3A_352, %parallel_loop3A_353] {strides = array<i32>} : memref<200x64xf32, #tpu.memory_space<vmem>>, vector<16xf32>,
      tpu.vector_store %arg6[%parallel_loop3A_352, %parallel_loop3A_353], %parallel_loop3A_351 {strides = array<i32>} : memref<200x64xf32, #tpu.memory_space<vmem>>, vector<16xf32>,
      %parallel_loop3A_355 = tpu.vector_load_idx %arg5[%parallel_loop3A_346, %add3A_12] : memref<200x128xf32, #tpu.memory_space<vmem>>[vector<16xi32>, vector<16xi32>], vector<16xf32>,
      %parallel_loop3A_356 = arith.index_cast %parallel_loop3A_345 : i32 to index
      %parallel_loop3A_357 = arith.constant 32 : index
      %parallel_loop3A_358 = tpu.vector_load %arg6[%parallel_loop3A_356, %parallel_loop3A_357] {strides = array<i32>} : memref<200x64xf32, #tpu.memory_space<vmem>>, vector<16xf32>,
      tpu.vector_store %arg6[%parallel_loop3A_356, %parallel_loop3A_357], %parallel_loop3A_355 {strides = array<i32>} : memref<200x64xf32, #tpu.memory_space<vmem>>, vector<16xf32>,
      %parallel_loop3A_359 = tpu.vector_load_idx %arg5[%parallel_loop3A_346, %add3A_15] : memref<200x128xf32, #tpu.memory_space<vmem>>[vector<16xi32>, vector<16xi32>], vector<16xf32>,
      %parallel_loop3A_360 = arith.index_cast %parallel_loop3A_345 : i32 to index
      %parallel_loop3A_361 = arith.constant 48 : index
      %parallel_loop3A_362 = tpu.vector_load %arg6[%parallel_loop3A_360, %parallel_loop3A_361] {strides = array<i32>} : memref<200x64xf32, #tpu.memory_space<vmem>>, vector<16xf32>,
      tpu.vector_store %arg6[%parallel_loop3A_360, %parallel_loop3A_361], %parallel_loop3A_359 {strides = array<i32>} : memref<200x64xf32, #tpu.memory_space<vmem>>, vector<16xf32>,
    } {sc.loop_unroll_factor = 8 : i64, sc.parallel_access}
    %add3A_154 = arith.constant 3936 : i32
    %add3A_155 = arith.addi %add3A_154, %add3A : i32
    %dma_start3A_156 = arith.constant 0 : i32
    %dma_start3A_157 = arith.constant 0 : i32
    %dma_start3A_158 = tpu.memref_slice %arg3[%add3A_155, %dma_start3A_156, %dma_start3A_157] : memref<4096x200x64xf32, #tpu.memory_space<hbm>> -> memref<1x200x64xf32, #tpu.memory_space<hbm>>
    %dma_start3A_159 = tpu.memref_squeeze %dma_start3A_158 : memref<1x200x64xf32, #tpu.memory_space<hbm>> -> memref<200x64xf32, #tpu.memory_space<hbm>>
    %dma_start3A_160 = arith.constant 0 : i32
    %dma_start3A_161 = arith.constant 0 : i32
    %dma_start3A_162 = tpu.memref_slice %arg3[%add3A_155, %dma_start3A_160, %dma_start3A_161] : memref<4096x200x64xf32, #tpu.memory_space<hbm>> -> memref<1x200x64xf32, #tpu.memory_space<hbm>>
    %dma_start3A_163 = tpu.memref_squeeze %dma_start3A_162 : memref<1x200x64xf32, #tpu.memory_space<hbm>> -> memref<200x64xf32, #tpu.memory_space<hbm>>
    tpu.enqueue_dma source(%arg6 : memref<200x64xf32, #tpu.memory_space<vmem>>) target(%dma_start3A_163 : memref<200x64xf32, #tpu.memory_space<hbm>>) target_semaphore(%arg11 : memref<!tpu.dma_semaphore, #tpu.memory_space<semaphore_mem>>)
    %add3A_164 = arith.constant 4000 : i32
    %add3A_165 = arith.addi %add3A_164, %add3A : i32
    %dma_start3A_166 = arith.constant 0 : i32
    %dma_start3A_167 = arith.constant 0 : i32
    %dma_start3A_168 = tpu.memref_slice %arg2[%add3A_165, %dma_start3A_166, %dma_start3A_167] : memref<4096x200x128xf32, #tpu.memory_space<hbm>> -> memref<1x200x128xf32, #tpu.memory_space<hbm>>
    %dma_start3A_169 = tpu.memref_squeeze %dma_start3A_168 : memref<1x200x128xf32, #tpu.memory_space<hbm>> -> memref<200x128xf32, #tpu.memory_space<hbm>>
    %dma_start3A_170 = arith.constant 0 : i32
    %dma_start3A_171 = arith.constant 0 : i32
    %dma_start3A_172 = tpu.memref_slice %arg2[%add3A_165, %dma_start3A_170, %dma_start3A_171] : memref<4096x200x128xf32, #tpu.memory_space<hbm>> -> memref<1x200x128xf32, #tpu.memory_space<hbm>>
    %dma_start3A_173 = tpu.memref_squeeze %dma_start3A_172 : memref<1x200x128xf32, #tpu.memory_space<hbm>> -> memref<200x128xf32, #tpu.memory_space<hbm>>
    tpu.enqueue_dma source(%dma_start3A_173 : memref<200x128xf32, #tpu.memory_space<hbm>>) target(%arg5 : memref<200x128xf32, #tpu.memory_space<vmem>>) target_semaphore(%arg10 : memref<!tpu.dma_semaphore, #tpu.memory_space<semaphore_mem>>)
    %dma_wait3A_174 = arith.constant 0 : i32
    %dma_wait3A_175 = arith.constant 0 : i32
    %dma_wait3A_176 = arith.constant 0 : i32
    %dma_wait3A_177 = tpu.memref_slice %arg2[%dma_wait3A_174, %dma_wait3A_175, %dma_wait3A_176] : memref<4096x200x128xf32, #tpu.memory_space<hbm>> -> memref<1x200x128xf32, #tpu.memory_space<hbm>>
    %dma_wait3A_178 = tpu.memref_squeeze %dma_wait3A_177 : memref<1x200x128xf32, #tpu.memory_space<hbm>> -> memref<200x128xf32, #tpu.memory_space<hbm>>
    %dma_wait3A_179 = arith.constant 0 : i32
    %dma_wait3A_180 = arith.constant 0 : i32
    %dma_wait3A_181 = tpu.memref_slice %arg2[%dma_wait3A_174, %dma_wait3A_179, %dma_wait3A_180] : memref<4096x200x128xf32, #tpu.memory_space<hbm>> -> memref<1x200x128xf32, #tpu.memory_space<hbm>>
    %dma_wait3A_182 = tpu.memref_squeeze %dma_wait3A_181 : memref<1x200x128xf32, #tpu.memory_space<hbm>> -> memref<200x128xf32, #tpu.memory_space<hbm>>
    tpu.wait_dma2 semaphore(%arg9 : memref<!tpu.dma_semaphore, #tpu.memory_space<semaphore_mem>>) src(%dma_wait3A_182 : memref<200x128xf32, #tpu.memory_space<hbm>>) dst(%arg4 : memref<200x128xf32, #tpu.memory_space<vmem>>)
    %dma_wait3A_183 = arith.constant 0 : i32
    %dma_wait3A_184 = arith.constant 0 : i32
    %dma_wait3A_185 = arith.constant 0 : i32
    %dma_wait3A_186 = tpu.memref_slice %arg3[%dma_wait3A_183, %dma_wait3A_184, %dma_wait3A_185] : memref<4096x200x64xf32, #tpu.memory_space<hbm>> -> memref<1x200x64xf32, #tpu.memory_space<hbm>>
    %dma_wait3A_187 = tpu.memref_squeeze %dma_wait3A_186 : memref<1x200x64xf32, #tpu.memory_space<hbm>> -> memref<200x64xf32, #tpu.memory_space<hbm>>
    %dma_wait3A_188 = arith.constant 0 : i32
    %dma_wait3A_189 = arith.constant 0 : i32
    %dma_wait3A_190 = tpu.memref_slice %arg3[%dma_wait3A_183, %dma_wait3A_188, %dma_wait3A_189] : memref<4096x200x64xf32, #tpu.memory_space<hbm>> -> memref<1x200x64xf32, #tpu.memory_space<hbm>>
    %dma_wait3A_191 = tpu.memref_squeeze %dma_wait3A_190 : memref<1x200x64xf32, #tpu.memory_space<hbm>> -> memref<200x64xf32, #tpu.memory_space<hbm>>
    tpu.wait_dma2 semaphore(%arg12 : memref<!tpu.dma_semaphore, #tpu.memory_space<semaphore_mem>>) src(%arg7 : memref<200x64xf32, #tpu.memory_space<vmem>>) dst(%dma_wait3A_191 : memref<200x64xf32, #tpu.memory_space<hbm>>)
    %parallel_loop3A_192 = arith.constant 0 : i32
    %parallel_loop3A_193 = arith.constant 200 : i32
    %parallel_loop3A_194 = arith.constant 1 : i32
    scf.for %parallel_loop3A_345 = %parallel_loop3A_192 to %parallel_loop3A_193 step %parallel_loop3A_194  : i32 {
      %parallel_loop3A_346 = vector.broadcast %parallel_loop3A_345 : i32 to vector<16xi32>
      %parallel_loop3A_347 = tpu.vector_load_idx %arg4[%parallel_loop3A_346, %add3A_6] : memref<200x128xf32, #tpu.memory_space<vmem>>[vector<16xi32>, vector<16xi32>], vector<16xf32>,
      %parallel_loop3A_348 = arith.index_cast %parallel_loop3A_345 : i32 to index
      %parallel_loop3A_349 = arith.constant 0 : index
      %parallel_loop3A_350 = tpu.vector_load %arg7[%parallel_loop3A_348, %parallel_loop3A_349] {strides = array<i32>} : memref<200x64xf32, #tpu.memory_space<vmem>>, vector<16xf32>,
      tpu.vector_store %arg7[%parallel_loop3A_348, %parallel_loop3A_349], %parallel_loop3A_347 {strides = array<i32>} : memref<200x64xf32, #tpu.memory_space<vmem>>, vector<16xf32>,
      %parallel_loop3A_351 = tpu.vector_load_idx %arg4[%parallel_loop3A_346, %add3A_9] : memref<200x128xf32, #tpu.memory_space<vmem>>[vector<16xi32>, vector<16xi32>], vector<16xf32>,
      %parallel_loop3A_352 = arith.index_cast %parallel_loop3A_345 : i32 to index
      %parallel_loop3A_353 = arith.constant 16 : index
      %parallel_loop3A_354 = tpu.vector_load %arg7[%parallel_loop3A_352, %parallel_loop3A_353] {strides = array<i32>} : memref<200x64xf32, #tpu.memory_space<vmem>>, vector<16xf32>,
      tpu.vector_store %arg7[%parallel_loop3A_352, %parallel_loop3A_353], %parallel_loop3A_351 {strides = array<i32>} : memref<200x64xf32, #tpu.memory_space<vmem>>, vector<16xf32>,
      %parallel_loop3A_355 = tpu.vector_load_idx %arg4[%parallel_loop3A_346, %add3A_12] : memref<200x128xf32, #tpu.memory_space<vmem>>[vector<16xi32>, vector<16xi32>], vector<16xf32>,
      %parallel_loop3A_356 = arith.index_cast %parallel_loop3A_345 : i32 to index
      %parallel_loop3A_357 = arith.constant 32 : index
      %parallel_loop3A_358 = tpu.vector_load %arg7[%parallel_loop3A_356, %parallel_loop3A_357] {strides = array<i32>} : memref<200x64xf32, #tpu.memory_space<vmem>>, vector<16xf32>,
      tpu.vector_store %arg7[%parallel_loop3A_356, %parallel_loop3A_357], %parallel_loop3A_355 {strides = array<i32>} : memref<200x64xf32, #tpu.memory_space<vmem>>, vector<16xf32>,
      %parallel_loop3A_359 = tpu.vector_load_idx %arg4[%parallel_loop3A_346, %add3A_15] : memref<200x128xf32, #tpu.memory_space<vmem>>[vector<16xi32>, vector<16xi32>], vector<16xf32>,
      %parallel_loop3A_360 = arith.index_cast %parallel_loop3A_345 : i32 to index
      %parallel_loop3A_361 = arith.constant 48 : index
      %parallel_loop3A_362 = tpu.vector_load %arg7[%parallel_loop3A_360, %parallel_loop3A_361] {strides = array<i32>} : memref<200x64xf32, #tpu.memory_space<vmem>>, vector<16xf32>,
      tpu.vector_store %arg7[%parallel_loop3A_360, %parallel_loop3A_361], %parallel_loop3A_359 {strides = array<i32>} : memref<200x64xf32, #tpu.memory_space<vmem>>, vector<16xf32>,
    } {sc.loop_unroll_factor = 8 : i64, sc.parallel_access}
    %add3A_195 = arith.constant 3968 : i32
    %add3A_196 = arith.addi %add3A_195, %add3A : i32
    %dma_start3A_197 = arith.constant 0 : i32
    %dma_start3A_198 = arith.constant 0 : i32
    %dma_start3A_199 = tpu.memref_slice %arg3[%add3A_196, %dma_start3A_197, %dma_start3A_198] : memref<4096x200x64xf32, #tpu.memory_space<hbm>> -> memref<1x200x64xf32, #tpu.memory_space<hbm>>
    %dma_start3A_200 = tpu.memref_squeeze %dma_start3A_199 : memref<1x200x64xf32, #tpu.memory_space<hbm>> -> memref<200x64xf32, #tpu.memory_space<hbm>>
    %dma_start3A_201 = arith.constant 0 : i32
    %dma_start3A_202 = arith.constant 0 : i32
    %dma_start3A_203 = tpu.memref_slice %arg3[%add3A_196, %dma_start3A_201, %dma_start3A_202] : memref<4096x200x64xf32, #tpu.memory_space<hbm>> -> memref<1x200x64xf32, #tpu.memory_space<hbm>>
    %dma_start3A_204 = tpu.memref_squeeze %dma_start3A_203 : memref<1x200x64xf32, #tpu.memory_space<hbm>> -> memref<200x64xf32, #tpu.memory_space<hbm>>
    tpu.enqueue_dma source(%arg7 : memref<200x64xf32, #tpu.memory_space<vmem>>) target(%dma_start3A_204 : memref<200x64xf32, #tpu.memory_space<hbm>>) target_semaphore(%arg12 : memref<!tpu.dma_semaphore, #tpu.memory_space<semaphore_mem>>)
    %add3A_205 = arith.constant 4032 : i32
    %add3A_206 = arith.addi %add3A_205, %add3A : i32
    %dma_start3A_207 = arith.constant 0 : i32
    %dma_start3A_208 = arith.constant 0 : i32
    %dma_start3A_209 = tpu.memref_slice %arg2[%add3A_206, %dma_start3A_207, %dma_start3A_208] : memref<4096x200x128xf32, #tpu.memory_space<hbm>> -> memref<1x200x128xf32, #tpu.memory_space<hbm>>
    %dma_start3A_210 = tpu.memref_squeeze %dma_start3A_209 : memref<1x200x128xf32, #tpu.memory_space<hbm>> -> memref<200x128xf32, #tpu.memory_space<hbm>>
    %dma_start3A_211 = arith.constant 0 : i32
    %dma_start3A_212 = arith.constant 0 : i32
    %dma_start3A_213 = tpu.memref_slice %arg2[%add3A_206, %dma_start3A_211, %dma_start3A_212] : memref<4096x200x128xf32, #tpu.memory_space<hbm>> -> memref<1x200x128xf32, #tpu.memory_space<hbm>>
    %dma_start3A_214 = tpu.memref_squeeze %dma_start3A_213 : memref<1x200x128xf32, #tpu.memory_space<hbm>> -> memref<200x128xf32, #tpu.memory_space<hbm>>
    tpu.enqueue_dma source(%dma_start3A_214 : memref<200x128xf32, #tpu.memory_space<hbm>>) target(%arg4 : memref<200x128xf32, #tpu.memory_space<vmem>>) target_semaphore(%arg9 : memref<!tpu.dma_semaphore, #tpu.memory_space<semaphore_mem>>)
    %dma_wait3A_215 = arith.constant 0 : i32
    %dma_wait3A_216 = arith.constant 0 : i32
    %dma_wait3A_217 = arith.constant 0 : i32
    %dma_wait3A_218 = tpu.memref_slice %arg2[%dma_wait3A_215, %dma_wait3A_216, %dma_wait3A_217] : memref<4096x200x128xf32, #tpu.memory_space<hbm>> -> memref<1x200x128xf32, #tpu.memory_space<hbm>>
    %dma_wait3A_219 = tpu.memref_squeeze %dma_wait3A_218 : memref<1x200x128xf32, #tpu.memory_space<hbm>> -> memref<200x128xf32, #tpu.memory_space<hbm>>
    %dma_wait3A_220 = arith.constant 0 : i32
    %dma_wait3A_221 = arith.constant 0 : i32
    %dma_wait3A_222 = tpu.memref_slice %arg2[%dma_wait3A_215, %dma_wait3A_220, %dma_wait3A_221] : memref<4096x200x128xf32, #tpu.memory_space<hbm>> -> memref<1x200x128xf32, #tpu.memory_space<hbm>>
    %dma_wait3A_223 = tpu.memref_squeeze %dma_wait3A_222 : memref<1x200x128xf32, #tpu.memory_space<hbm>> -> memref<200x128xf32, #tpu.memory_space<hbm>>
    tpu.wait_dma2 semaphore(%arg10 : memref<!tpu.dma_semaphore, #tpu.memory_space<semaphore_mem>>) src(%dma_wait3A_223 : memref<200x128xf32, #tpu.memory_space<hbm>>) dst(%arg5 : memref<200x128xf32, #tpu.memory_space<vmem>>)
    %dma_wait3A_224 = arith.constant 0 : i32
    %dma_wait3A_225 = arith.constant 0 : i32
    %dma_wait3A_226 = arith.constant 0 : i32
    %dma_wait3A_227 = tpu.memref_slice %arg3[%dma_wait3A_224, %dma_wait3A_225, %dma_wait3A_226] : memref<4096x200x64xf32, #tpu.memory_space<hbm>> -> memref<1x200x64xf32, #tpu.memory_space<hbm>>
    %dma_wait3A_228 = tpu.memref_squeeze %dma_wait3A_227 : memref<1x200x64xf32, #tpu.memory_space<hbm>> -> memref<200x64xf32, #tpu.memory_space<hbm>>
    %dma_wait3A_229 = arith.constant 0 : i32
    %dma_wait3A_230 = arith.constant 0 : i32
    %dma_wait3A_231 = tpu.memref_slice %arg3[%dma_wait3A_224, %dma_wait3A_229, %dma_wait3A_230] : memref<4096x200x64xf32, #tpu.memory_space<hbm>> -> memref<1x200x64xf32, #tpu.memory_space<hbm>>
    %dma_wait3A_232 = tpu.memref_squeeze %dma_wait3A_231 : memref<1x200x64xf32, #tpu.memory_space<hbm>> -> memref<200x64xf32, #tpu.memory_space<hbm>>
    tpu.wait_dma2 semaphore(%arg13 : memref<!tpu.dma_semaphore, #tpu.memory_space<semaphore_mem>>) src(%arg8 : memref<200x64xf32, #tpu.memory_space<vmem>>) dst(%dma_wait3A_232 : memref<200x64xf32, #tpu.memory_space<hbm>>)
    %parallel_loop3A_233 = arith.constant 0 : i32
    %parallel_loop3A_234 = arith.constant 200 : i32
    %parallel_loop3A_235 = arith.constant 1 : i32
    scf.for %parallel_loop3A_345 = %parallel_loop3A_233 to %parallel_loop3A_234 step %parallel_loop3A_235  : i32 {
      %parallel_loop3A_346 = vector.broadcast %parallel_loop3A_345 : i32 to vector<16xi32>
      %parallel_loop3A_347 = tpu.vector_load_idx %arg5[%parallel_loop3A_346, %add3A_6] : memref<200x128xf32, #tpu.memory_space<vmem>>[vector<16xi32>, vector<16xi32>], vector<16xf32>,
      %parallel_loop3A_348 = arith.index_cast %parallel_loop3A_345 : i32 to index
      %parallel_loop3A_349 = arith.constant 0 : index
      %parallel_loop3A_350 = tpu.vector_load %arg8[%parallel_loop3A_348, %parallel_loop3A_349] {strides = array<i32>} : memref<200x64xf32, #tpu.memory_space<vmem>>, vector<16xf32>,
      tpu.vector_store %arg8[%parallel_loop3A_348, %parallel_loop3A_349], %parallel_loop3A_347 {strides = array<i32>} : memref<200x64xf32, #tpu.memory_space<vmem>>, vector<16xf32>,
      %parallel_loop3A_351 = tpu.vector_load_idx %arg5[%parallel_loop3A_346, %add3A_9] : memref<200x128xf32, #tpu.memory_space<vmem>>[vector<16xi32>, vector<16xi32>], vector<16xf32>,
      %parallel_loop3A_352 = arith.index_cast %parallel_loop3A_345 : i32 to index
      %parallel_loop3A_353 = arith.constant 16 : index
      %parallel_loop3A_354 = tpu.vector_load %arg8[%parallel_loop3A_352, %parallel_loop3A_353] {strides = array<i32>} : memref<200x64xf32, #tpu.memory_space<vmem>>, vector<16xf32>,
      tpu.vector_store %arg8[%parallel_loop3A_352, %parallel_loop3A_353], %parallel_loop3A_351 {strides = array<i32>} : memref<200x64xf32, #tpu.memory_space<vmem>>, vector<16xf32>,
      %parallel_loop3A_355 = tpu.vector_load_idx %arg5[%parallel_loop3A_346, %add3A_12] : memref<200x128xf32, #tpu.memory_space<vmem>>[vector<16xi32>, vector<16xi32>], vector<16xf32>,
      %parallel_loop3A_356 = arith.index_cast %parallel_loop3A_345 : i32 to index
      %parallel_loop3A_357 = arith.constant 32 : index
      %parallel_loop3A_358 = tpu.vector_load %arg8[%parallel_loop3A_356, %parallel_loop3A_357] {strides = array<i32>} : memref<200x64xf32, #tpu.memory_space<vmem>>, vector<16xf32>,
      tpu.vector_store %arg8[%parallel_loop3A_356, %parallel_loop3A_357], %parallel_loop3A_355 {strides = array<i32>} : memref<200x64xf32, #tpu.memory_space<vmem>>, vector<16xf32>,
      %parallel_loop3A_359 = tpu.vector_load_idx %arg5[%parallel_loop3A_346, %add3A_15] : memref<200x128xf32, #tpu.memory_space<vmem>>[vector<16xi32>, vector<16xi32>], vector<16xf32>,
      %parallel_loop3A_360 = arith.index_cast %parallel_loop3A_345 : i32 to index
      %parallel_loop3A_361 = arith.constant 48 : index
      %parallel_loop3A_362 = tpu.vector_load %arg8[%parallel_loop3A_360, %parallel_loop3A_361] {strides = array<i32>} : memref<200x64xf32, #tpu.memory_space<vmem>>, vector<16xf32>,
      tpu.vector_store %arg8[%parallel_loop3A_360, %parallel_loop3A_361], %parallel_loop3A_359 {strides = array<i32>} : memref<200x64xf32, #tpu.memory_space<vmem>>, vector<16xf32>,
    } {sc.loop_unroll_factor = 8 : i64, sc.parallel_access}
    %add3A_236 = arith.constant 4000 : i32
    %add3A_237 = arith.addi %add3A_236, %add3A : i32
    %dma_start3A_238 = arith.constant 0 : i32
    %dma_start3A_239 = arith.constant 0 : i32
    %dma_start3A_240 = tpu.memref_slice %arg3[%add3A_237, %dma_start3A_238, %dma_start3A_239] : memref<4096x200x64xf32, #tpu.memory_space<hbm>> -> memref<1x200x64xf32, #tpu.memory_space<hbm>>
    %dma_start3A_241 = tpu.memref_squeeze %dma_start3A_240 : memref<1x200x64xf32, #tpu.memory_space<hbm>> -> memref<200x64xf32, #tpu.memory_space<hbm>>
    %dma_start3A_242 = arith.constant 0 : i32
    %dma_start3A_243 = arith.constant 0 : i32
    %dma_start3A_244 = tpu.memref_slice %arg3[%add3A_237, %dma_start3A_242, %dma_start3A_243] : memref<4096x200x64xf32, #tpu.memory_space<hbm>> -> memref<1x200x64xf32, #tpu.memory_space<hbm>>
    %dma_start3A_245 = tpu.memref_squeeze %dma_start3A_244 : memref<1x200x64xf32, #tpu.memory_space<hbm>> -> memref<200x64xf32, #tpu.memory_space<hbm>>
    tpu.enqueue_dma source(%arg8 : memref<200x64xf32, #tpu.memory_space<vmem>>) target(%dma_start3A_245 : memref<200x64xf32, #tpu.memory_space<hbm>>) target_semaphore(%arg13 : memref<!tpu.dma_semaphore, #tpu.memory_space<semaphore_mem>>)
    %add3A_246 = arith.constant 4064 : i32
    %add3A_247 = arith.addi %add3A_246, %add3A : i32
    %dma_start3A_248 = arith.constant 0 : i32
    %dma_start3A_249 = arith.constant 0 : i32
    %dma_start3A_250 = tpu.memref_slice %arg2[%add3A_247, %dma_start3A_248, %dma_start3A_249] : memref<4096x200x128xf32, #tpu.memory_space<hbm>> -> memref<1x200x128xf32, #tpu.memory_space<hbm>>
    %dma_start3A_251 = tpu.memref_squeeze %dma_start3A_250 : memref<1x200x128xf32, #tpu.memory_space<hbm>> -> memref<200x128xf32, #tpu.memory_space<hbm>>
    %dma_start3A_252 = arith.constant 0 : i32
    %dma_start3A_253 = arith.constant 0 : i32
    %dma_start3A_254 = tpu.memref_slice %arg2[%add3A_247, %dma_start3A_252, %dma_start3A_253] : memref<4096x200x128xf32, #tpu.memory_space<hbm>> -> memref<1x200x128xf32, #tpu.memory_space<hbm>>
    %dma_start3A_255 = tpu.memref_squeeze %dma_start3A_254 : memref<1x200x128xf32, #tpu.memory_space<hbm>> -> memref<200x128xf32, #tpu.memory_space<hbm>>
    tpu.enqueue_dma source(%dma_start3A_255 : memref<200x128xf32, #tpu.memory_space<hbm>>) target(%arg5 : memref<200x128xf32, #tpu.memory_space<vmem>>) target_semaphore(%arg10 : memref<!tpu.dma_semaphore, #tpu.memory_space<semaphore_mem>>)
    %dma_wait3A_256 = arith.constant 0 : i32
    %dma_wait3A_257 = arith.constant 0 : i32
    %dma_wait3A_258 = arith.constant 0 : i32
    %dma_wait3A_259 = tpu.memref_slice %arg2[%dma_wait3A_256, %dma_wait3A_257, %dma_wait3A_258] : memref<4096x200x128xf32, #tpu.memory_space<hbm>> -> memref<1x200x128xf32, #tpu.memory_space<hbm>>
    %dma_wait3A_260 = tpu.memref_squeeze %dma_wait3A_259 : memref<1x200x128xf32, #tpu.memory_space<hbm>> -> memref<200x128xf32, #tpu.memory_space<hbm>>
    %dma_wait3A_261 = arith.constant 0 : i32
    %dma_wait3A_262 = arith.constant 0 : i32
    %dma_wait3A_263 = tpu.memref_slice %arg2[%dma_wait3A_256, %dma_wait3A_261, %dma_wait3A_262] : memref<4096x200x128xf32, #tpu.memory_space<hbm>> -> memref<1x200x128xf32, #tpu.memory_space<hbm>>
    %dma_wait3A_264 = tpu.memref_squeeze %dma_wait3A_263 : memref<1x200x128xf32, #tpu.memory_space<hbm>> -> memref<200x128xf32, #tpu.memory_space<hbm>>
    tpu.wait_dma2 semaphore(%arg9 : memref<!tpu.dma_semaphore, #tpu.memory_space<semaphore_mem>>) src(%dma_wait3A_264 : memref<200x128xf32, #tpu.memory_space<hbm>>) dst(%arg4 : memref<200x128xf32, #tpu.memory_space<vmem>>)
    %dma_wait3A_265 = arith.constant 0 : i32
    %dma_wait3A_266 = arith.constant 0 : i32
    %dma_wait3A_267 = arith.constant 0 : i32
    %dma_wait3A_268 = tpu.memref_slice %arg3[%dma_wait3A_265, %dma_wait3A_266, %dma_wait3A_267] : memref<4096x200x64xf32, #tpu.memory_space<hbm>> -> memref<1x200x64xf32, #tpu.memory_space<hbm>>
    %dma_wait3A_269 = tpu.memref_squeeze %dma_wait3A_268 : memref<1x200x64xf32, #tpu.memory_space<hbm>> -> memref<200x64xf32, #tpu.memory_space<hbm>>
    %dma_wait3A_270 = arith.constant 0 : i32
    %dma_wait3A_271 = arith.constant 0 : i32
    %dma_wait3A_272 = tpu.memref_slice %arg3[%dma_wait3A_265, %dma_wait3A_270, %dma_wait3A_271] : memref<4096x200x64xf32, #tpu.memory_space<hbm>> -> memref<1x200x64xf32, #tpu.memory_space<hbm>>
    %dma_wait3A_273 = tpu.memref_squeeze %dma_wait3A_272 : memref<1x200x64xf32, #tpu.memory_space<hbm>> -> memref<200x64xf32, #tpu.memory_space<hbm>>
    tpu.wait_dma2 semaphore(%arg11 : memref<!tpu.dma_semaphore, #tpu.memory_space<semaphore_mem>>) src(%arg6 : memref<200x64xf32, #tpu.memory_space<vmem>>) dst(%dma_wait3A_273 : memref<200x64xf32, #tpu.memory_space<hbm>>)
    %parallel_loop3A_274 = arith.constant 0 : i32
    %parallel_loop3A_275 = arith.constant 200 : i32
    %parallel_loop3A_276 = arith.constant 1 : i32
    scf.for %parallel_loop3A_345 = %parallel_loop3A_274 to %parallel_loop3A_275 step %parallel_loop3A_276  : i32 {
      %parallel_loop3A_346 = vector.broadcast %parallel_loop3A_345 : i32 to vector<16xi32>
      %parallel_loop3A_347 = tpu.vector_load_idx %arg4[%parallel_loop3A_346, %add3A_6] : memref<200x128xf32, #tpu.memory_space<vmem>>[vector<16xi32>, vector<16xi32>], vector<16xf32>,
      %parallel_loop3A_348 = arith.index_cast %parallel_loop3A_345 : i32 to index
      %parallel_loop3A_349 = arith.constant 0 : index
      %parallel_loop3A_350 = tpu.vector_load %arg6[%parallel_loop3A_348, %parallel_loop3A_349] {strides = array<i32>} : memref<200x64xf32, #tpu.memory_space<vmem>>, vector<16xf32>,
      tpu.vector_store %arg6[%parallel_loop3A_348, %parallel_loop3A_349], %parallel_loop3A_347 {strides = array<i32>} : memref<200x64xf32, #tpu.memory_space<vmem>>, vector<16xf32>,
      %parallel_loop3A_351 = tpu.vector_load_idx %arg4[%parallel_loop3A_346, %add3A_9] : memref<200x128xf32, #tpu.memory_space<vmem>>[vector<16xi32>, vector<16xi32>], vector<16xf32>,
      %parallel_loop3A_352 = arith.index_cast %parallel_loop3A_345 : i32 to index
      %parallel_loop3A_353 = arith.constant 16 : index
      %parallel_loop3A_354 = tpu.vector_load %arg6[%parallel_loop3A_352, %parallel_loop3A_353] {strides = array<i32>} : memref<200x64xf32, #tpu.memory_space<vmem>>, vector<16xf32>,
      tpu.vector_store %arg6[%parallel_loop3A_352, %parallel_loop3A_353], %parallel_loop3A_351 {strides = array<i32>} : memref<200x64xf32, #tpu.memory_space<vmem>>, vector<16xf32>,
      %parallel_loop3A_355 = tpu.vector_load_idx %arg4[%parallel_loop3A_346, %add3A_12] : memref<200x128xf32, #tpu.memory_space<vmem>>[vector<16xi32>, vector<16xi32>], vector<16xf32>,
      %parallel_loop3A_356 = arith.index_cast %parallel_loop3A_345 : i32 to index
      %parallel_loop3A_357 = arith.constant 32 : index
      %parallel_loop3A_358 = tpu.vector_load %arg6[%parallel_loop3A_356, %parallel_loop3A_357] {strides = array<i32>} : memref<200x64xf32, #tpu.memory_space<vmem>>, vector<16xf32>,
      tpu.vector_store %arg6[%parallel_loop3A_356, %parallel_loop3A_357], %parallel_loop3A_355 {strides = array<i32>} : memref<200x64xf32, #tpu.memory_space<vmem>>, vector<16xf32>,
      %parallel_loop3A_359 = tpu.vector_load_idx %arg4[%parallel_loop3A_346, %add3A_15] : memref<200x128xf32, #tpu.memory_space<vmem>>[vector<16xi32>, vector<16xi32>], vector<16xf32>,
      %parallel_loop3A_360 = arith.index_cast %parallel_loop3A_345 : i32 to index
      %parallel_loop3A_361 = arith.constant 48 : index
      %parallel_loop3A_362 = tpu.vector_load %arg6[%parallel_loop3A_360, %parallel_loop3A_361] {strides = array<i32>} : memref<200x64xf32, #tpu.memory_space<vmem>>, vector<16xf32>,
      tpu.vector_store %arg6[%parallel_loop3A_360, %parallel_loop3A_361], %parallel_loop3A_359 {strides = array<i32>} : memref<200x64xf32, #tpu.memory_space<vmem>>, vector<16xf32>,
    } {sc.loop_unroll_factor = 8 : i64, sc.parallel_access}
    %add3A_277 = arith.constant 4032 : i32
    %add3A_278 = arith.addi %add3A_277, %add3A : i32
    %dma_start3A_279 = arith.constant 0 : i32
    %dma_start3A_280 = arith.constant 0 : i32
    %dma_start3A_281 = tpu.memref_slice %arg3[%add3A_278, %dma_start3A_279, %dma_start3A_280] : memref<4096x200x64xf32, #tpu.memory_space<hbm>> -> memref<1x200x64xf32, #tpu.memory_space<hbm>>
    %dma_start3A_282 = tpu.memref_squeeze %dma_start3A_281 : memref<1x200x64xf32, #tpu.memory_space<hbm>> -> memref<200x64xf32, #tpu.memory_space<hbm>>
    %dma_start3A_283 = arith.constant 0 : i32
    %dma_start3A_284 = arith.constant 0 : i32
    %dma_start3A_285 = tpu.memref_slice %arg3[%add3A_278, %dma_start3A_283, %dma_start3A_284] : memref<4096x200x64xf32, #tpu.memory_space<hbm>> -> memref<1x200x64xf32, #tpu.memory_space<hbm>>
    %dma_start3A_286 = tpu.memref_squeeze %dma_start3A_285 : memref<1x200x64xf32, #tpu.memory_space<hbm>> -> memref<200x64xf32, #tpu.memory_space<hbm>>
    tpu.enqueue_dma source(%arg6 : memref<200x64xf32, #tpu.memory_space<vmem>>) target(%dma_start3A_286 : memref<200x64xf32, #tpu.memory_space<hbm>>) target_semaphore(%arg11 : memref<!tpu.dma_semaphore, #tpu.memory_space<semaphore_mem>>)
    %dma_wait3A_287 = arith.constant 0 : i32
    %dma_wait3A_288 = arith.constant 0 : i32
    %dma_wait3A_289 = arith.constant 0 : i32
    %dma_wait3A_290 = tpu.memref_slice %arg2[%dma_wait3A_287, %dma_wait3A_288, %dma_wait3A_289] : memref<4096x200x128xf32, #tpu.memory_space<hbm>> -> memref<1x200x128xf32, #tpu.memory_space<hbm>>
    %dma_wait3A_291 = tpu.memref_squeeze %dma_wait3A_290 : memref<1x200x128xf32, #tpu.memory_space<hbm>> -> memref<200x128xf32, #tpu.memory_space<hbm>>
    %dma_wait3A_292 = arith.constant 0 : i32
    %dma_wait3A_293 = arith.constant 0 : i32
    %dma_wait3A_294 = tpu.memref_slice %arg2[%dma_wait3A_287, %dma_wait3A_292, %dma_wait3A_293] : memref<4096x200x128xf32, #tpu.memory_space<hbm>> -> memref<1x200x128xf32, #tpu.memory_space<hbm>>
    %dma_wait3A_295 = tpu.memref_squeeze %dma_wait3A_294 : memref<1x200x128xf32, #tpu.memory_space<hbm>> -> memref<200x128xf32, #tpu.memory_space<hbm>>
    tpu.wait_dma2 semaphore(%arg10 : memref<!tpu.dma_semaphore, #tpu.memory_space<semaphore_mem>>) src(%dma_wait3A_295 : memref<200x128xf32, #tpu.memory_space<hbm>>) dst(%arg5 : memref<200x128xf32, #tpu.memory_space<vmem>>)
    %dma_wait3A_296 = arith.constant 0 : i32
    %dma_wait3A_297 = arith.constant 0 : i32
    %dma_wait3A_298 = arith.constant 0 : i32
    %dma_wait3A_299 = tpu.memref_slice %arg3[%dma_wait3A_296, %dma_wait3A_297, %dma_wait3A_298] : memref<4096x200x64xf32, #tpu.memory_space<hbm>> -> memref<1x200x64xf32, #tpu.memory_space<hbm>>
    %dma_wait3A_300 = tpu.memref_squeeze %dma_wait3A_299 : memref<1x200x64xf32, #tpu.memory_space<hbm>> -> memref<200x64xf32, #tpu.memory_space<hbm>>
    %dma_wait3A_301 = arith.constant 0 : i32
    %dma_wait3A_302 = arith.constant 0 : i32
    %dma_wait3A_303 = tpu.memref_slice %arg3[%dma_wait3A_296, %dma_wait3A_301, %dma_wait3A_302] : memref<4096x200x64xf32, #tpu.memory_space<hbm>> -> memref<1x200x64xf32, #tpu.memory_space<hbm>>
    %dma_wait3A_304 = tpu.memref_squeeze %dma_wait3A_303 : memref<1x200x64xf32, #tpu.memory_space<hbm>> -> memref<200x64xf32, #tpu.memory_space<hbm>>
    tpu.wait_dma2 semaphore(%arg12 : memref<!tpu.dma_semaphore, #tpu.memory_space<semaphore_mem>>) src(%arg7 : memref<200x64xf32, #tpu.memory_space<vmem>>) dst(%dma_wait3A_304 : memref<200x64xf32, #tpu.memory_space<hbm>>)
    %parallel_loop3A_305 = arith.constant 0 : i32
    %parallel_loop3A_306 = arith.constant 200 : i32
    %parallel_loop3A_307 = arith.constant 1 : i32
    scf.for %parallel_loop3A_345 = %parallel_loop3A_305 to %parallel_loop3A_306 step %parallel_loop3A_307  : i32 {
      %parallel_loop3A_346 = vector.broadcast %parallel_loop3A_345 : i32 to vector<16xi32>
      %parallel_loop3A_347 = tpu.vector_load_idx %arg5[%parallel_loop3A_346, %add3A_6] : memref<200x128xf32, #tpu.memory_space<vmem>>[vector<16xi32>, vector<16xi32>], vector<16xf32>,
      %parallel_loop3A_348 = arith.index_cast %parallel_loop3A_345 : i32 to index
      %parallel_loop3A_349 = arith.constant 0 : index
      %parallel_loop3A_350 = tpu.vector_load %arg7[%parallel_loop3A_348, %parallel_loop3A_349] {strides = array<i32>} : memref<200x64xf32, #tpu.memory_space<vmem>>, vector<16xf32>,
      tpu.vector_store %arg7[%parallel_loop3A_348, %parallel_loop3A_349], %parallel_loop3A_347 {strides = array<i32>} : memref<200x64xf32, #tpu.memory_space<vmem>>, vector<16xf32>,
      %parallel_loop3A_351 = tpu.vector_load_idx %arg5[%parallel_loop3A_346, %add3A_9] : memref<200x128xf32, #tpu.memory_space<vmem>>[vector<16xi32>, vector<16xi32>], vector<16xf32>,
      %parallel_loop3A_352 = arith.index_cast %parallel_loop3A_345 : i32 to index
      %parallel_loop3A_353 = arith.constant 16 : index
      %parallel_loop3A_354 = tpu.vector_load %arg7[%parallel_loop3A_352, %parallel_loop3A_353] {strides = array<i32>} : memref<200x64xf32, #tpu.memory_space<vmem>>, vector<16xf32>,
      tpu.vector_store %arg7[%parallel_loop3A_352, %parallel_loop3A_353], %parallel_loop3A_351 {strides = array<i32>} : memref<200x64xf32, #tpu.memory_space<vmem>>, vector<16xf32>,
      %parallel_loop3A_355 = tpu.vector_load_idx %arg5[%parallel_loop3A_346, %add3A_12] : memref<200x128xf32, #tpu.memory_space<vmem>>[vector<16xi32>, vector<16xi32>], vector<16xf32>,
      %parallel_loop3A_356 = arith.index_cast %parallel_loop3A_345 : i32 to index
      %parallel_loop3A_357 = arith.constant 32 : index
      %parallel_loop3A_358 = tpu.vector_load %arg7[%parallel_loop3A_356, %parallel_loop3A_357] {strides = array<i32>} : memref<200x64xf32, #tpu.memory_space<vmem>>, vector<16xf32>,
      tpu.vector_store %arg7[%parallel_loop3A_356, %parallel_loop3A_357], %parallel_loop3A_355 {strides = array<i32>} : memref<200x64xf32, #tpu.memory_space<vmem>>, vector<16xf32>,
      %parallel_loop3A_359 = tpu.vector_load_idx %arg5[%parallel_loop3A_346, %add3A_15] : memref<200x128xf32, #tpu.memory_space<vmem>>[vector<16xi32>, vector<16xi32>], vector<16xf32>,
      %parallel_loop3A_360 = arith.index_cast %parallel_loop3A_345 : i32 to index
      %parallel_loop3A_361 = arith.constant 48 : index
      %parallel_loop3A_362 = tpu.vector_load %arg7[%parallel_loop3A_360, %parallel_loop3A_361] {strides = array<i32>} : memref<200x64xf32, #tpu.memory_space<vmem>>, vector<16xf32>,
      tpu.vector_store %arg7[%parallel_loop3A_360, %parallel_loop3A_361], %parallel_loop3A_359 {strides = array<i32>} : memref<200x64xf32, #tpu.memory_space<vmem>>, vector<16xf32>,
    } {sc.loop_unroll_factor = 8 : i64, sc.parallel_access}
    %add3A_308 = arith.constant 4064 : i32
    %add3A_309 = arith.addi %add3A_308, %add3A : i32
    %dma_start3A_310 = arith.constant 0 : i32
    %dma_start3A_311 = arith.constant 0 : i32
    %dma_start3A_312 = tpu.memref_slice %arg3[%add3A_309, %dma_start3A_310, %dma_start3A_311] : memref<4096x200x64xf32, #tpu.memory_space<hbm>> -> memref<1x200x64xf32, #tpu.memory_space<hbm>>
    %dma_start3A_313 = tpu.memref_squeeze %dma_start3A_312 : memref<1x200x64xf32, #tpu.memory_space<hbm>> -> memref<200x64xf32, #tpu.memory_space<hbm>>
    %dma_start3A_314 = arith.constant 0 : i32
    %dma_start3A_315 = arith.constant 0 : i32
    %dma_start3A_316 = tpu.memref_slice %arg3[%add3A_309, %dma_start3A_314, %dma_start3A_315] : memref<4096x200x64xf32, #tpu.memory_space<hbm>> -> memref<1x200x64xf32, #tpu.memory_space<hbm>>
    %dma_start3A_317 = tpu.memref_squeeze %dma_start3A_316 : memref<1x200x64xf32, #tpu.memory_space<hbm>> -> memref<200x64xf32, #tpu.memory_space<hbm>>
    tpu.enqueue_dma source(%arg7 : memref<200x64xf32, #tpu.memory_space<vmem>>) target(%dma_start3A_317 : memref<200x64xf32, #tpu.memory_space<hbm>>) target_semaphore(%arg12 : memref<!tpu.dma_semaphore, #tpu.memory_space<semaphore_mem>>)
    %dma_wait3A_318 = arith.constant 0 : i32
    %dma_wait3A_319 = arith.constant 0 : i32
    %dma_wait3A_320 = arith.constant 0 : i32
    %dma_wait3A_321 = tpu.memref_slice %arg3[%dma_wait3A_318, %dma_wait3A_319, %dma_wait3A_320] : memref<4096x200x64xf32, #tpu.memory_space<hbm>> -> memref<1x200x64xf32, #tpu.memory_space<hbm>>
    %dma_wait3A_322 = tpu.memref_squeeze %dma_wait3A_321 : memref<1x200x64xf32, #tpu.memory_space<hbm>> -> memref<200x64xf32, #tpu.memory_space<hbm>>
    %dma_wait3A_323 = arith.constant 0 : i32
    %dma_wait3A_324 = arith.constant 0 : i32
    %dma_wait3A_325 = tpu.memref_slice %arg3[%dma_wait3A_318, %dma_wait3A_323, %dma_wait3A_324] : memref<4096x200x64xf32, #tpu.memory_space<hbm>> -> memref<1x200x64xf32, #tpu.memory_space<hbm>>
    %dma_wait3A_326 = tpu.memref_squeeze %dma_wait3A_325 : memref<1x200x64xf32, #tpu.memory_space<hbm>> -> memref<200x64xf32, #tpu.memory_space<hbm>>
    tpu.wait_dma2 semaphore(%arg11 : memref<!tpu.dma_semaphore, #tpu.memory_space<semaphore_mem>>) src(%arg6 : memref<200x64xf32, #tpu.memory_space<vmem>>) dst(%dma_wait3A_326 : memref<200x64xf32, #tpu.memory_space<hbm>>)
    %dma_wait3A_327 = arith.constant 0 : i32
    %dma_wait3A_328 = arith.constant 0 : i32
    %dma_wait3A_329 = arith.constant 0 : i32
    %dma_wait3A_330 = tpu.memref_slice %arg3[%dma_wait3A_327, %dma_wait3A_328, %dma_wait3A_329] : memref<4096x200x64xf32, #tpu.memory_space<hbm>> -> memref<1x200x64xf32, #tpu.memory_space<hbm>>
    %dma_wait3A_331 = tpu.memref_squeeze %dma_wait3A_330 : memref<1x200x64xf32, #tpu.memory_space<hbm>> -> memref<200x64xf32, #tpu.memory_space<hbm>>
    %dma_wait3A_332 = arith.constant 0 : i32
    %dma_wait3A_333 = arith.constant 0 : i32
    %dma_wait3A_334 = tpu.memref_slice %arg3[%dma_wait3A_327, %dma_wait3A_332, %dma_wait3A_333] : memref<4096x200x64xf32, #tpu.memory_space<hbm>> -> memref<1x200x64xf32, #tpu.memory_space<hbm>>
    %dma_wait3A_335 = tpu.memref_squeeze %dma_wait3A_334 : memref<1x200x64xf32, #tpu.memory_space<hbm>> -> memref<200x64xf32, #tpu.memory_space<hbm>>
    tpu.wait_dma2 semaphore(%arg12 : memref<!tpu.dma_semaphore, #tpu.memory_space<semaphore_mem>>) src(%arg7 : memref<200x64xf32, #tpu.memory_space<vmem>>) dst(%dma_wait3A_335 : memref<200x64xf32, #tpu.memory_space<hbm>>)
    %dma_wait3A_336 = arith.constant 0 : i32
    %dma_wait3A_337 = arith.constant 0 : i32
    %dma_wait3A_338 = arith.constant 0 : i32
    %dma_wait3A_339 = tpu.memref_slice %arg3[%dma_wait3A_336, %dma_wait3A_337, %dma_wait3A_338] : memref<4096x200x64xf32, #tpu.memory_space<hbm>> -> memref<1x200x64xf32, #tpu.memory_space<hbm>>
    %dma_wait3A_340 = tpu.memref_squeeze %dma_wait3A_339 : memref<1x200x64xf32, #tpu.memory_space<hbm>> -> memref<200x64xf32, #tpu.memory_space<hbm>>
    %dma_wait3A_341 = arith.constant 0 : i32
    %dma_wait3A_342 = arith.constant 0 : i32
    %dma_wait3A_343 = tpu.memref_slice %arg3[%dma_wait3A_336, %dma_wait3A_341, %dma_wait3A_342] : memref<4096x200x64xf32, #tpu.memory_space<hbm>> -> memref<1x200x64xf32, #tpu.memory_space<hbm>>
    %dma_wait3A_344 = tpu.memref_squeeze %dma_wait3A_343 : memref<1x200x64xf32, #tpu.memory_space<hbm>> -> memref<200x64xf32, #tpu.memory_space<hbm>>
    tpu.wait_dma2 semaphore(%arg13 : memref<!tpu.dma_semaphore, #tpu.memory_space<semaphore_mem>>) src(%arg8 : memref<200x64xf32, #tpu.memory_space<vmem>>) dst(%dma_wait3A_344 : memref<200x64xf32, #tpu.memory_space<hbm>>)
    return
  }
}

</mosaic_0001>

<sc_bundles>
// kernel: kernel.3.cloned.1.call-start
scs
__scs_entry_jumppad:
0x0: {  	(pc) =	sbr.rel $0x88, $3  }
0x1: {  	(tag) =	ssettag $0x0;
	lr =	simm.s32 $0x1  }
0x2: {  	[smem:$0x3FA0] =	sst lr;
	_ =	strace $0xD0000000  }
0x3: {  	_ = 	snop  }
0x4: {  	_ = 	snop  }
0x5: {  	_ = 	snop  }
0x6: {  	_ = 	snop  }
0x7: {  	_ = 	snop  }
__scs_overlays_trampoline_lowered:
0x8: {  	[smem:$0x3FAF] =	sst s0  }
0x9: {  	[smem:$0x3FB0] =	sst s1  }
0xa: {  	[smem:$0x3FB1] =	sst s2  }
0xb: {  	[smem:$0x3FB2] =	sst s3  }
0xc: {  	[smem:$0x3FB3] =	sst s4  }
0xd: {  	[smem:$0x3FB4] =	sst s5  }
0xe: {  	[smem:$0x3FB5] =	sst s6  }
0xf: {  	[smem:$0x3FB6] =	sst s7  }
0x10: {  	[smem:$0x3FB7] =	sst s8  }
0x11: {  	[smem:$0x3FB8] =	sst s9;
	s0 =	simm.s32 @!p0 $0x0  }
0x12: {  	s1 =	sld [smem:$0x3F9E];
	s0 =	simm.s32 @p0 $0x1  }
0x13: {  	[smem:$0x3FB9] =	sst s0;
	s0 =	simm.s32 @!p1 $0x0  }
0x14: {  	s2 =	sld [smem:$0x3F9D];
	s0 =	simm.s32 @p1 $0x1  }
0x15: {  	[smem:$0x3FBA] =	sst s0;
	s0 =	simm.s32 @!p2 $0x0  }
0x16: {  	s3 =	sld [smem:$0x3FDB];
	s0 =	simm.s32 @p2 $0x1  }
0x17: {  	s4 =	simm.s32 $0x1BF5;
	[smem:$0x3FBC] =	sst s0  }
0x18: {  	s0 =	sld [smem:$0x3F9F];
	_ =	swait.ge [sflag:s4], $0x0  }
0x19: {  	s7 =	sld [smem:$0x3FA0]  }
0x1a: {  	s8 =	sadd.s32 $0xFFFFE003, lr  }
0x1b: {  	s9 =	sadd.s32 $0xFFFFFEF7, lr;
	s5 =	simm.s32 $0xFFFFFFFF;
	p2 =	slt.u32 s8, $0xFFFFF086  }
0x1c: {  	p1 =	slt.u32 s9, $0xF7A;
	s5 =	simm.s32 @!p2 $0x0  }
0x1d: {  	s5 =	simm.s32 @p1 $0x1;
	p0 =	seq.s32 s7, s2  }
0x1e: {  	s7 =	smul.u32 @!p0 $0xF7A, s2;
	p2 =	seq.s32 @!p0 s5, $0x0  }
0x1f: {  	s9 =	smul.u32 $0xF7A, s1;
	s8 =	simm.s32 @!p0 $0x1BF5;
	p2 =	por !p2, p0  }
0x20: {  	[sflag:s8] =	ssyncset.s32 @!p0 $0xFFFFF086;
	s6 =	sadd.s32 @!p0 s3, s7;
	s7 =	simm.s32 @!p0 $0x108  }
0x21: {  	s3 =	sadd.s32 s3, s9;
	s6 =	sadd.s32 @!p0 $0x88, s6;
	s7 =	simm.s32 @p2 $0x1082  }
0x22: {  	[simem:s7], [sflag:s8] =	dma.local @!p0 [hbm:s6], $0xF7A  }
0x23: {  	s9 =	sor.u32 $0xD0000000, s2;
	s6 =	simm.s32 $0x108;
	_ =	swait.ge @!p0 [sflag:s8], $0x0  }
0x24: {  	s3 =	sadd.s32 $0x88, s3;
	s6 =	simm.s32 @!p1 $0x1082;
	[sflag:s4] =	ssyncset.s32 $0xFFFFF086  }
0x25: {  	[simem:s6], [sflag:s4] =	dma.local [hbm:s3], $0xF7A  }
0x26: {  	[smem:$0x3FA0] =	sst s1;
	(tag) =	ssettag s2;
	_ =	strace s9  }
0x27: {  	s1 =	sld [smem:$0x3FB0]  }
0x28: {  	s2 =	sld [smem:$0x3FB1]  }
0x29: {  	s4 =	sld [smem:$0x3FB3]  }
0x2a: {  	p0 =	seq.s32 s5, $0x0;
	s5 =	sld [smem:$0x3FB4]  }
0x2b: {  	s6 =	sld [smem:$0x3FB5]  }
0x2c: {  	s7 =	sld [smem:$0x3FB6]  }
0x2d: {  	s3 =	simm.s32 $0x108;
	s8 =	sld [smem:$0x3FB7]  }
0x2e: {  	s3 =	simm.s32 @!p0 $0x1082;
	s9 =	sld [smem:$0x3FB8]  }
0x2f: {  	lr =	sadd.s32 s0, s3;
	s0 =	sld [smem:$0x3FAF]  }
0x30: {  	s3 =	sld [smem:$0x3FB2]  }
0x31: {  	[smem:$0x3FBB] =	sst s10  }
0x32: {  	s10 =	sld [smem:$0x3FB9];
	_ =	sdelay $0x3  }
0x33: {  	p0 =	seq.s32 s10, $0x1;
	s10 =	sld [smem:$0x3FBB];
	_ =	sdelay $0x3  }
0x34: {  	[smem:$0x3FBB] =	sst s10  }
0x35: {  	s10 =	sld [smem:$0x3FBA];
	_ =	sdelay $0x3  }
0x36: {  	p1 =	seq.s32 s10, $0x1;
	s10 =	sld [smem:$0x3FBB];
	_ =	sdelay $0x3  }
0x37: {  	[smem:$0x3FBB] =	sst s10  }
0x38: {  	s10 =	sld [smem:$0x3FBC]  }
0x39: {  	_ = 	snop;
	(pc) =	sbr.ind lr, $3  }
0x3a: {  	_ = 	snop  }
0x3b: {  	_ = 	snop  }
0x3c: {  	p2 =	seq.s32 s10, $0x1;
	s10 =	sld [smem:$0x3FBB]  }
0x3d: {  	_ =	shalt  }
0x3e: {  	_ =	shalt  }
0x3f: {  	_ =	shalt  }
0x40: {  	_ =	shalt  }
0x41: {  	_ =	shalt  }
0x42: {  	_ =	shalt  }
0x43: {  	_ =	shalt  }
0x44: {  	_ =	shalt  }
0x45: {  	_ =	shalt  }
0x46: {  	_ =	shalt  }
0x47: {  	_ =	shalt  }
0x48: {  	_ =	shalt  }
0x49: {  	_ =	shalt  }
0x4a: {  	_ =	shalt  }
0x4b: {  	_ =	shalt  }
0x4c: {  	_ =	shalt  }
0x4d: {  	_ =	shalt  }
0x4e: {  	_ =	shalt  }
0x4f: {  	_ =	shalt  }
0x50: {  	_ =	shalt  }
0x51: {  	_ =	shalt  }
0x52: {  	_ =	shalt  }
0x53: {  	_ =	shalt  }
0x54: {  	_ =	shalt  }
0x55: {  	_ =	shalt  }
0x56: {  	_ =	shalt  }
0x57: {  	_ =	shalt  }
0x58: {  	_ =	shalt  }
0x59: {  	_ =	shalt  }
0x5a: {  	_ =	shalt  }
0x5b: {  	_ =	shalt  }
0x5c: {  	_ =	shalt  }
0x5d: {  	_ =	shalt  }
0x5e: {  	_ =	shalt  }
0x5f: {  	_ =	shalt  }
0x60: {  	_ =	shalt  }
0x61: {  	_ =	shalt  }
0x62: {  	_ =	shalt  }
0x63: {  	_ =	shalt  }
0x64: {  	_ =	shalt  }
0x65: {  	_ =	shalt  }
0x66: {  	_ =	shalt  }
0x67: {  	_ =	shalt  }
0x68: {  	_ =	shalt  }
0x69: {  	_ =	shalt  }
0x6a: {  	_ =	shalt  }
0x6b: {  	_ =	shalt  }
0x6c: {  	_ =	shalt  }
0x6d: {  	_ =	shalt  }
0x6e: {  	_ =	shalt  }
0x6f: {  	_ =	shalt  }
0x70: {  	_ =	shalt  }
0x71: {  	_ =	shalt  }
0x72: {  	_ =	shalt  }
0x73: {  	_ =	shalt  }
0x74: {  	_ =	shalt  }
0x75: {  	_ =	shalt  }
0x76: {  	_ =	shalt  }
0x77: {  	_ =	shalt  }
0x78: {  	_ =	shalt  }
0x79: {  	_ =	shalt  }
0x7a: {  	_ =	shalt  }
0x7b: {  	_ =	shalt  }
0x7c: {  	_ =	shalt  }
0x7d: {  	_ =	shalt  }
0x7e: {  	_ =	shalt  }
0x7f: {  	_ =	shalt  }
0x80: {  	_ =	shalt  }
0x81: {  	_ =	shalt  }
0x82: {  	_ =	shalt  }
0x83: {  	_ =	shalt  }
0x84: {  	_ =	shalt  }
0x85: {  	_ =	shalt  }
0x86: {  	_ =	shalt  }
0x87: {  	_ =	shalt  }
.Lfunc_end0:
.L_simem_size_0:
called_computation_lowered:
.L_overlay_start_0:
0x88: {  	s2 =	sld [smem:$0x3FD9]  }
0x89: {  	s3 =	sld [smem:$0x3FFE];
	_ =	sdelay $0x1  }
0x8a: {  	s1 =	srdreg.scid  }
0x8b: {  	s0 =	sand.u32 $0x1, s1  }
0x8c: {  	s17 =	sshll.u32 s0, $0xA;
	s2 =	sadd.s32 s3, s2  }
0x8d: {  	s2 =	sadd.s32 s2, s17  }
0x8e: {  	[smem:$0x3FC7] =	sst s2  }
0x8f: {  	_ = 	snop  }
0x90: {  	s2 =	sld [smem:$0x3FC9];
	(tm) =	ssettm $0x1  }
0x91: {  	s18 =	sld [smem:$0x3FFB];
	_ =	sdelay $0x3  }
0x92: {  	_ =	strace s18  }
0x93: {  	s3 =	sld [smem:$0x3FFC];
	_ =	sdelay $0x3  }
0x94: {  	_ =	strace s3  }
0x95: {  	s3 =	sld [smem:$0x3FFD];
	_ =	sdelay $0x3  }
0x96: {  	_ =	strace s3  }
0x97: {  	_ =	strace $0x8FFFFFFF  }
0x98: {  	s19 =	sld [smem:$0x3FDB];
	_ =	sdelay $0x1  }
0x99: {  	s4 =	simm.s32 $_scs_section_size  }
0x9a: {  	s5 =	simm.s32 $_size__tile_overlayer_lowered;
	s6 =	simm.s32 $_tile_overlayer_lowered  }
0x9b: {  	s22 =	simm.s32 $0x1BFF;
	s21 =	sshll.u32 s6, $0x1;
	s3 =	sadd.s32 s4, s19  }
0x9c: {  	s7 =	simm.s32 $0x0;
	s20 =	sshll.u32 s5, $0x1;
	s5 =	sadd.s32 s21, s3  }
0x9d: {  	[timem:s7], [sflag:s22] =	dma.local [hbm:s5], s20  }
0x9e: {  	_ =	swait.ge [sflag:s22], s20  }
0x9f: {  	s4 =	ssub.s32 $0x0, s20;
	[sflag:s22] =	ssyncset.done $0x0  }
0xa0: {  	[sflag:s22] =	ssyncadd.s32 s4;
	_ =	sdelay $0x1  }
0xa1: {  	s23 =	simm.s32 $0x1B8B  }
0xa2: {  	_ =	swait.ge [sflag:s23], $0x1  }
0xa3: {  	[sflag:s23] =	ssyncset.done $0x0  }
0xa4: {  	s25 =	simm.s32 $0x1B8E;
	s24 =	sld [smem:$0x3FFE];
	[sflag:s23] =	ssyncadd.s32 $0xFFFFFFFF  }
0xa5: {  	s26 =	simm.s32 $execute0_lowered;
	[smem:$0x3FD2] =	sst s25  }
0xa6: {  	s5 =	sshll.u32 s26, $0x1;
	_ =	strace $0x80000046;
	[dreg:$0x1] =	wrdreg $0xFFFFFFFF  }
0xa7: {  	s28 =	simm.s32 $_size_execute0_lowered;
	s3 =	sadd.s32 s3, s5;
	[dreg:$0x0] =	wrdreg $0x0  }
0xa8: {  	s5 =	sshll.u32 s28, $0x1;
	[dreg:$0x2] =	wrdreg s3  }
0xa9: {  	[dreg:$0x3] =	wrdreg s5  }
0xaa: {  	[dreg:$0x4] =	wrdreg $0xC0  }
0xab: {  	_ =	task [dreg:s7], $0x5FFFF  }
0xac: {  	[dreg:$0x1] =	wrdreg $0xFFFFFFFF  }
0xad: {  	[dreg:$0x0] =	wrdreg $0x60  }
0xae: {  	[dreg:$0x2] =	wrdreg s2  }
0xaf: {  	[dreg:$0x3] =	wrdreg s24  }
0xb0: {  	[dreg:$0x4] =	wrdreg $0x9  }
0xb1: {  	_ =	task.clear_ibuf [dreg:s7], $0x5FFFF;
	_ =	strace $0x90000046  }
0xb2: {  	s29 =	simm.s32 $0x9;
	_ =	strace $0x80000048  }
0xb3: {  	_ =	swait.ge [sflag:s29], $0x1  }
0xb4: {  	[sflag:s29] =	ssyncadd.s32 $0xFFFFFFFF  }
0xb5: {  	_ =	strace $0x90000048  }
0xb6: {  	_ =	sfence  }
0xb7: {  	s30 =	sld [smem:$0x0];
	_ =	sdelay $0x2  }
0xb8: {  	s31 =	sshll.u32 s1, $0xD;
	s1 =	sshrl.u32 s1, $0x2  }
0xb9: {  	s3 =	sand.u32 $0x4000, s31;
	s1 =	sadd.s32 s1, s30  }
0xba: {  	s0 =	sor.u32 s3, s0;
	s1 =	sshll.u32 s1, $0x11  }
0xbb: {  	s0 =	sor.u32 s1, s0  }
0xbc: {  	s0 =	sadd.s32 $0x8F2B, s0  }
0xbd: {  	[sflag:s0] =	ssyncadd.remote.s32 $0x1  }
0xbe: {  	_ =	sfence.sel $0xFFFF  }
0xbf: {  	[dreg:$0x0] =	wrdreg $0xFFFFFFFF;
	(pc) =	sbr.abs _section_cstart, $3  }
0xc0: {  	[dreg:$0x1] =	wrdreg $0xFFFFFFFF  }
0xc1: {  	_ =	task.clear_ibuf [dreg:s7], $0x2FFFF;
	_ =	strace $0x9FFFFFFF  }
0xc2: {  	(tm) =	ssettm $0x7FFFFFFF  }
0xc3: {  	_ =	shalt  }
tec
execute0_lowered:
.L_overlay_start_1:
0x0: {  	(tag) =	ssettag $0x1  }
0x1: {  	s2 =	rddreg [dreg:$0x0]  }
0x2: {  	s0 =	srdreg.scid;
	s1 =	rddreg [dreg:$0x1]  }
0x3: {  	s5 =	stileid.u32;
	s3 =	simm.s32 $0x0;
	s0 =	sand.u32 $0x1, s0  }
0x4: {  	s31 =	simm.s32 $0x6400;
	[smem:$0x7FF] =	sst s3;
	s4 =	sshll.u32 s0, $0x4  }
0x5: {  	_ =	strace $0x80000047;
	s0 =	ssub.s32 $0x2, s0;
	s5 =	sor.u32 s5, s4  }
0x6: {  	s24 =	sshrl.u32 s0, $0x1;
	s4 =	smul.u32 $0x6400, s5;
	s12 =	sor.u32 $0x60, s5  }
0x7: {  	s6 =	smul.u32 $0xC80, s5;
	s13 =	sor.u32 $0xA0, s5;
	[dreg:$0xb] =	wrdreg s12  }
0x8: {  	s0 =	ssub.s32 s0, s24;
	s14 =	sor.u32 $0x80, s5;
	[dreg:$0xc] =	wrdreg s13  }
0x9: {  	s15 =	sor.u32 $0xC0, s5;
	s16 =	sor.u32 $0xE0, s5;
	[dreg:$0xd] =	wrdreg s14  }
0xa: {  	s18 =	sor.u32 $0x100, s5;
	s19 =	sor.u32 $0x120, s5;
	[dreg:$0xe] =	wrdreg s15  }
0xb: {  	[dreg:$0xf] =	wrdreg s16;
	s0 =	smax.u32 s0, $0x1;
	s7 =	sshrl.u32 s4, $0x3  }
0xc: {  	s4 =	sadd.s32 $0x400, s1;
	s25 =	sadd.s32 s2, s6;
	[dreg:$0x18] =	wrdreg s0  }
0xd: {  	s8 =	sadd.s32 $0x19000, s7;
	[dreg:$0x3] =	wrdreg s25;
	s28 =	sadd.s32 s4, s6  }
0xe: {  	s29 =	sadd.s32 $0x32000, s7;
	s26 =	sadd.s32 s2, s8;
	[dreg:$0x5] =	wrdreg s28  }
0xf: {  	s20 =	sor.u32 $0x140, s5;
	s9 =	sadd.s32 s2, s29;
	[dreg:$0x4] =	wrdreg s26  }
0x10: {  	s30 =	sadd.s32 s2, s7;
	s8 =	sadd.s32 s4, s8;
	[dreg:$0x6] =	wrdreg s9  }
0x11: {  	s5 =	simm.s32 $0x2;
	s10 =	sadd.s32 $0x4B000, s30;
	[dreg:$0x7] =	wrdreg s8  }
0x12: {  	s12 =	simm.s32 $0x0;
	s1 =	sadd.s32 s4, s29;
	[dreg:$0x8] =	wrdreg s10  }
0x13: {  	s17 =	sadd.s32 s4, s7;
	s11 =	sadd.s32 $0x64000, s30;
	[dreg:$0x9] =	wrdreg s1  }
0x14: {  	s21 =	sadd.s32 $0xC35000, s7;
	s22 =	sadd.s32 $0xC03000, s17;
	[dreg:$0xa] =	wrdreg s11  }
0x15: {  	s0 =	simm.s32 $0x1;
	s23 =	sadd.s32 s2, s21;
	[dreg:$0x10] =	wrdreg s22  }
0x16: {  	s25 =	sadd.s32 $0xC4E000, s7;
	s24 =	sadd.s32 s4, s21;
	[dreg:$0x12] =	wrdreg s23  }
0x17: {  	s6 =	simm.s32 $0x12C00;
	s28 =	sadd.s32 s2, s25;
	[dreg:$0x13] =	wrdreg s24  }
0x18: {  	s1 =	sadd.s32 $0xC1C000, s17;
	s26 =	sadd.s32 $0xC67000, s7;
	[dreg:$0x14] =	wrdreg s28  }
0x19: {  	v0 =	vlaneseq.u32;
	s7 =	simm.s32 $0x19000;
	[dreg:$0x11] =	wrdreg s1;
	s1 =	sadd.s32 s4, s25  }
0x1a: {  	v0 =	vmul.u32 $0x2, v0;
	s8 =	simm.s32 $0x3;
	s29 =	sadd.s32 s2, s26;
	[dreg:$0x15] =	wrdreg s1  }
0x1b: {  	s9 =	simm.s32 $0x4;
	s30 =	sadd.s32 s4, s26;
	[dreg:$0x16] =	wrdreg s29  }
0x1c: {  	v1 =	vor.u32 $0x20, v0;
	v2 =	vor.u32 $0x40, v0;
	v3 =	vor.u32 $0x60, v0;
	s10 =	simm.s32 $0x5;
	[dreg:$0x17] =	wrdreg s30;
	s1 =	simm.s32 $0xC800  }
.LBB2_1:
0x1d: {  	[dreg:$0x19] =	wrdreg s12  }
0x1e: {  	s11 =	rddreg [dreg:$0x3];
	s13 =	simm.s32 $0x0  }
0x1f: {  	[tilespmem:s3], [sflag:$0x1] =	stream.linear.gather [hbm4b:s11+s3], $0x6400, $0x38;
	[tilespmem:$0x1F400] =	vst v63  }
0x20: {  	s29 =	rddreg [dreg:$0x4];
	s30 =	simm.s32 $0x80;
	s14 =	simm.s32 $0x100;
	v4 =	vor.u32 s13, v0  }
0x21: {  	v5 =	vor.u32 s30, v0;
	[tilespmem:s31], [sflag:$0x2] =	stream.linear.gather [hbm4b:s29+s3], $0x6400, $0x38;
	[tilespmem:$0x1F400] =	vst v63  }
0x22: {  	s22 =	simm.s32 $0x180;
	v6 =	vor.u32 s14, v0;
	_ =	swait.ge [sflag:s0], $0x6400  }
0x23: {  	s17 =	simm.s32 $0x200;
	v7 =	vor.u32 s22, v0;
	[sflag:s0] =	ssyncset.done $0x0  }
0x24: {  	s12 =	simm.s32 $0x280;
	v8 =	vor.u32 s17, v0;
	[sflag:s0] =	ssyncadd.s32 $0xFFFF9C00  }
0x25: {  	s16 =	simm.s32 $0x300;
	v9 =	vor.u32 s12, v0;
	v4 =	vld.idx.msk [tilespmem:v4+s3+$0x0], $0xffff  }
0x26: {  	s15 =	simm.s32 $0x380;
	v10 =	vor.u32 s16, v0;
	v5 =	vld.idx.msk [tilespmem:v5+s3+$0x0], $0xffff  }
0x27: {  	v11 =	vor.u32 s15, v0;
	v6 =	vld.idx.msk [tilespmem:v6+s3+$0x0], $0xffff  }
0x28: {  	v12 =	vor.u32 s30, v1;
	v7 =	vld.idx.msk [tilespmem:v7+s3+$0x0], $0xffff  }
0x29: {  	s21 =	simm.s32 $0xCA00;
	v13 =	vor.u32 s13, v1;
	v8 =	vld.idx.msk [tilespmem:v8+s3+$0x0], $0xffff  }
0x2a: {  	v14 =	vor.u32 s14, v1;
	v9 =	vld.idx.msk [tilespmem:v9+s3+$0x0], $0xffff;
	[tilespmem:s21+$0xFFFFFE00] =	vst v4  }
0x2b: {  	v15 =	vor.u32 s22, v1;
	v4 =	vld.idx.msk [tilespmem:v10+s3+$0x0], $0xffff;
	[tilespmem:s21+$0xFFFFFE80] =	vst v5  }
0x2c: {  	v10 =	vor.u32 s17, v1;
	v5 =	vld.idx.msk [tilespmem:v11+s3+$0x0], $0xffff;
	[tilespmem:s21+$0xFFFFFF00] =	vst v6  }
0x2d: {  	v11 =	vor.u32 s12, v1;
	[tilespmem:s21+$0xFFFFFF80] =	vst v7;
	v12 =	vld.idx.msk [tilespmem:v12+s3+$0x0], $0xffff  }
0x2e: {  	v6 =	vor.u32 s16, v1;
	[tilespmem:s21+$0x0] =	vst v8;
	v13 =	vld.idx.msk [tilespmem:v13+s3+$0x0], $0xffff  }
0x2f: {  	v7 =	vor.u32 s15, v1;
	[tilespmem:s21+$0x80] =	vst v9;
	v14 =	vld.idx.msk [tilespmem:v14+s3+$0x0], $0xffff  }
0x30: {  	v8 =	vor.u32 s13, v2;
	v15 =	vld.idx.msk [tilespmem:v15+s3+$0x0], $0xffff;
	[tilespmem:s21+$0x100] =	vst v4  }
0x31: {  	v9 =	vor.u32 s14, v2;
	v10 =	vld.idx.msk [tilespmem:v10+s3+$0x0], $0xffff;
	[tilespmem:s21+$0x180] =	vst v5  }
0x32: {  	v4 =	vor.u32 s22, v2;
	v11 =	vld.idx.msk [tilespmem:v11+s3+$0x0], $0xffff;
	[tilespmem:s21+$0xFFFFFE90] =	vst v12  }
0x33: {  	v5 =	vld.idx.msk [tilespmem:v6+s3+$0x0], $0xffff;
	v12 =	vor.u32 s12, v2;
	[tilespmem:s21+$0xFFFFFE10] =	vst v13  }
0x34: {  	v13 =	vor.u32 s16, v2;
	v7 =	vld.idx.msk [tilespmem:v7+s3+$0x0], $0xffff;
	[tilespmem:s21+$0xFFFFFF10] =	vst v14  }
0x35: {  	[tilespmem:s21+$0xFFFFFF90] =	vst v15;
	v15 =	vor.u32 s15, v2;
	v8 =	vld.idx.msk [tilespmem:v8+s3+$0x0], $0xffff  }
0x36: {  	v14 =	vor.u32 s30, v2;
	v6 =	vld.idx.msk [tilespmem:v9+s3+$0x0], $0xffff  }
0x37: {  	v18 =	vor.u32 s17, v2;
	v17 =	vld.idx.msk [tilespmem:v4+s3+$0x0], $0xffff;
	[tilespmem:s21+$0x90] =	vst v11  }
0x38: {  	v11 =	vor.u32 s22, v3;
	v4 =	vld.idx.msk [tilespmem:v12+s3+$0x0], $0xffff;
	[tilespmem:s21+$0x110] =	vst v5  }
0x39: {  	v16 =	vor.u32 s13, v3;
	[tilespmem:s21+$0x190] =	vst v7;
	v9 =	vld.idx.msk [tilespmem:v13+s3+$0x0], $0xffff  }
0x3a: {  	[tilespmem:s21+$0xFFFFFE20] =	vst v8;
	v8 =	vld.idx.msk [tilespmem:v15+s3+$0x0], $0xffff;
	v15 =	vor.u32 s14, v3  }
0x3b: {  	[tilespmem:s21+$0x10] =	vst v10;
	v7 =	vld.idx.msk [tilespmem:v14+s3+$0x0], $0xffff;
	v14 =	vor.u32 s16, v3  }
0x3c: {  	v10 =	vld.idx.msk [tilespmem:v18+s3+$0x0], $0xffff;
	v13 =	vor.u32 s30, v3;
	[tilespmem:s21+$0xFFFFFFA0] =	vst v17  }
0x3d: {  	s23 =	simm.s32 $0x8;
	s22 =	simm.s32 $0xCA00;
	v5 =	vor.u32 s17, v3;
	v12 =	vor.u32 s15, v3;
	v11 =	vld.idx.msk [tilespmem:v11+s3+$0x0], $0xffff  }
.LBB2_2:
0x3e: {  	s26 =	sshll.u32 s23, $0x7;
	p0 =	slt.u32 s23, $0xC0;
	s23 =	sadd.s32 $0x8, s23;
	v16 =	vld.idx.msk [tilespmem:v16+s3+$0x0], $0xffff;
	[tilespmem:s21+$0xFFFFFF20] =	vst v6  }
0x3f: {  	v6 =	vor.u32 s26, v0;
	s25 =	sadd.s32 $0x80, s26;
	s13 =	sadd.s32 $0x180, s26;
	s24 =	sadd.s32 $0x380, s26;
	v15 =	vld.idx.msk [tilespmem:v15+s3+$0x0], $0xffff;
	[tilespmem:s21+$0x120] =	vst v9  }
0x40: {  	s11 =	sadd.s32 $0x100, s26;
	s14 =	sadd.s32 $0x200, s26;
	s16 =	sadd.s32 $0x280, s26;
	v9 =	vor.u32 s25, v0;
	v17 =	vor.u32 s13, v1;
	[tilespmem:s21+$0xFFFFFEA0] =	vst v7;
	v7 =	vld.idx.msk [tilespmem:v14+s3+$0x0], $0xffff  }
0x41: {  	v14 =	vor.u32 s11, v0;
	v18 =	vor.u32 s16, v1;
	v13 =	vld.idx.msk [tilespmem:v13+s3+$0x0], $0xffff;
	[tilespmem:s21+$0x1A0] =	vst v8  }
0x42: {  	v19 =	vor.u32 s14, v3;
	v8 =	vor.u32 s13, v0;
	[tilespmem:s21+$0x20] =	vst v10;
	v10 =	vld.idx.msk [tilespmem:v12+s3+$0x0], $0xffff  }
0x43: {  	v12 =	vor.u32 s14, v0;
	[tilespmem:s21+$0xFFFFFFB0] =	vst v11;
	v11 =	vld.idx.msk [tilespmem:v5+s3+$0x0], $0xffff;
	v5 =	vmov v19  }
0x44: {  	s15 =	sadd.s32 $0x300, s26;
	v19 =	vor.u32 s16, v0;
	v6 =	vld.idx.msk [tilespmem:v6+s3+$0x0], $0xffff;
	[tilespmem:s21+$0xFFFFFE30] =	vst v16  }
0x45: {  	v16 =	vor.u32 s15, v0;
	v9 =	vld.idx.msk [tilespmem:v9+s3+$0x0], $0xffff;
	[tilespmem:s21+$0xFFFFFF30] =	vst v15  }
0x46: {  	v15 =	vor.u32 s24, v0;
	v14 =	vld.idx.msk [tilespmem:v14+s3+$0x0], $0xffff;
	[tilespmem:s21+$0x130] =	vst v7  }
0x47: {  	v20 =	vor.u32 s25, v1;
	v7 =	vor.u32 s26, v1;
	v8 =	vld.idx.msk [tilespmem:v8+s3+$0x0], $0xffff;
	[tilespmem:s21+$0xFFFFFEB0] =	vst v13  }
0x48: {  	v13 =	vor.u32 s11, v1;
	v12 =	vld.idx.msk [tilespmem:v12+s3+$0x0], $0xffff;
	[tilespmem:s21+$0x1B0] =	vst v10  }
0x49: {  	s21 =	sadd.s32 $0x400, s21;
	v10 =	vld.idx.msk [tilespmem:v19+s3+$0x0], $0xffff;
	[tilespmem:s22+$0x30] =	vst v11  }
0x4a: {  	[tilespmem:s21+$0xFFFFFE00] =	vst v6;
	v6 =	vor.u32 s14, v1;
	v11 =	vld.idx.msk [tilespmem:v16+s3+$0x0], $0xffff  }
0x4b: {  	[tilespmem:s21+$0xFFFFFE80] =	vst v9;
	v9 =	vld.idx.msk [tilespmem:v15+s3+$0x0], $0xffff  }
0x4c: {  	v15 =	vld.idx.msk [tilespmem:v20+s3+$0x0], $0xffff;
	[tilespmem:s21+$0xFFFFFF00] =	vst v14;
	v14 =	vor.u32 s15, v1  }
0x4d: {  	v7 =	vld.idx.msk [tilespmem:v7+s3+$0x0], $0xffff;
	[tilespmem:s21+$0xFFFFFF80] =	vst v8;
	v8 =	vor.u32 s24, v1  }
0x4e: {  	v13 =	vld.idx.msk [tilespmem:v13+s3+$0x0], $0xffff;
	[tilespmem:s21+$0x0] =	vst v12  }
0x4f: {  	v12 =	vor.u32 s26, v2;
	v16 =	vld.idx.msk [tilespmem:v17+s3+$0x0], $0xffff;
	[tilespmem:s21+$0x80] =	vst v10  }
0x50: {  	v10 =	vor.u32 s11, v2;
	v17 =	vld.idx.msk [tilespmem:v6+s3+$0x0], $0xffff;
	[tilespmem:s21+$0x100] =	vst v11  }
0x51: {  	v11 =	vor.u32 s13, v2;
	v18 =	vld.idx.msk [tilespmem:v18+s3+$0x0], $0xffff;
	[tilespmem:s21+$0x180] =	vst v9  }
0x52: {  	[tilespmem:s21+$0xFFFFFE90] =	vst v15;
	v9 =	vld.idx.msk [tilespmem:v14+s3+$0x0], $0xffff;
	v14 =	vor.u32 s12, v3;
	s12 =	smov.u32 s16  }
0x53: {  	v15 =	vor.u32 s15, v2;
	[tilespmem:s21+$0xFFFFFE10] =	vst v7;
	v7 =	vor.u32 s12, v2;
	v8 =	vld.idx.msk [tilespmem:v8+s3+$0x0], $0xffff  }
0x54: {  	v12 =	vld.idx.msk [tilespmem:v12+s3+$0x0], $0xffff;
	[tilespmem:s21+$0xFFFFFF10] =	vst v13  }
0x55: {  	v13 =	vor.u32 s25, v2;
	v6 =	vld.idx.msk [tilespmem:v10+s3+$0x0], $0xffff;
	[tilespmem:s21+$0xFFFFFF90] =	vst v16  }
0x56: {  	v10 =	vld.idx.msk [tilespmem:v11+s3+$0x0], $0xffff;
	v11 =	vor.u32 s24, v2;
	[tilespmem:s22+$0xA0] =	vst v4  }
0x57: {  	v19 =	vor.u32 s14, v2;
	[tilespmem:s21+$0x90] =	vst v18;
	v18 =	vld.idx.msk [tilespmem:v14+s3+$0x0], $0xffff  }
0x58: {  	v20 =	vor.u32 s13, v3;
	v4 =	vld.idx.msk [tilespmem:v7+s3+$0x0], $0xffff;
	[tilespmem:s21+$0x110] =	vst v9  }
.Ltmp0:
0x59: {  	v16 =	vor.u32 s26, v3;
	v9 =	vld.idx.msk [tilespmem:v15+s3+$0x0], $0xffff;
	[tilespmem:s21+$0x190] =	vst v8;
	(pc) =	sbr.rel @p0 .LBB2_2-.Ltmp0, $4  }
0x5a: {  	v15 =	vor.u32 s11, v3;
	v7 =	vld.idx.msk [tilespmem:v13+s3+$0x0], $0xffff;
	[tilespmem:s21+$0x10] =	vst v17  }
0x5b: {  	v14 =	vor.u32 s15, v3;
	[tilespmem:s21+$0xFFFFFE20] =	vst v12;
	v8 =	vld.idx.msk [tilespmem:v11+s3+$0x0], $0xffff  }
0x5c: {  	v13 =	vor.u32 s25, v3;
	[tilespmem:s21+$0xFFFFFFA0] =	vst v10;
	v10 =	vld.idx.msk [tilespmem:v19+s3+$0x0], $0xffff  }
0x5d: {  	v12 =	vor.u32 s24, v3;
	v11 =	vld.idx.msk [tilespmem:v20+s3+$0x0], $0xffff;
	[tilespmem:s22+$0xB0] =	vst v18;
	s22 =	smov.u32 s21  }
0x5e: {  	_ =	sdelay $0x1  }
0x5f: {  	[tilespmem:s21+$0xFFFFFF20] =	vst v6  }
0x60: {  	[tilespmem:s21+$0x120] =	vst v9  }
0x61: {  	v6 =	vld.idx.msk [tilespmem:v16+s3+$0x0], $0xffff;
	[tilespmem:s21+$0xFFFFFEA0] =	vst v7  }
0x62: {  	v7 =	vld.idx.msk [tilespmem:v15+s3+$0x0], $0xffff;
	[tilespmem:s21+$0x1A0] =	vst v8;
	v8 =	vor.u32 s12, v3  }
0x63: {  	[tilespmem:s22+$0xA0] =	vst v4;
	v9 =	vld.idx.msk [tilespmem:v14+s3+$0x0], $0xffff  }
0x64: {  	[tilespmem:s21+$0x20] =	vst v10;
	v10 =	vld.idx.msk [tilespmem:v13+s3+$0x0], $0xffff  }
0x65: {  	[tilespmem:s21+$0xFFFFFFB0] =	vst v11;
	v11 =	vld.idx.msk [tilespmem:v12+s3+$0x0], $0xffff  }
0x66: {  	v5 =	vld.idx.msk [tilespmem:v5+s3+$0x0], $0xffff;
	[tilespmem:s21+$0xFFFFFE30] =	vst v6  }
0x67: {  	[tilespmem:s21+$0xFFFFFF30] =	vst v7;
	v4 =	vld.idx.msk [tilespmem:v8+s3+$0x0], $0xffff  }
0x68: {  	[tilespmem:s21+$0x130] =	vst v9  }
0x69: {  	[tilespmem:s21+$0xFFFFFEB0] =	vst v10  }
0x6a: {  	[tilespmem:s21+$0x1B0] =	vst v11  }
0x6b: {  	[tilespmem:s22+$0x30] =	vst v5  }
0x6c: {  	[tilespmem:s22+$0xB0] =	vst v4  }
0x6d: {  	s11 =	simm.s32 $0x0;
	s13 =	simm.s32 $0x0;
	s26 =	rddreg [dreg:$0x5]  }
0x6e: {  	[hbm4b:s26+s11] =	stream.linear.scatter [tilespmem:s1], [sflag:$0x3], $0x6400, $0x38;
	[tilespmem:$0x1F400] =	vst v63  }
0x6f: {  	s29 =	simm.s32 $0x80;
	s14 =	simm.s32 $0x100;
	v4 =	vor.u32 s13, v0;
	s28 =	rddreg [dreg:$0x6]  }
0x70: {  	v5 =	vor.u32 s29, v0;
	[tilespmem:s11], [sflag:$0x1] =	stream.linear.gather [hbm4b:s28+s11], $0x6400, $0x38;
	[tilespmem:$0x1F400] =	vst v63  }
0x71: {  	s30 =	simm.s32 $0x180;
	v6 =	vor.u32 s14, v0;
	_ =	swait.ge [sflag:s5], $0x6400  }
0x72: {  	s17 =	simm.s32 $0x200;
	v7 =	vor.u32 s30, v0;
	[sflag:s5] =	ssyncset.done $0x0  }
0x73: {  	s12 =	simm.s32 $0x280;
	v8 =	vor.u32 s17, v0;
	[sflag:s5] =	ssyncadd.s32 $0xFFFF9C00  }
0x74: {  	s16 =	simm.s32 $0x300;
	v9 =	vor.u32 s12, v0;
	v4 =	vld.idx.msk [tilespmem:v4+s31+$0x0], $0xffff  }
0x75: {  	s15 =	simm.s32 $0x380;
	v10 =	vor.u32 s16, v0;
	v5 =	vld.idx.msk [tilespmem:v5+s31+$0x0], $0xffff  }
0x76: {  	v11 =	vor.u32 s15, v0;
	v6 =	vld.idx.msk [tilespmem:v6+s31+$0x0], $0xffff  }
0x77: {  	v12 =	vor.u32 s29, v1;
	v7 =	vld.idx.msk [tilespmem:v7+s31+$0x0], $0xffff  }
0x78: {  	v13 =	vor.u32 s13, v1;
	s21 =	simm.s32 $0x12E00;
	v8 =	vld.idx.msk [tilespmem:v8+s31+$0x0], $0xffff  }
0x79: {  	v14 =	vor.u32 s14, v1;
	v9 =	vld.idx.msk [tilespmem:v9+s31+$0x0], $0xffff;
	[tilespmem:s21+$0xFFFFFE00] =	vst v4  }
0x7a: {  	v15 =	vor.u32 s30, v1;
	v4 =	vld.idx.msk [tilespmem:v10+s31+$0x0], $0xffff;
	[tilespmem:s21+$0xFFFFFE80] =	vst v5  }
0x7b: {  	v10 =	vor.u32 s17, v1;
	v5 =	vld.idx.msk [tilespmem:v11+s31+$0x0], $0xffff;
	[tilespmem:s21+$0xFFFFFF00] =	vst v6  }
0x7c: {  	v11 =	vor.u32 s12, v1;
	[tilespmem:s21+$0xFFFFFF80] =	vst v7;
	v12 =	vld.idx.msk [tilespmem:v12+s31+$0x0], $0xffff  }
0x7d: {  	v6 =	vor.u32 s16, v1;
	[tilespmem:s21+$0x0] =	vst v8;
	v13 =	vld.idx.msk [tilespmem:v13+s31+$0x0], $0xffff  }
0x7e: {  	v7 =	vor.u32 s15, v1;
	[tilespmem:s21+$0x80] =	vst v9;
	v14 =	vld.idx.msk [tilespmem:v14+s31+$0x0], $0xffff  }
0x7f: {  	v8 =	vor.u32 s13, v2;
	v15 =	vld.idx.msk [tilespmem:v15+s31+$0x0], $0xffff;
	[tilespmem:s21+$0x100] =	vst v4  }
0x80: {  	v9 =	vor.u32 s14, v2;
	v10 =	vld.idx.msk [tilespmem:v10+s31+$0x0], $0xffff;
	[tilespmem:s21+$0x180] =	vst v5  }
0x81: {  	v4 =	vor.u32 s30, v2;
	v11 =	vld.idx.msk [tilespmem:v11+s31+$0x0], $0xffff;
	[tilespmem:s21+$0xFFFFFE90] =	vst v12  }
0x82: {  	v5 =	vld.idx.msk [tilespmem:v6+s31+$0x0], $0xffff;
	v12 =	vor.u32 s12, v2;
	[tilespmem:s21+$0xFFFFFE10] =	vst v13  }
0x83: {  	v13 =	vor.u32 s16, v2;
	v7 =	vld.idx.msk [tilespmem:v7+s31+$0x0], $0xffff;
	[tilespmem:s21+$0xFFFFFF10] =	vst v14  }
0x84: {  	[tilespmem:s21+$0xFFFFFF90] =	vst v15;
	v15 =	vor.u32 s15, v2;
	v8 =	vld.idx.msk [tilespmem:v8+s31+$0x0], $0xffff  }
0x85: {  	v14 =	vor.u32 s29, v2;
	v6 =	vld.idx.msk [tilespmem:v9+s31+$0x0], $0xffff  }
0x86: {  	v18 =	vor.u32 s17, v2;
	v17 =	vld.idx.msk [tilespmem:v4+s31+$0x0], $0xffff;
	[tilespmem:s21+$0x90] =	vst v11  }
0x87: {  	v11 =	vor.u32 s30, v3;
	v4 =	vld.idx.msk [tilespmem:v12+s31+$0x0], $0xffff;
	[tilespmem:s21+$0x110] =	vst v5  }
0x88: {  	v16 =	vor.u32 s13, v3;
	[tilespmem:s21+$0x190] =	vst v7;
	v9 =	vld.idx.msk [tilespmem:v13+s31+$0x0], $0xffff  }
0x89: {  	[tilespmem:s21+$0xFFFFFE20] =	vst v8;
	v8 =	vld.idx.msk [tilespmem:v15+s31+$0x0], $0xffff;
	v15 =	vor.u32 s14, v3  }
0x8a: {  	[tilespmem:s21+$0x10] =	vst v10;
	v7 =	vld.idx.msk [tilespmem:v14+s31+$0x0], $0xffff;
	v14 =	vor.u32 s16, v3  }
0x8b: {  	v10 =	vld.idx.msk [tilespmem:v18+s31+$0x0], $0xffff;
	v13 =	vor.u32 s29, v3;
	[tilespmem:s21+$0xFFFFFFA0] =	vst v17  }
0x8c: {  	s23 =	simm.s32 $0x8;
	s22 =	simm.s32 $0x12E00;
	v5 =	vor.u32 s17, v3;
	v12 =	vor.u32 s15, v3;
	v11 =	vld.idx.msk [tilespmem:v11+s31+$0x0], $0xffff  }
.LBB2_4:
0x8d: {  	s26 =	sshll.u32 s23, $0x7;
	p0 =	slt.u32 s23, $0xC0;
	s23 =	sadd.s32 $0x8, s23;
	v16 =	vld.idx.msk [tilespmem:v16+s31+$0x0], $0xffff;
	[tilespmem:s21+$0xFFFFFF20] =	vst v6  }
0x8e: {  	v6 =	vor.u32 s26, v0;
	s25 =	sadd.s32 $0x80, s26;
	s13 =	sadd.s32 $0x180, s26;
	s24 =	sadd.s32 $0x380, s26;
	v15 =	vld.idx.msk [tilespmem:v15+s31+$0x0], $0xffff;
	[tilespmem:s21+$0x120] =	vst v9  }
0x8f: {  	s11 =	sadd.s32 $0x100, s26;
	s14 =	sadd.s32 $0x200, s26;
	s16 =	sadd.s32 $0x280, s26;
	v9 =	vor.u32 s25, v0;
	v17 =	vor.u32 s13, v1;
	[tilespmem:s21+$0xFFFFFEA0] =	vst v7;
	v7 =	vld.idx.msk [tilespmem:v14+s31+$0x0], $0xffff  }
0x90: {  	v14 =	vor.u32 s11, v0;
	v18 =	vor.u32 s16, v1;
	v13 =	vld.idx.msk [tilespmem:v13+s31+$0x0], $0xffff;
	[tilespmem:s21+$0x1A0] =	vst v8  }
0x91: {  	v19 =	vor.u32 s14, v3;
	v8 =	vor.u32 s13, v0;
	[tilespmem:s21+$0x20] =	vst v10;
	v10 =	vld.idx.msk [tilespmem:v12+s31+$0x0], $0xffff  }
0x92: {  	v12 =	vor.u32 s14, v0;
	[tilespmem:s21+$0xFFFFFFB0] =	vst v11;
	v11 =	vld.idx.msk [tilespmem:v5+s31+$0x0], $0xffff;
	v5 =	vmov v19  }
0x93: {  	s15 =	sadd.s32 $0x300, s26;
	v19 =	vor.u32 s16, v0;
	v6 =	vld.idx.msk [tilespmem:v6+s31+$0x0], $0xffff;
	[tilespmem:s21+$0xFFFFFE30] =	vst v16  }
0x94: {  	v16 =	vor.u32 s15, v0;
	v9 =	vld.idx.msk [tilespmem:v9+s31+$0x0], $0xffff;
	[tilespmem:s21+$0xFFFFFF30] =	vst v15  }
0x95: {  	v15 =	vor.u32 s24, v0;
	v14 =	vld.idx.msk [tilespmem:v14+s31+$0x0], $0xffff;
	[tilespmem:s21+$0x130] =	vst v7  }
0x96: {  	v20 =	vor.u32 s25, v1;
	v7 =	vor.u32 s26, v1;
	v8 =	vld.idx.msk [tilespmem:v8+s31+$0x0], $0xffff;
	[tilespmem:s21+$0xFFFFFEB0] =	vst v13  }
0x97: {  	v13 =	vor.u32 s11, v1;
	v12 =	vld.idx.msk [tilespmem:v12+s31+$0x0], $0xffff;
	[tilespmem:s21+$0x1B0] =	vst v10  }
0x98: {  	s21 =	sadd.s32 $0x400, s21;
	v10 =	vld.idx.msk [tilespmem:v19+s31+$0x0], $0xffff;
	[tilespmem:s22+$0x30] =	vst v11  }
0x99: {  	[tilespmem:s21+$0xFFFFFE00] =	vst v6;
	v6 =	vor.u32 s14, v1;
	v11 =	vld.idx.msk [tilespmem:v16+s31+$0x0], $0xffff  }
0x9a: {  	[tilespmem:s21+$0xFFFFFE80] =	vst v9;
	v9 =	vld.idx.msk [tilespmem:v15+s31+$0x0], $0xffff  }
0x9b: {  	v15 =	vld.idx.msk [tilespmem:v20+s31+$0x0], $0xffff;
	[tilespmem:s21+$0xFFFFFF00] =	vst v14;
	v14 =	vor.u32 s15, v1  }
0x9c: {  	v7 =	vld.idx.msk [tilespmem:v7+s31+$0x0], $0xffff;
	[tilespmem:s21+$0xFFFFFF80] =	vst v8;
	v8 =	vor.u32 s24, v1  }
0x9d: {  	v13 =	vld.idx.msk [tilespmem:v13+s31+$0x0], $0xffff;
	[tilespmem:s21+$0x0] =	vst v12  }
0x9e: {  	v12 =	vor.u32 s26, v2;
	v16 =	vld.idx.msk [tilespmem:v17+s31+$0x0], $0xffff;
	[tilespmem:s21+$0x80] =	vst v10  }
0x9f: {  	v10 =	vor.u32 s11, v2;
	v17 =	vld.idx.msk [tilespmem:v6+s31+$0x0], $0xffff;
	[tilespmem:s21+$0x100] =	vst v11  }
0xa0: {  	v11 =	vor.u32 s13, v2;
	v18 =	vld.idx.msk [tilespmem:v18+s31+$0x0], $0xffff;
	[tilespmem:s21+$0x180] =	vst v9  }
0xa1: {  	[tilespmem:s21+$0xFFFFFE90] =	vst v15;
	v9 =	vld.idx.msk [tilespmem:v14+s31+$0x0], $0xffff;
	v14 =	vor.u32 s12, v3;
	s12 =	smov.u32 s16  }
0xa2: {  	v15 =	vor.u32 s15, v2;
	[tilespmem:s21+$0xFFFFFE10] =	vst v7;
	v7 =	vor.u32 s12, v2;
	v8 =	vld.idx.msk [tilespmem:v8+s31+$0x0], $0xffff  }
0xa3: {  	v12 =	vld.idx.msk [tilespmem:v12+s31+$0x0], $0xffff;
	[tilespmem:s21+$0xFFFFFF10] =	vst v13  }
0xa4: {  	v13 =	vor.u32 s25, v2;
	v6 =	vld.idx.msk [tilespmem:v10+s31+$0x0], $0xffff;
	[tilespmem:s21+$0xFFFFFF90] =	vst v16  }
0xa5: {  	v10 =	vld.idx.msk [tilespmem:v11+s31+$0x0], $0xffff;
	v11 =	vor.u32 s24, v2;
	[tilespmem:s22+$0xA0] =	vst v4  }
0xa6: {  	v19 =	vor.u32 s14, v2;
	[tilespmem:s21+$0x90] =	vst v18;
	v18 =	vld.idx.msk [tilespmem:v14+s31+$0x0], $0xffff  }
0xa7: {  	v20 =	vor.u32 s13, v3;
	v4 =	vld.idx.msk [tilespmem:v7+s31+$0x0], $0xffff;
	[tilespmem:s21+$0x110] =	vst v9  }
.Ltmp1:
0xa8: {  	v16 =	vor.u32 s26, v3;
	v9 =	vld.idx.msk [tilespmem:v15+s31+$0x0], $0xffff;
	[tilespmem:s21+$0x190] =	vst v8;
	(pc) =	sbr.rel @p0 .LBB2_4-.Ltmp1, $4  }
0xa9: {  	v15 =	vor.u32 s11, v3;
	v7 =	vld.idx.msk [tilespmem:v13+s31+$0x0], $0xffff;
	[tilespmem:s21+$0x10] =	vst v17  }
0xaa: {  	v14 =	vor.u32 s15, v3;
	[tilespmem:s21+$0xFFFFFE20] =	vst v12;
	v8 =	vld.idx.msk [tilespmem:v11+s31+$0x0], $0xffff  }
0xab: {  	v13 =	vor.u32 s25, v3;
	[tilespmem:s21+$0xFFFFFFA0] =	vst v10;
	v10 =	vld.idx.msk [tilespmem:v19+s31+$0x0], $0xffff  }
0xac: {  	v12 =	vor.u32 s24, v3;
	v11 =	vld.idx.msk [tilespmem:v20+s31+$0x0], $0xffff;
	[tilespmem:s22+$0xB0] =	vst v18;
	s22 =	smov.u32 s21  }
0xad: {  	_ =	sdelay $0x1  }
0xae: {  	[tilespmem:s21+$0xFFFFFF20] =	vst v6  }
0xaf: {  	[tilespmem:s21+$0x120] =	vst v9  }
0xb0: {  	v6 =	vld.idx.msk [tilespmem:v16+s31+$0x0], $0xffff;
	[tilespmem:s21+$0xFFFFFEA0] =	vst v7  }
0xb1: {  	v7 =	vld.idx.msk [tilespmem:v15+s31+$0x0], $0xffff;
	[tilespmem:s21+$0x1A0] =	vst v8;
	v8 =	vor.u32 s12, v3  }
0xb2: {  	[tilespmem:s22+$0xA0] =	vst v4;
	v9 =	vld.idx.msk [tilespmem:v14+s31+$0x0], $0xffff  }
0xb3: {  	[tilespmem:s21+$0x20] =	vst v10;
	v10 =	vld.idx.msk [tilespmem:v13+s31+$0x0], $0xffff  }
0xb4: {  	[tilespmem:s21+$0xFFFFFFB0] =	vst v11;
	v11 =	vld.idx.msk [tilespmem:v12+s31+$0x0], $0xffff  }
0xb5: {  	v5 =	vld.idx.msk [tilespmem:v5+s31+$0x0], $0xffff;
	[tilespmem:s21+$0xFFFFFE30] =	vst v6  }
0xb6: {  	[tilespmem:s21+$0xFFFFFF30] =	vst v7;
	v4 =	vld.idx.msk [tilespmem:v8+s31+$0x0], $0xffff  }
0xb7: {  	[tilespmem:s21+$0x130] =	vst v9  }
0xb8: {  	[tilespmem:s21+$0xFFFFFEB0] =	vst v10  }
0xb9: {  	[tilespmem:s21+$0x1B0] =	vst v11  }
0xba: {  	[tilespmem:s22+$0x30] =	vst v5  }
0xbb: {  	[tilespmem:s22+$0xB0] =	vst v4  }
0xbc: {  	s11 =	simm.s32 $0x0;
	s13 =	simm.s32 $0x0;
	s26 =	rddreg [dreg:$0x7]  }
0xbd: {  	[hbm4b:s26+s11] =	stream.linear.scatter [tilespmem:s6], [sflag:$0x4], $0x6400, $0x38;
	[tilespmem:$0x1F400] =	vst v63  }
0xbe: {  	s29 =	simm.s32 $0x80;
	s14 =	simm.s32 $0x100;
	v4 =	vor.u32 s13, v0;
	s28 =	rddreg [dreg:$0x8]  }
0xbf: {  	v5 =	vor.u32 s29, v0;
	[tilespmem:s31], [sflag:$0x2] =	stream.linear.gather [hbm4b:s28+s11], $0x6400, $0x38;
	[tilespmem:$0x1F400] =	vst v63  }
0xc0: {  	s30 =	simm.s32 $0x180;
	v6 =	vor.u32 s14, v0;
	_ =	swait.ge [sflag:s0], $0x6400  }
0xc1: {  	s17 =	simm.s32 $0x200;
	v7 =	vor.u32 s30, v0;
	[sflag:s0] =	ssyncset.done $0x0  }
0xc2: {  	s12 =	simm.s32 $0x280;
	v8 =	vor.u32 s17, v0;
	[sflag:s0] =	ssyncadd.s32 $0xFFFF9C00  }
0xc3: {  	s16 =	simm.s32 $0x300;
	v9 =	vor.u32 s12, v0;
	v4 =	vld.idx.msk [tilespmem:v4+s3+$0x0], $0xffff  }
0xc4: {  	s15 =	simm.s32 $0x380;
	v10 =	vor.u32 s16, v0;
	v5 =	vld.idx.msk [tilespmem:v5+s3+$0x0], $0xffff  }
0xc5: {  	v11 =	vor.u32 s15, v0;
	v6 =	vld.idx.msk [tilespmem:v6+s3+$0x0], $0xffff  }
0xc6: {  	v12 =	vor.u32 s29, v1;
	v7 =	vld.idx.msk [tilespmem:v7+s3+$0x0], $0xffff  }
0xc7: {  	v13 =	vor.u32 s13, v1;
	s21 =	simm.s32 $0x19200;
	v8 =	vld.idx.msk [tilespmem:v8+s3+$0x0], $0xffff  }
0xc8: {  	v14 =	vor.u32 s14, v1;
	v9 =	vld.idx.msk [tilespmem:v9+s3+$0x0], $0xffff;
	[tilespmem:s21+$0xFFFFFE00] =	vst v4  }
0xc9: {  	v15 =	vor.u32 s30, v1;
	v4 =	vld.idx.msk [tilespmem:v10+s3+$0x0], $0xffff;
	[tilespmem:s21+$0xFFFFFE80] =	vst v5  }
0xca: {  	v10 =	vor.u32 s17, v1;
	v5 =	vld.idx.msk [tilespmem:v11+s3+$0x0], $0xffff;
	[tilespmem:s21+$0xFFFFFF00] =	vst v6  }
0xcb: {  	v11 =	vor.u32 s12, v1;
	[tilespmem:s21+$0xFFFFFF80] =	vst v7;
	v12 =	vld.idx.msk [tilespmem:v12+s3+$0x0], $0xffff  }
0xcc: {  	v6 =	vor.u32 s16, v1;
	[tilespmem:s21+$0x0] =	vst v8;
	v13 =	vld.idx.msk [tilespmem:v13+s3+$0x0], $0xffff  }
0xcd: {  	v7 =	vor.u32 s15, v1;
	[tilespmem:s21+$0x80] =	vst v9;
	v14 =	vld.idx.msk [tilespmem:v14+s3+$0x0], $0xffff  }
0xce: {  	v8 =	vor.u32 s13, v2;
	v15 =	vld.idx.msk [tilespmem:v15+s3+$0x0], $0xffff;
	[tilespmem:s21+$0x100] =	vst v4  }
0xcf: {  	v9 =	vor.u32 s14, v2;
	v10 =	vld.idx.msk [tilespmem:v10+s3+$0x0], $0xffff;
	[tilespmem:s21+$0x180] =	vst v5  }
0xd0: {  	v4 =	vor.u32 s30, v2;
	v11 =	vld.idx.msk [tilespmem:v11+s3+$0x0], $0xffff;
	[tilespmem:s21+$0xFFFFFE90] =	vst v12  }
0xd1: {  	v5 =	vld.idx.msk [tilespmem:v6+s3+$0x0], $0xffff;
	v12 =	vor.u32 s12, v2;
	[tilespmem:s21+$0xFFFFFE10] =	vst v13  }
0xd2: {  	v13 =	vor.u32 s16, v2;
	v7 =	vld.idx.msk [tilespmem:v7+s3+$0x0], $0xffff;
	[tilespmem:s21+$0xFFFFFF10] =	vst v14  }
0xd3: {  	[tilespmem:s21+$0xFFFFFF90] =	vst v15;
	v15 =	vor.u32 s15, v2;
	v8 =	vld.idx.msk [tilespmem:v8+s3+$0x0], $0xffff  }
0xd4: {  	v14 =	vor.u32 s29, v2;
	v6 =	vld.idx.msk [tilespmem:v9+s3+$0x0], $0xffff  }
0xd5: {  	v18 =	vor.u32 s17, v2;
	v17 =	vld.idx.msk [tilespmem:v4+s3+$0x0], $0xffff;
	[tilespmem:s21+$0x90] =	vst v11  }
0xd6: {  	v11 =	vor.u32 s30, v3;
	v4 =	vld.idx.msk [tilespmem:v12+s3+$0x0], $0xffff;
	[tilespmem:s21+$0x110] =	vst v5  }
0xd7: {  	v16 =	vor.u32 s13, v3;
	[tilespmem:s21+$0x190] =	vst v7;
	v9 =	vld.idx.msk [tilespmem:v13+s3+$0x0], $0xffff  }
0xd8: {  	[tilespmem:s21+$0xFFFFFE20] =	vst v8;
	v8 =	vld.idx.msk [tilespmem:v15+s3+$0x0], $0xffff;
	v15 =	vor.u32 s14, v3  }
0xd9: {  	[tilespmem:s21+$0x10] =	vst v10;
	v7 =	vld.idx.msk [tilespmem:v14+s3+$0x0], $0xffff;
	v14 =	vor.u32 s16, v3  }
0xda: {  	v10 =	vld.idx.msk [tilespmem:v18+s3+$0x0], $0xffff;
	v13 =	vor.u32 s29, v3;
	[tilespmem:s21+$0xFFFFFFA0] =	vst v17  }
0xdb: {  	s23 =	simm.s32 $0x8;
	s22 =	simm.s32 $0x19200;
	v5 =	vor.u32 s17, v3;
	v12 =	vor.u32 s15, v3;
	v11 =	vld.idx.msk [tilespmem:v11+s3+$0x0], $0xffff  }
.LBB2_6:
0xdc: {  	s26 =	sshll.u32 s23, $0x7;
	p0 =	slt.u32 s23, $0xC0;
	s23 =	sadd.s32 $0x8, s23;
	v16 =	vld.idx.msk [tilespmem:v16+s3+$0x0], $0xffff;
	[tilespmem:s21+$0xFFFFFF20] =	vst v6  }
0xdd: {  	v6 =	vor.u32 s26, v0;
	s25 =	sadd.s32 $0x80, s26;
	s13 =	sadd.s32 $0x180, s26;
	s24 =	sadd.s32 $0x380, s26;
	v15 =	vld.idx.msk [tilespmem:v15+s3+$0x0], $0xffff;
	[tilespmem:s21+$0x120] =	vst v9  }
0xde: {  	s11 =	sadd.s32 $0x100, s26;
	s14 =	sadd.s32 $0x200, s26;
	s16 =	sadd.s32 $0x280, s26;
	v9 =	vor.u32 s25, v0;
	v17 =	vor.u32 s13, v1;
	[tilespmem:s21+$0xFFFFFEA0] =	vst v7;
	v7 =	vld.idx.msk [tilespmem:v14+s3+$0x0], $0xffff  }
0xdf: {  	v14 =	vor.u32 s11, v0;
	v18 =	vor.u32 s16, v1;
	v13 =	vld.idx.msk [tilespmem:v13+s3+$0x0], $0xffff;
	[tilespmem:s21+$0x1A0] =	vst v8  }
0xe0: {  	v19 =	vor.u32 s14, v3;
	v8 =	vor.u32 s13, v0;
	[tilespmem:s21+$0x20] =	vst v10;
	v10 =	vld.idx.msk [tilespmem:v12+s3+$0x0], $0xffff  }
0xe1: {  	v12 =	vor.u32 s14, v0;
	[tilespmem:s21+$0xFFFFFFB0] =	vst v11;
	v11 =	vld.idx.msk [tilespmem:v5+s3+$0x0], $0xffff;
	v5 =	vmov v19  }
0xe2: {  	s15 =	sadd.s32 $0x300, s26;
	v19 =	vor.u32 s16, v0;
	v6 =	vld.idx.msk [tilespmem:v6+s3+$0x0], $0xffff;
	[tilespmem:s21+$0xFFFFFE30] =	vst v16  }
0xe3: {  	v16 =	vor.u32 s15, v0;
	v9 =	vld.idx.msk [tilespmem:v9+s3+$0x0], $0xffff;
	[tilespmem:s21+$0xFFFFFF30] =	vst v15  }
0xe4: {  	v15 =	vor.u32 s24, v0;
	v14 =	vld.idx.msk [tilespmem:v14+s3+$0x0], $0xffff;
	[tilespmem:s21+$0x130] =	vst v7  }
0xe5: {  	v20 =	vor.u32 s25, v1;
	v7 =	vor.u32 s26, v1;
	v8 =	vld.idx.msk [tilespmem:v8+s3+$0x0], $0xffff;
	[tilespmem:s21+$0xFFFFFEB0] =	vst v13  }
0xe6: {  	v13 =	vor.u32 s11, v1;
	v12 =	vld.idx.msk [tilespmem:v12+s3+$0x0], $0xffff;
	[tilespmem:s21+$0x1B0] =	vst v10  }
0xe7: {  	s21 =	sadd.s32 $0x400, s21;
	v10 =	vld.idx.msk [tilespmem:v19+s3+$0x0], $0xffff;
	[tilespmem:s22+$0x30] =	vst v11  }
0xe8: {  	[tilespmem:s21+$0xFFFFFE00] =	vst v6;
	v6 =	vor.u32 s14, v1;
	v11 =	vld.idx.msk [tilespmem:v16+s3+$0x0], $0xffff  }
0xe9: {  	[tilespmem:s21+$0xFFFFFE80] =	vst v9;
	v9 =	vld.idx.msk [tilespmem:v15+s3+$0x0], $0xffff  }
0xea: {  	v15 =	vld.idx.msk [tilespmem:v20+s3+$0x0], $0xffff;
	[tilespmem:s21+$0xFFFFFF00] =	vst v14;
	v14 =	vor.u32 s15, v1  }
0xeb: {  	v7 =	vld.idx.msk [tilespmem:v7+s3+$0x0], $0xffff;
	[tilespmem:s21+$0xFFFFFF80] =	vst v8;
	v8 =	vor.u32 s24, v1  }
0xec: {  	v13 =	vld.idx.msk [tilespmem:v13+s3+$0x0], $0xffff;
	[tilespmem:s21+$0x0] =	vst v12  }
0xed: {  	v12 =	vor.u32 s26, v2;
	v16 =	vld.idx.msk [tilespmem:v17+s3+$0x0], $0xffff;
	[tilespmem:s21+$0x80] =	vst v10  }
0xee: {  	v10 =	vor.u32 s11, v2;
	v17 =	vld.idx.msk [tilespmem:v6+s3+$0x0], $0xffff;
	[tilespmem:s21+$0x100] =	vst v11  }
0xef: {  	v11 =	vor.u32 s13, v2;
	v18 =	vld.idx.msk [tilespmem:v18+s3+$0x0], $0xffff;
	[tilespmem:s21+$0x180] =	vst v9  }
0xf0: {  	[tilespmem:s21+$0xFFFFFE90] =	vst v15;
	v9 =	vld.idx.msk [tilespmem:v14+s3+$0x0], $0xffff;
	v14 =	vor.u32 s12, v3;
	s12 =	smov.u32 s16  }
0xf1: {  	v15 =	vor.u32 s15, v2;
	[tilespmem:s21+$0xFFFFFE10] =	vst v7;
	v7 =	vor.u32 s12, v2;
	v8 =	vld.idx.msk [tilespmem:v8+s3+$0x0], $0xffff  }
0xf2: {  	v12 =	vld.idx.msk [tilespmem:v12+s3+$0x0], $0xffff;
	[tilespmem:s21+$0xFFFFFF10] =	vst v13  }
0xf3: {  	v13 =	vor.u32 s25, v2;
	v6 =	vld.idx.msk [tilespmem:v10+s3+$0x0], $0xffff;
	[tilespmem:s21+$0xFFFFFF90] =	vst v16  }
0xf4: {  	v10 =	vld.idx.msk [tilespmem:v11+s3+$0x0], $0xffff;
	v11 =	vor.u32 s24, v2;
	[tilespmem:s22+$0xA0] =	vst v4  }
0xf5: {  	v19 =	vor.u32 s14, v2;
	[tilespmem:s21+$0x90] =	vst v18;
	v18 =	vld.idx.msk [tilespmem:v14+s3+$0x0], $0xffff  }
0xf6: {  	v20 =	vor.u32 s13, v3;
	v4 =	vld.idx.msk [tilespmem:v7+s3+$0x0], $0xffff;
	[tilespmem:s21+$0x110] =	vst v9  }
.Ltmp2:
0xf7: {  	v16 =	vor.u32 s26, v3;
	v9 =	vld.idx.msk [tilespmem:v15+s3+$0x0], $0xffff;
	[tilespmem:s21+$0x190] =	vst v8;
	(pc) =	sbr.rel @p0 .LBB2_6-.Ltmp2, $4  }
0xf8: {  	v15 =	vor.u32 s11, v3;
	v7 =	vld.idx.msk [tilespmem:v13+s3+$0x0], $0xffff;
	[tilespmem:s21+$0x10] =	vst v17  }
0xf9: {  	v14 =	vor.u32 s15, v3;
	[tilespmem:s21+$0xFFFFFE20] =	vst v12;
	v8 =	vld.idx.msk [tilespmem:v11+s3+$0x0], $0xffff  }
0xfa: {  	v13 =	vor.u32 s25, v3;
	[tilespmem:s21+$0xFFFFFFA0] =	vst v10;
	v10 =	vld.idx.msk [tilespmem:v19+s3+$0x0], $0xffff  }
0xfb: {  	v12 =	vor.u32 s24, v3;
	v11 =	vld.idx.msk [tilespmem:v20+s3+$0x0], $0xffff;
	[tilespmem:s22+$0xB0] =	vst v18;
	s22 =	smov.u32 s21  }
0xfc: {  	_ =	sdelay $0x1  }
0xfd: {  	[tilespmem:s21+$0xFFFFFF20] =	vst v6  }
0xfe: {  	[tilespmem:s21+$0x120] =	vst v9  }
0xff: {  	v59 =	vld.idx.msk [tilespmem:v16+s3+$0x0], $0xffff;
	[tilespmem:s22+$0xA0] =	vst v4  }
0x100: {  	v61 =	vor.u32 s12, v3;
	[tilespmem:s21+$0xFFFFFEA0] =	vst v7;
	v60 =	vld.idx.msk [tilespmem:v15+s3+$0x0], $0xffff  }
0x101: {  	v9 =	vld.idx.msk [tilespmem:v14+s3+$0x0], $0xffff;
	[tilespmem:s21+$0x1A0] =	vst v8  }
0x102: {  	v62 =	vld.idx.msk [tilespmem:v13+s3+$0x0], $0xffff;
	[tilespmem:s21+$0x20] =	vst v10  }
0x103: {  	v63 =	vld.idx.msk [tilespmem:v12+s3+$0x0], $0xffff;
	[tilespmem:s21+$0xFFFFFFB0] =	vst v11  }
0x104: {  	v5 =	vld.idx.msk [tilespmem:v5+s3+$0x0], $0xffff;
	[tilespmem:s21+$0xFFFFFE30] =	vst v59  }
0x105: {  	v4 =	vld.idx.msk [tilespmem:v61+s3+$0x0], $0xffff;
	[tilespmem:s21+$0xFFFFFF30] =	vst v60  }
0x106: {  	[tilespmem:s21+$0x130] =	vst v9  }
0x107: {  	[tilespmem:s21+$0xFFFFFEB0] =	vst v62  }
0x108: {  	[tilespmem:s21+$0x1B0] =	vst v63  }
0x109: {  	[tilespmem:s22+$0x30] =	vst v5  }
0x10a: {  	[tilespmem:s22+$0xB0] =	vst v4  }
0x10b: {  	s12 =	simm.s32 $0x0;
	s11 =	rddreg [dreg:$0x9]  }
0x10c: {  	[hbm4b:s11+s12] =	stream.linear.scatter [tilespmem:s7], [sflag:$0x5], $0x6400, $0x38;
	[tilespmem:$0x1F400] =	vst v63  }
0x10d: {  	s30 =	rddreg [dreg:$0xa]  }
0x10e: {  	[tilespmem:s12], [sflag:$0x1] =	stream.linear.gather [hbm4b:s30+s12], $0x6400, $0x38;
	[tilespmem:$0x1F400] =	vst v63  }
.LBB2_8:
0x10f: {  	_ =	swait.ge [sflag:s5], $0x6400;
	s13 =	simm.s32 $0x0  }
0x110: {  	s11 =	simm.s32 $0x80;
	[sflag:s5] =	ssyncset.done $0x0;
	v4 =	vor.u32 s13, v0  }
0x111: {  	s14 =	simm.s32 $0x100;
	v5 =	vor.u32 s11, v0;
	[sflag:s5] =	ssyncadd.s32 $0xFFFF9C00  }
0x112: {  	s23 =	simm.s32 $0x180;
	v6 =	vor.u32 s14, v0;
	_ =	swait.ge [sflag:s8], $0x6400  }
0x113: {  	s17 =	simm.s32 $0x200;
	v7 =	vor.u32 s23, v0;
	[sflag:s8] =	ssyncset.done $0x0  }
0x114: {  	s21 =	simm.s32 $0x280;
	v8 =	vor.u32 s17, v0;
	[sflag:s8] =	ssyncadd.s32 $0xFFFF9C00  }
0x115: {  	s16 =	simm.s32 $0x300;
	v9 =	vor.u32 s21, v0;
	v4 =	vld.idx.msk [tilespmem:v4+s31+$0x0], $0xffff  }
0x116: {  	s15 =	simm.s32 $0x380;
	v10 =	vor.u32 s16, v0;
	v5 =	vld.idx.msk [tilespmem:v5+s31+$0x0], $0xffff  }
0x117: {  	v11 =	vor.u32 s15, v0;
	v6 =	vld.idx.msk [tilespmem:v6+s31+$0x0], $0xffff  }
0x118: {  	v12 =	vor.u32 s11, v1;
	v7 =	vld.idx.msk [tilespmem:v7+s31+$0x0], $0xffff  }
0x119: {  	s22 =	simm.s32 $0xCA00;
	v13 =	vor.u32 s13, v1;
	v8 =	vld.idx.msk [tilespmem:v8+s31+$0x0], $0xffff  }
0x11a: {  	v14 =	vor.u32 s14, v1;
	v9 =	vld.idx.msk [tilespmem:v9+s31+$0x0], $0xffff;
	[tilespmem:s22+$0xFFFFFE00] =	vst v4  }
0x11b: {  	v15 =	vor.u32 s23, v1;
	v4 =	vld.idx.msk [tilespmem:v10+s31+$0x0], $0xffff;
	[tilespmem:s22+$0xFFFFFE80] =	vst v5  }
0x11c: {  	v10 =	vor.u32 s17, v1;
	v5 =	vld.idx.msk [tilespmem:v11+s31+$0x0], $0xffff;
	[tilespmem:s22+$0xFFFFFF00] =	vst v6  }
0x11d: {  	v11 =	vor.u32 s21, v1;
	[tilespmem:s22+$0xFFFFFF80] =	vst v7;
	v12 =	vld.idx.msk [tilespmem:v12+s31+$0x0], $0xffff  }
0x11e: {  	v6 =	vor.u32 s16, v1;
	[tilespmem:s22+$0x0] =	vst v8;
	v13 =	vld.idx.msk [tilespmem:v13+s31+$0x0], $0xffff  }
0x11f: {  	v7 =	vor.u32 s15, v1;
	[tilespmem:s22+$0x80] =	vst v9;
	v14 =	vld.idx.msk [tilespmem:v14+s31+$0x0], $0xffff  }
0x120: {  	v8 =	vor.u32 s13, v2;
	v15 =	vld.idx.msk [tilespmem:v15+s31+$0x0], $0xffff;
	[tilespmem:s22+$0x100] =	vst v4  }
0x121: {  	v9 =	vor.u32 s14, v2;
	v10 =	vld.idx.msk [tilespmem:v10+s31+$0x0], $0xffff;
	[tilespmem:s22+$0x180] =	vst v5  }
0x122: {  	v4 =	vor.u32 s23, v2;
	v11 =	vld.idx.msk [tilespmem:v11+s31+$0x0], $0xffff;
	[tilespmem:s22+$0xFFFFFE90] =	vst v12  }
0x123: {  	v5 =	vld.idx.msk [tilespmem:v6+s31+$0x0], $0xffff;
	v12 =	vor.u32 s21, v2;
	[tilespmem:s22+$0xFFFFFE10] =	vst v13  }
0x124: {  	v13 =	vor.u32 s16, v2;
	v7 =	vld.idx.msk [tilespmem:v7+s31+$0x0], $0xffff;
	[tilespmem:s22+$0xFFFFFF10] =	vst v14  }
0x125: {  	[tilespmem:s22+$0xFFFFFF90] =	vst v15;
	v15 =	vor.u32 s15, v2;
	v8 =	vld.idx.msk [tilespmem:v8+s31+$0x0], $0xffff  }
0x126: {  	v14 =	vor.u32 s11, v2;
	v6 =	vld.idx.msk [tilespmem:v9+s31+$0x0], $0xffff  }
0x127: {  	v18 =	vor.u32 s17, v2;
	v17 =	vld.idx.msk [tilespmem:v4+s31+$0x0], $0xffff;
	[tilespmem:s22+$0x90] =	vst v11  }
0x128: {  	v11 =	vor.u32 s23, v3;
	v4 =	vld.idx.msk [tilespmem:v12+s31+$0x0], $0xffff;
	[tilespmem:s22+$0x110] =	vst v5  }
0x129: {  	v16 =	vor.u32 s13, v3;
	[tilespmem:s22+$0x190] =	vst v7;
	v9 =	vld.idx.msk [tilespmem:v13+s31+$0x0], $0xffff  }
0x12a: {  	[tilespmem:s22+$0xFFFFFE20] =	vst v8;
	v8 =	vld.idx.msk [tilespmem:v15+s31+$0x0], $0xffff;
	v15 =	vor.u32 s14, v3  }
0x12b: {  	[tilespmem:s22+$0x10] =	vst v10;
	v7 =	vld.idx.msk [tilespmem:v14+s31+$0x0], $0xffff;
	v14 =	vor.u32 s16, v3  }
0x12c: {  	v10 =	vld.idx.msk [tilespmem:v18+s31+$0x0], $0xffff;
	v13 =	vor.u32 s11, v3;
	[tilespmem:s22+$0xFFFFFFA0] =	vst v17  }
0x12d: {  	s24 =	simm.s32 $0x8;
	s23 =	simm.s32 $0xCA00;
	v5 =	vor.u32 s17, v3;
	v12 =	vor.u32 s15, v3;
	v11 =	vld.idx.msk [tilespmem:v11+s31+$0x0], $0xffff  }
.LBB2_9:
0x12e: {  	s28 =	sshll.u32 s24, $0x7;
	p0 =	slt.u32 s24, $0xC0;
	s24 =	sadd.s32 $0x8, s24;
	v16 =	vld.idx.msk [tilespmem:v16+s31+$0x0], $0xffff;
	[tilespmem:s22+$0xFFFFFF20] =	vst v6  }
0x12f: {  	v6 =	vor.u32 s28, v0;
	s26 =	sadd.s32 $0x80, s28;
	s13 =	sadd.s32 $0x180, s28;
	s25 =	sadd.s32 $0x380, s28;
	v15 =	vld.idx.msk [tilespmem:v15+s31+$0x0], $0xffff;
	[tilespmem:s22+$0x120] =	vst v9  }
0x130: {  	s11 =	sadd.s32 $0x100, s28;
	s14 =	sadd.s32 $0x200, s28;
	s16 =	sadd.s32 $0x280, s28;
	v9 =	vor.u32 s26, v0;
	v17 =	vor.u32 s13, v1;
	[tilespmem:s22+$0xFFFFFEA0] =	vst v7;
	v7 =	vld.idx.msk [tilespmem:v14+s31+$0x0], $0xffff  }
0x131: {  	v14 =	vor.u32 s11, v0;
	v18 =	vor.u32 s16, v1;
	v13 =	vld.idx.msk [tilespmem:v13+s31+$0x0], $0xffff;
	[tilespmem:s22+$0x1A0] =	vst v8  }
0x132: {  	v19 =	vor.u32 s14, v3;
	v8 =	vor.u32 s13, v0;
	[tilespmem:s22+$0x20] =	vst v10;
	v10 =	vld.idx.msk [tilespmem:v12+s31+$0x0], $0xffff  }
0x133: {  	v12 =	vor.u32 s14, v0;
	[tilespmem:s22+$0xFFFFFFB0] =	vst v11;
	v11 =	vld.idx.msk [tilespmem:v5+s31+$0x0], $0xffff;
	v5 =	vmov v19  }
0x134: {  	s15 =	sadd.s32 $0x300, s28;
	v19 =	vor.u32 s16, v0;
	v6 =	vld.idx.msk [tilespmem:v6+s31+$0x0], $0xffff;
	[tilespmem:s22+$0xFFFFFE30] =	vst v16  }
0x135: {  	v16 =	vor.u32 s15, v0;
	v9 =	vld.idx.msk [tilespmem:v9+s31+$0x0], $0xffff;
	[tilespmem:s22+$0xFFFFFF30] =	vst v15  }
0x136: {  	v15 =	vor.u32 s25, v0;
	v14 =	vld.idx.msk [tilespmem:v14+s31+$0x0], $0xffff;
	[tilespmem:s22+$0x130] =	vst v7  }
0x137: {  	v20 =	vor.u32 s26, v1;
	v7 =	vor.u32 s28, v1;
	v8 =	vld.idx.msk [tilespmem:v8+s31+$0x0], $0xffff;
	[tilespmem:s22+$0xFFFFFEB0] =	vst v13  }
0x138: {  	v13 =	vor.u32 s11, v1;
	v12 =	vld.idx.msk [tilespmem:v12+s31+$0x0], $0xffff;
	[tilespmem:s22+$0x1B0] =	vst v10  }
0x139: {  	s22 =	sadd.s32 $0x400, s22;
	v10 =	vld.idx.msk [tilespmem:v19+s31+$0x0], $0xffff;
	[tilespmem:s23+$0x30] =	vst v11  }
0x13a: {  	[tilespmem:s22+$0xFFFFFE00] =	vst v6;
	v6 =	vor.u32 s14, v1;
	v11 =	vld.idx.msk [tilespmem:v16+s31+$0x0], $0xffff  }
0x13b: {  	[tilespmem:s22+$0xFFFFFE80] =	vst v9;
	v9 =	vld.idx.msk [tilespmem:v15+s31+$0x0], $0xffff  }
0x13c: {  	v15 =	vld.idx.msk [tilespmem:v20+s31+$0x0], $0xffff;
	[tilespmem:s22+$0xFFFFFF00] =	vst v14;
	v14 =	vor.u32 s15, v1  }
0x13d: {  	v7 =	vld.idx.msk [tilespmem:v7+s31+$0x0], $0xffff;
	[tilespmem:s22+$0xFFFFFF80] =	vst v8;
	v8 =	vor.u32 s25, v1  }
0x13e: {  	v13 =	vld.idx.msk [tilespmem:v13+s31+$0x0], $0xffff;
	[tilespmem:s22+$0x0] =	vst v12  }
0x13f: {  	v12 =	vor.u32 s28, v2;
	v16 =	vld.idx.msk [tilespmem:v17+s31+$0x0], $0xffff;
	[tilespmem:s22+$0x80] =	vst v10  }
0x140: {  	v10 =	vor.u32 s11, v2;
	v17 =	vld.idx.msk [tilespmem:v6+s31+$0x0], $0xffff;
	[tilespmem:s22+$0x100] =	vst v11  }
0x141: {  	v11 =	vor.u32 s13, v2;
	v18 =	vld.idx.msk [tilespmem:v18+s31+$0x0], $0xffff;
	[tilespmem:s22+$0x180] =	vst v9  }
0x142: {  	[tilespmem:s22+$0xFFFFFE90] =	vst v15;
	v9 =	vld.idx.msk [tilespmem:v14+s31+$0x0], $0xffff;
	v14 =	vor.u32 s21, v3;
	s21 =	smov.u32 s16  }
0x143: {  	v15 =	vor.u32 s15, v2;
	[tilespmem:s22+$0xFFFFFE10] =	vst v7;
	v7 =	vor.u32 s21, v2;
	v8 =	vld.idx.msk [tilespmem:v8+s31+$0x0], $0xffff  }
0x144: {  	v12 =	vld.idx.msk [tilespmem:v12+s31+$0x0], $0xffff;
	[tilespmem:s22+$0xFFFFFF10] =	vst v13  }
0x145: {  	v13 =	vor.u32 s26, v2;
	v6 =	vld.idx.msk [tilespmem:v10+s31+$0x0], $0xffff;
	[tilespmem:s22+$0xFFFFFF90] =	vst v16  }
0x146: {  	v10 =	vld.idx.msk [tilespmem:v11+s31+$0x0], $0xffff;
	v11 =	vor.u32 s25, v2;
	[tilespmem:s23+$0xA0] =	vst v4  }
0x147: {  	v19 =	vor.u32 s14, v2;
	[tilespmem:s22+$0x90] =	vst v18;
	v18 =	vld.idx.msk [tilespmem:v14+s31+$0x0], $0xffff  }
0x148: {  	v20 =	vor.u32 s13, v3;
	v4 =	vld.idx.msk [tilespmem:v7+s31+$0x0], $0xffff;
	[tilespmem:s22+$0x110] =	vst v9  }
.Ltmp3:
0x149: {  	v16 =	vor.u32 s28, v3;
	v9 =	vld.idx.msk [tilespmem:v15+s31+$0x0], $0xffff;
	[tilespmem:s22+$0x190] =	vst v8;
	(pc) =	sbr.rel @p0 .LBB2_9-.Ltmp3, $4  }
0x14a: {  	v15 =	vor.u32 s11, v3;
	v7 =	vld.idx.msk [tilespmem:v13+s31+$0x0], $0xffff;
	[tilespmem:s22+$0x10] =	vst v17  }
0x14b: {  	v14 =	vor.u32 s15, v3;
	[tilespmem:s22+$0xFFFFFE20] =	vst v12;
	v8 =	vld.idx.msk [tilespmem:v11+s31+$0x0], $0xffff  }
0x14c: {  	v13 =	vor.u32 s26, v3;
	[tilespmem:s22+$0xFFFFFFA0] =	vst v10;
	v10 =	vld.idx.msk [tilespmem:v19+s31+$0x0], $0xffff  }
0x14d: {  	v12 =	vor.u32 s25, v3;
	v11 =	vld.idx.msk [tilespmem:v20+s31+$0x0], $0xffff;
	[tilespmem:s23+$0xB0] =	vst v18;
	s23 =	smov.u32 s22  }
0x14e: {  	_ =	sdelay $0x1  }
0x14f: {  	[tilespmem:s22+$0xFFFFFF20] =	vst v6  }
0x150: {  	[tilespmem:s22+$0x120] =	vst v9  }
0x151: {  	v6 =	vld.idx.msk [tilespmem:v16+s31+$0x0], $0xffff;
	[tilespmem:s23+$0xA0] =	vst v4  }
0x152: {  	[tilespmem:s22+$0xFFFFFEA0] =	vst v7;
	v7 =	vld.idx.msk [tilespmem:v15+s31+$0x0], $0xffff  }
0x153: {  	v9 =	vld.idx.msk [tilespmem:v14+s31+$0x0], $0xffff;
	[tilespmem:s22+$0x1A0] =	vst v8  }
0x154: {  	v8 =	vor.u32 s21, v3;
	[tilespmem:s22+$0x20] =	vst v10;
	v10 =	vld.idx.msk [tilespmem:v13+s31+$0x0], $0xffff  }
0x155: {  	[tilespmem:s22+$0xFFFFFFB0] =	vst v11;
	v11 =	vld.idx.msk [tilespmem:v12+s31+$0x0], $0xffff  }
0x156: {  	v5 =	vld.idx.msk [tilespmem:v5+s31+$0x0], $0xffff;
	[tilespmem:s22+$0xFFFFFE30] =	vst v6  }
0x157: {  	[tilespmem:s22+$0xFFFFFF30] =	vst v7  }
0x158: {  	[tilespmem:s22+$0x130] =	vst v9  }
0x159: {  	s21 =	smul.u32 $0xC0, s12;
	v4 =	vld.idx.msk [tilespmem:v8+s31+$0x0], $0xffff;
	[tilespmem:s22+$0xFFFFFEB0] =	vst v10  }
0x15a: {  	s11 =	rddreg [dreg:$0xb];
	[tilespmem:s22+$0x1B0] =	vst v11  }
0x15b: {  	[tilespmem:s23+$0x30] =	vst v5;
	s11 =	sadd.s32 s11, s21  }
0x15c: {  	s13 =	rddreg [dreg:$0xc];
	s11 =	smul.u32 $0xC80, s11  }
0x15d: {  	s13 =	sadd.s32 s13, s21  }
0x15e: {  	s14 =	simm.s32 $0x0;
	[tilespmem:s23+$0xB0] =	vst v4;
	s22 =	smul.u32 $0xC80, s13;
	s11 =	sadd.s32 s4, s11  }
0x15f: {  	[hbm4b:s11+s14] =	stream.linear.scatter [tilespmem:s1], [sflag:$0x3], $0x6400, $0x38;
	[tilespmem:$0x1F400] =	vst v63  }
0x160: {  	s26 =	sadd.s32 s2, s22  }
0x161: {  	[tilespmem:s31], [sflag:$0x2] =	stream.linear.gather [hbm4b:s26+s14], $0x6400, $0x38;
	[tilespmem:$0x1F400] =	vst v63  }
0x162: {  	s28 =	simm.s32 $0x0;
	_ =	swait.ge [sflag:s0], $0x6400  }
0x163: {  	s29 =	simm.s32 $0x80;
	v4 =	vor.u32 s28, v0;
	[sflag:s0] =	ssyncset.done $0x0  }
0x164: {  	s30 =	simm.s32 $0x100;
	v5 =	vor.u32 s29, v0;
	[sflag:s0] =	ssyncadd.s32 $0xFFFF9C00  }
0x165: {  	s25 =	simm.s32 $0x180;
	v6 =	vor.u32 s30, v0;
	_ =	swait.ge [sflag:s9], $0x6400  }
0x166: {  	s17 =	simm.s32 $0x200;
	v7 =	vor.u32 s25, v0;
	[sflag:s9] =	ssyncset.done $0x0  }
0x167: {  	s24 =	simm.s32 $0x280;
	v8 =	vor.u32 s17, v0;
	[sflag:s9] =	ssyncadd.s32 $0xFFFF9C00  }
0x168: {  	s16 =	simm.s32 $0x300;
	v9 =	vor.u32 s24, v0;
	v4 =	vld.idx.msk [tilespmem:v4+s3+$0x0], $0xffff  }
0x169: {  	s15 =	simm.s32 $0x380;
	v10 =	vor.u32 s16, v0;
	v5 =	vld.idx.msk [tilespmem:v5+s3+$0x0], $0xffff  }
0x16a: {  	v11 =	vor.u32 s15, v0;
	v6 =	vld.idx.msk [tilespmem:v6+s3+$0x0], $0xffff  }
0x16b: {  	v12 =	vor.u32 s29, v1;
	v7 =	vld.idx.msk [tilespmem:v7+s3+$0x0], $0xffff  }
0x16c: {  	v13 =	vor.u32 s28, v1;
	s23 =	simm.s32 $0x12E00;
	v8 =	vld.idx.msk [tilespmem:v8+s3+$0x0], $0xffff  }
0x16d: {  	v14 =	vor.u32 s30, v1;
	v9 =	vld.idx.msk [tilespmem:v9+s3+$0x0], $0xffff;
	[tilespmem:s23+$0xFFFFFE00] =	vst v4  }
0x16e: {  	v15 =	vor.u32 s25, v1;
	v4 =	vld.idx.msk [tilespmem:v10+s3+$0x0], $0xffff;
	[tilespmem:s23+$0xFFFFFE80] =	vst v5  }
0x16f: {  	v10 =	vor.u32 s17, v1;
	v5 =	vld.idx.msk [tilespmem:v11+s3+$0x0], $0xffff;
	[tilespmem:s23+$0xFFFFFF00] =	vst v6  }
0x170: {  	v11 =	vor.u32 s24, v1;
	[tilespmem:s23+$0xFFFFFF80] =	vst v7;
	v12 =	vld.idx.msk [tilespmem:v12+s3+$0x0], $0xffff  }
0x171: {  	v6 =	vor.u32 s16, v1;
	[tilespmem:s23+$0x0] =	vst v8;
	v13 =	vld.idx.msk [tilespmem:v13+s3+$0x0], $0xffff  }
0x172: {  	v7 =	vor.u32 s15, v1;
	[tilespmem:s23+$0x80] =	vst v9;
	v14 =	vld.idx.msk [tilespmem:v14+s3+$0x0], $0xffff  }
0x173: {  	v8 =	vor.u32 s28, v2;
	v15 =	vld.idx.msk [tilespmem:v15+s3+$0x0], $0xffff;
	[tilespmem:s23+$0x100] =	vst v4  }
0x174: {  	v9 =	vor.u32 s30, v2;
	v10 =	vld.idx.msk [tilespmem:v10+s3+$0x0], $0xffff;
	[tilespmem:s23+$0x180] =	vst v5  }
0x175: {  	v4 =	vor.u32 s25, v2;
	v11 =	vld.idx.msk [tilespmem:v11+s3+$0x0], $0xffff;
	[tilespmem:s23+$0xFFFFFE90] =	vst v12  }
0x176: {  	v5 =	vld.idx.msk [tilespmem:v6+s3+$0x0], $0xffff;
	v12 =	vor.u32 s24, v2;
	[tilespmem:s23+$0xFFFFFE10] =	vst v13  }
0x177: {  	v13 =	vor.u32 s16, v2;
	v7 =	vld.idx.msk [tilespmem:v7+s3+$0x0], $0xffff;
	[tilespmem:s23+$0xFFFFFF10] =	vst v14  }
0x178: {  	[tilespmem:s23+$0xFFFFFF90] =	vst v15;
	v15 =	vor.u32 s15, v2;
	v8 =	vld.idx.msk [tilespmem:v8+s3+$0x0], $0xffff  }
0x179: {  	v14 =	vor.u32 s29, v2;
	v6 =	vld.idx.msk [tilespmem:v9+s3+$0x0], $0xffff  }
0x17a: {  	v18 =	vor.u32 s17, v2;
	v17 =	vld.idx.msk [tilespmem:v4+s3+$0x0], $0xffff;
	[tilespmem:s23+$0x90] =	vst v11  }
0x17b: {  	v11 =	vor.u32 s25, v3;
	v4 =	vld.idx.msk [tilespmem:v12+s3+$0x0], $0xffff;
	[tilespmem:s23+$0x110] =	vst v5  }
0x17c: {  	v16 =	vor.u32 s28, v3;
	[tilespmem:s23+$0x190] =	vst v7;
	v9 =	vld.idx.msk [tilespmem:v13+s3+$0x0], $0xffff  }
0x17d: {  	[tilespmem:s23+$0xFFFFFE20] =	vst v8;
	v8 =	vld.idx.msk [tilespmem:v15+s3+$0x0], $0xffff;
	v15 =	vor.u32 s30, v3  }
0x17e: {  	[tilespmem:s23+$0x10] =	vst v10;
	v7 =	vld.idx.msk [tilespmem:v14+s3+$0x0], $0xffff;
	v14 =	vor.u32 s16, v3  }
0x17f: {  	v10 =	vld.idx.msk [tilespmem:v18+s3+$0x0], $0xffff;
	v13 =	vor.u32 s29, v3;
	[tilespmem:s23+$0xFFFFFFA0] =	vst v17  }
0x180: {  	s26 =	simm.s32 $0x8;
	s25 =	simm.s32 $0x12E00;
	v5 =	vor.u32 s17, v3;
	v12 =	vor.u32 s15, v3;
	v11 =	vld.idx.msk [tilespmem:v11+s3+$0x0], $0xffff  }
.LBB2_11:
0x181: {  	s30 =	sshll.u32 s26, $0x7;
	p0 =	slt.u32 s26, $0xC0;
	s26 =	sadd.s32 $0x8, s26;
	v16 =	vld.idx.msk [tilespmem:v16+s3+$0x0], $0xffff;
	[tilespmem:s23+$0xFFFFFF20] =	vst v6  }
0x182: {  	v6 =	vor.u32 s30, v0;
	s29 =	sadd.s32 $0x80, s30;
	s13 =	sadd.s32 $0x180, s30;
	s28 =	sadd.s32 $0x380, s30;
	v15 =	vld.idx.msk [tilespmem:v15+s3+$0x0], $0xffff;
	[tilespmem:s23+$0x120] =	vst v9  }
0x183: {  	s11 =	sadd.s32 $0x100, s30;
	s14 =	sadd.s32 $0x200, s30;
	s16 =	sadd.s32 $0x280, s30;
	v9 =	vor.u32 s29, v0;
	v17 =	vor.u32 s13, v1;
	[tilespmem:s23+$0xFFFFFEA0] =	vst v7;
	v7 =	vld.idx.msk [tilespmem:v14+s3+$0x0], $0xffff  }
0x184: {  	v14 =	vor.u32 s11, v0;
	v18 =	vor.u32 s16, v1;
	v13 =	vld.idx.msk [tilespmem:v13+s3+$0x0], $0xffff;
	[tilespmem:s23+$0x1A0] =	vst v8  }
0x185: {  	v19 =	vor.u32 s14, v3;
	v8 =	vor.u32 s13, v0;
	[tilespmem:s23+$0x20] =	vst v10;
	v10 =	vld.idx.msk [tilespmem:v12+s3+$0x0], $0xffff  }
0x186: {  	v12 =	vor.u32 s14, v0;
	[tilespmem:s23+$0xFFFFFFB0] =	vst v11;
	v11 =	vld.idx.msk [tilespmem:v5+s3+$0x0], $0xffff;
	v5 =	vmov v19  }
0x187: {  	s15 =	sadd.s32 $0x300, s30;
	v19 =	vor.u32 s16, v0;
	v6 =	vld.idx.msk [tilespmem:v6+s3+$0x0], $0xffff;
	[tilespmem:s23+$0xFFFFFE30] =	vst v16  }
0x188: {  	v16 =	vor.u32 s15, v0;
	v9 =	vld.idx.msk [tilespmem:v9+s3+$0x0], $0xffff;
	[tilespmem:s23+$0xFFFFFF30] =	vst v15  }
0x189: {  	v15 =	vor.u32 s28, v0;
	v14 =	vld.idx.msk [tilespmem:v14+s3+$0x0], $0xffff;
	[tilespmem:s23+$0x130] =	vst v7  }
0x18a: {  	v20 =	vor.u32 s29, v1;
	v7 =	vor.u32 s30, v1;
	v8 =	vld.idx.msk [tilespmem:v8+s3+$0x0], $0xffff;
	[tilespmem:s23+$0xFFFFFEB0] =	vst v13  }
0x18b: {  	v13 =	vor.u32 s11, v1;
	v12 =	vld.idx.msk [tilespmem:v12+s3+$0x0], $0xffff;
	[tilespmem:s23+$0x1B0] =	vst v10  }
0x18c: {  	s23 =	sadd.s32 $0x400, s23;
	v10 =	vld.idx.msk [tilespmem:v19+s3+$0x0], $0xffff;
	[tilespmem:s25+$0x30] =	vst v11  }
0x18d: {  	[tilespmem:s23+$0xFFFFFE00] =	vst v6;
	v6 =	vor.u32 s14, v1;
	v11 =	vld.idx.msk [tilespmem:v16+s3+$0x0], $0xffff  }
0x18e: {  	[tilespmem:s23+$0xFFFFFE80] =	vst v9;
	v9 =	vld.idx.msk [tilespmem:v15+s3+$0x0], $0xffff  }
0x18f: {  	v15 =	vld.idx.msk [tilespmem:v20+s3+$0x0], $0xffff;
	[tilespmem:s23+$0xFFFFFF00] =	vst v14;
	v14 =	vor.u32 s15, v1  }
0x190: {  	v7 =	vld.idx.msk [tilespmem:v7+s3+$0x0], $0xffff;
	[tilespmem:s23+$0xFFFFFF80] =	vst v8;
	v8 =	vor.u32 s28, v1  }
0x191: {  	v13 =	vld.idx.msk [tilespmem:v13+s3+$0x0], $0xffff;
	[tilespmem:s23+$0x0] =	vst v12  }
0x192: {  	v12 =	vor.u32 s30, v2;
	v16 =	vld.idx.msk [tilespmem:v17+s3+$0x0], $0xffff;
	[tilespmem:s23+$0x80] =	vst v10  }
0x193: {  	v10 =	vor.u32 s11, v2;
	v17 =	vld.idx.msk [tilespmem:v6+s3+$0x0], $0xffff;
	[tilespmem:s23+$0x100] =	vst v11  }
0x194: {  	v11 =	vor.u32 s13, v2;
	v18 =	vld.idx.msk [tilespmem:v18+s3+$0x0], $0xffff;
	[tilespmem:s23+$0x180] =	vst v9  }
0x195: {  	[tilespmem:s23+$0xFFFFFE90] =	vst v15;
	v9 =	vld.idx.msk [tilespmem:v14+s3+$0x0], $0xffff;
	v14 =	vor.u32 s24, v3;
	s24 =	smov.u32 s16  }
0x196: {  	v15 =	vor.u32 s15, v2;
	[tilespmem:s23+$0xFFFFFE10] =	vst v7;
	v7 =	vor.u32 s24, v2;
	v8 =	vld.idx.msk [tilespmem:v8+s3+$0x0], $0xffff  }
0x197: {  	v12 =	vld.idx.msk [tilespmem:v12+s3+$0x0], $0xffff;
	[tilespmem:s23+$0xFFFFFF10] =	vst v13  }
0x198: {  	v13 =	vor.u32 s29, v2;
	v6 =	vld.idx.msk [tilespmem:v10+s3+$0x0], $0xffff;
	[tilespmem:s23+$0xFFFFFF90] =	vst v16  }
0x199: {  	v10 =	vld.idx.msk [tilespmem:v11+s3+$0x0], $0xffff;
	v11 =	vor.u32 s28, v2;
	[tilespmem:s25+$0xA0] =	vst v4  }
0x19a: {  	v19 =	vor.u32 s14, v2;
	[tilespmem:s23+$0x90] =	vst v18;
	v18 =	vld.idx.msk [tilespmem:v14+s3+$0x0], $0xffff  }
0x19b: {  	v20 =	vor.u32 s13, v3;
	v4 =	vld.idx.msk [tilespmem:v7+s3+$0x0], $0xffff;
	[tilespmem:s23+$0x110] =	vst v9  }
.Ltmp4:
0x19c: {  	v16 =	vor.u32 s30, v3;
	v9 =	vld.idx.msk [tilespmem:v15+s3+$0x0], $0xffff;
	[tilespmem:s23+$0x190] =	vst v8;
	(pc) =	sbr.rel @p0 .LBB2_11-.Ltmp4, $4  }
0x19d: {  	v15 =	vor.u32 s11, v3;
	v7 =	vld.idx.msk [tilespmem:v13+s3+$0x0], $0xffff;
	[tilespmem:s23+$0x10] =	vst v17  }
0x19e: {  	v14 =	vor.u32 s15, v3;
	[tilespmem:s23+$0xFFFFFE20] =	vst v12;
	v8 =	vld.idx.msk [tilespmem:v11+s3+$0x0], $0xffff  }
0x19f: {  	v13 =	vor.u32 s29, v3;
	[tilespmem:s23+$0xFFFFFFA0] =	vst v10;
	v10 =	vld.idx.msk [tilespmem:v19+s3+$0x0], $0xffff  }
0x1a0: {  	v12 =	vor.u32 s28, v3;
	v11 =	vld.idx.msk [tilespmem:v20+s3+$0x0], $0xffff;
	[tilespmem:s25+$0xB0] =	vst v18;
	s25 =	smov.u32 s23  }
0x1a1: {  	_ =	sdelay $0x1  }
0x1a2: {  	[tilespmem:s23+$0xFFFFFF20] =	vst v6  }
0x1a3: {  	[tilespmem:s23+$0x120] =	vst v9  }
0x1a4: {  	v6 =	vld.idx.msk [tilespmem:v16+s3+$0x0], $0xffff;
	[tilespmem:s25+$0xA0] =	vst v4  }
0x1a5: {  	[tilespmem:s23+$0xFFFFFEA0] =	vst v7;
	v7 =	vld.idx.msk [tilespmem:v15+s3+$0x0], $0xffff  }
0x1a6: {  	v9 =	vld.idx.msk [tilespmem:v14+s3+$0x0], $0xffff;
	[tilespmem:s23+$0x1A0] =	vst v8  }
0x1a7: {  	v8 =	vor.u32 s24, v3;
	[tilespmem:s23+$0x20] =	vst v10;
	v10 =	vld.idx.msk [tilespmem:v13+s3+$0x0], $0xffff  }
0x1a8: {  	[tilespmem:s23+$0xFFFFFFB0] =	vst v11;
	v11 =	vld.idx.msk [tilespmem:v12+s3+$0x0], $0xffff  }
0x1a9: {  	v5 =	vld.idx.msk [tilespmem:v5+s3+$0x0], $0xffff;
	[tilespmem:s23+$0xFFFFFE30] =	vst v6  }
0x1aa: {  	[tilespmem:s23+$0xFFFFFF30] =	vst v7  }
0x1ab: {  	[tilespmem:s23+$0x130] =	vst v9  }
0x1ac: {  	v4 =	vld.idx.msk [tilespmem:v8+s3+$0x0], $0xffff;
	[tilespmem:s23+$0xFFFFFEB0] =	vst v10  }
0x1ad: {  	s11 =	rddreg [dreg:$0xd];
	[tilespmem:s23+$0x1B0] =	vst v11  }
0x1ae: {  	[tilespmem:s25+$0x30] =	vst v5;
	s11 =	sadd.s32 s11, s21  }
0x1af: {  	s13 =	rddreg [dreg:$0xe];
	s11 =	smul.u32 $0xC80, s11  }
0x1b0: {  	s13 =	sadd.s32 s13, s21  }
0x1b1: {  	s14 =	simm.s32 $0x0;
	[tilespmem:s25+$0xB0] =	vst v4;
	s23 =	smul.u32 $0xC80, s13;
	s11 =	sadd.s32 s4, s11  }
0x1b2: {  	[hbm4b:s11+s14] =	stream.linear.scatter [tilespmem:s6], [sflag:$0x4], $0x6400, $0x38;
	[tilespmem:$0x1F400] =	vst v63  }
0x1b3: {  	s13 =	sadd.s32 s2, s23  }
0x1b4: {  	[tilespmem:s14], [sflag:$0x1] =	stream.linear.gather [hbm4b:s13+s14], $0x6400, $0x38;
	[tilespmem:$0x1F400] =	vst v63  }
0x1b5: {  	s14 =	simm.s32 $0x0;
	_ =	swait.ge [sflag:s5], $0x6400  }
0x1b6: {  	s29 =	simm.s32 $0x80;
	v4 =	vor.u32 s14, v0;
	[sflag:s5] =	ssyncset.done $0x0  }
0x1b7: {  	s30 =	simm.s32 $0x100;
	v5 =	vor.u32 s29, v0;
	[sflag:s5] =	ssyncadd.s32 $0xFFFF9C00  }
0x1b8: {  	s26 =	simm.s32 $0x180;
	v6 =	vor.u32 s30, v0;
	_ =	swait.ge [sflag:s10], $0x6400  }
0x1b9: {  	s17 =	simm.s32 $0x200;
	v7 =	vor.u32 s26, v0;
	[sflag:s10] =	ssyncset.done $0x0  }
0x1ba: {  	s24 =	simm.s32 $0x280;
	v8 =	vor.u32 s17, v0;
	[sflag:s10] =	ssyncadd.s32 $0xFFFF9C00  }
0x1bb: {  	s16 =	simm.s32 $0x300;
	v9 =	vor.u32 s24, v0;
	v4 =	vld.idx.msk [tilespmem:v4+s31+$0x0], $0xffff  }
0x1bc: {  	s15 =	simm.s32 $0x380;
	v10 =	vor.u32 s16, v0;
	v5 =	vld.idx.msk [tilespmem:v5+s31+$0x0], $0xffff  }
0x1bd: {  	v11 =	vor.u32 s15, v0;
	v6 =	vld.idx.msk [tilespmem:v6+s31+$0x0], $0xffff  }
0x1be: {  	v12 =	vor.u32 s29, v1;
	v7 =	vld.idx.msk [tilespmem:v7+s31+$0x0], $0xffff  }
0x1bf: {  	s25 =	simm.s32 $0x19200;
	v13 =	vor.u32 s14, v1;
	v8 =	vld.idx.msk [tilespmem:v8+s31+$0x0], $0xffff  }
0x1c0: {  	v14 =	vor.u32 s30, v1;
	v9 =	vld.idx.msk [tilespmem:v9+s31+$0x0], $0xffff;
	[tilespmem:s25+$0xFFFFFE00] =	vst v4  }
0x1c1: {  	v15 =	vor.u32 s26, v1;
	v4 =	vld.idx.msk [tilespmem:v10+s31+$0x0], $0xffff;
	[tilespmem:s25+$0xFFFFFE80] =	vst v5  }
0x1c2: {  	v10 =	vor.u32 s17, v1;
	v5 =	vld.idx.msk [tilespmem:v11+s31+$0x0], $0xffff;
	[tilespmem:s25+$0xFFFFFF00] =	vst v6  }
0x1c3: {  	v11 =	vor.u32 s24, v1;
	[tilespmem:s25+$0xFFFFFF80] =	vst v7;
	v12 =	vld.idx.msk [tilespmem:v12+s31+$0x0], $0xffff  }
0x1c4: {  	v6 =	vor.u32 s16, v1;
	[tilespmem:s25+$0x0] =	vst v8;
	v13 =	vld.idx.msk [tilespmem:v13+s31+$0x0], $0xffff  }
0x1c5: {  	v7 =	vor.u32 s15, v1;
	[tilespmem:s25+$0x80] =	vst v9;
	v14 =	vld.idx.msk [tilespmem:v14+s31+$0x0], $0xffff  }
0x1c6: {  	v8 =	vor.u32 s14, v2;
	v15 =	vld.idx.msk [tilespmem:v15+s31+$0x0], $0xffff;
	[tilespmem:s25+$0x100] =	vst v4  }
0x1c7: {  	v9 =	vor.u32 s30, v2;
	v10 =	vld.idx.msk [tilespmem:v10+s31+$0x0], $0xffff;
	[tilespmem:s25+$0x180] =	vst v5  }
0x1c8: {  	v4 =	vor.u32 s26, v2;
	v11 =	vld.idx.msk [tilespmem:v11+s31+$0x0], $0xffff;
	[tilespmem:s25+$0xFFFFFE90] =	vst v12  }
0x1c9: {  	v5 =	vld.idx.msk [tilespmem:v6+s31+$0x0], $0xffff;
	v12 =	vor.u32 s24, v2;
	[tilespmem:s25+$0xFFFFFE10] =	vst v13  }
0x1ca: {  	v13 =	vor.u32 s16, v2;
	v7 =	vld.idx.msk [tilespmem:v7+s31+$0x0], $0xffff;
	[tilespmem:s25+$0xFFFFFF10] =	vst v14  }
0x1cb: {  	[tilespmem:s25+$0xFFFFFF90] =	vst v15;
	v15 =	vor.u32 s15, v2;
	v8 =	vld.idx.msk [tilespmem:v8+s31+$0x0], $0xffff  }
0x1cc: {  	v14 =	vor.u32 s29, v2;
	v6 =	vld.idx.msk [tilespmem:v9+s31+$0x0], $0xffff  }
0x1cd: {  	v18 =	vor.u32 s17, v2;
	v17 =	vld.idx.msk [tilespmem:v4+s31+$0x0], $0xffff;
	[tilespmem:s25+$0x90] =	vst v11  }
0x1ce: {  	v11 =	vor.u32 s26, v3;
	v4 =	vld.idx.msk [tilespmem:v12+s31+$0x0], $0xffff;
	[tilespmem:s25+$0x110] =	vst v5  }
0x1cf: {  	v16 =	vor.u32 s14, v3;
	[tilespmem:s25+$0x190] =	vst v7;
	v9 =	vld.idx.msk [tilespmem:v13+s31+$0x0], $0xffff  }
0x1d0: {  	[tilespmem:s25+$0xFFFFFE20] =	vst v8;
	v8 =	vld.idx.msk [tilespmem:v15+s31+$0x0], $0xffff;
	v15 =	vor.u32 s30, v3  }
0x1d1: {  	[tilespmem:s25+$0x10] =	vst v10;
	v7 =	vld.idx.msk [tilespmem:v14+s31+$0x0], $0xffff;
	v14 =	vor.u32 s16, v3  }
0x1d2: {  	v10 =	vld.idx.msk [tilespmem:v18+s31+$0x0], $0xffff;
	v13 =	vor.u32 s29, v3;
	[tilespmem:s25+$0xFFFFFFA0] =	vst v17  }
0x1d3: {  	s28 =	simm.s32 $0x8;
	s26 =	simm.s32 $0x19200;
	v5 =	vor.u32 s17, v3;
	v12 =	vor.u32 s15, v3;
	v11 =	vld.idx.msk [tilespmem:v11+s31+$0x0], $0xffff  }
.LBB2_13:
0x1d4: {  	s11 =	sshll.u32 s28, $0x7;
	p0 =	slt.u32 s28, $0xC0;
	s28 =	sadd.s32 $0x8, s28;
	v16 =	vld.idx.msk [tilespmem:v16+s31+$0x0], $0xffff;
	[tilespmem:s25+$0xFFFFFF20] =	vst v6  }
0x1d5: {  	v6 =	vor.u32 s11, v0;
	s30 =	sadd.s32 $0x80, s11;
	s14 =	sadd.s32 $0x180, s11;
	s29 =	sadd.s32 $0x380, s11;
	v15 =	vld.idx.msk [tilespmem:v15+s31+$0x0], $0xffff;
	[tilespmem:s25+$0x120] =	vst v9  }
0x1d6: {  	s13 =	sadd.s32 $0x100, s11;
	s15 =	sadd.s32 $0x200, s11;
	s17 =	sadd.s32 $0x280, s11;
	v9 =	vor.u32 s30, v0;
	v17 =	vor.u32 s14, v1;
	[tilespmem:s25+$0xFFFFFEA0] =	vst v7;
	v7 =	vld.idx.msk [tilespmem:v14+s31+$0x0], $0xffff  }
0x1d7: {  	v14 =	vor.u32 s13, v0;
	v18 =	vor.u32 s17, v1;
	v13 =	vld.idx.msk [tilespmem:v13+s31+$0x0], $0xffff;
	[tilespmem:s25+$0x1A0] =	vst v8  }
0x1d8: {  	v19 =	vor.u32 s15, v3;
	v8 =	vor.u32 s14, v0;
	[tilespmem:s25+$0x20] =	vst v10;
	v10 =	vld.idx.msk [tilespmem:v12+s31+$0x0], $0xffff  }
0x1d9: {  	v12 =	vor.u32 s15, v0;
	[tilespmem:s25+$0xFFFFFFB0] =	vst v11;
	v11 =	vld.idx.msk [tilespmem:v5+s31+$0x0], $0xffff;
	v5 =	vmov v19  }
0x1da: {  	s16 =	sadd.s32 $0x300, s11;
	v19 =	vor.u32 s17, v0;
	v6 =	vld.idx.msk [tilespmem:v6+s31+$0x0], $0xffff;
	[tilespmem:s25+$0xFFFFFE30] =	vst v16  }
0x1db: {  	v16 =	vor.u32 s16, v0;
	v9 =	vld.idx.msk [tilespmem:v9+s31+$0x0], $0xffff;
	[tilespmem:s25+$0xFFFFFF30] =	vst v15  }
0x1dc: {  	v15 =	vor.u32 s29, v0;
	v14 =	vld.idx.msk [tilespmem:v14+s31+$0x0], $0xffff;
	[tilespmem:s25+$0x130] =	vst v7  }
0x1dd: {  	v20 =	vor.u32 s30, v1;
	v7 =	vor.u32 s11, v1;
	v8 =	vld.idx.msk [tilespmem:v8+s31+$0x0], $0xffff;
	[tilespmem:s25+$0xFFFFFEB0] =	vst v13  }
0x1de: {  	v13 =	vor.u32 s13, v1;
	v12 =	vld.idx.msk [tilespmem:v12+s31+$0x0], $0xffff;
	[tilespmem:s25+$0x1B0] =	vst v10  }
0x1df: {  	s25 =	sadd.s32 $0x400, s25;
	v10 =	vld.idx.msk [tilespmem:v19+s31+$0x0], $0xffff;
	[tilespmem:s26+$0x30] =	vst v11  }
0x1e0: {  	[tilespmem:s25+$0xFFFFFE00] =	vst v6;
	v6 =	vor.u32 s15, v1;
	v11 =	vld.idx.msk [tilespmem:v16+s31+$0x0], $0xffff  }
0x1e1: {  	[tilespmem:s25+$0xFFFFFE80] =	vst v9;
	v9 =	vld.idx.msk [tilespmem:v15+s31+$0x0], $0xffff  }
0x1e2: {  	v15 =	vld.idx.msk [tilespmem:v20+s31+$0x0], $0xffff;
	[tilespmem:s25+$0xFFFFFF00] =	vst v14;
	v14 =	vor.u32 s16, v1  }
0x1e3: {  	v7 =	vld.idx.msk [tilespmem:v7+s31+$0x0], $0xffff;
	[tilespmem:s25+$0xFFFFFF80] =	vst v8;
	v8 =	vor.u32 s29, v1  }
0x1e4: {  	v13 =	vld.idx.msk [tilespmem:v13+s31+$0x0], $0xffff;
	[tilespmem:s25+$0x0] =	vst v12  }
0x1e5: {  	v12 =	vor.u32 s11, v2;
	v16 =	vld.idx.msk [tilespmem:v17+s31+$0x0], $0xffff;
	[tilespmem:s25+$0x80] =	vst v10  }
0x1e6: {  	v10 =	vor.u32 s13, v2;
	v17 =	vld.idx.msk [tilespmem:v6+s31+$0x0], $0xffff;
	[tilespmem:s25+$0x100] =	vst v11  }
0x1e7: {  	v11 =	vor.u32 s14, v2;
	v18 =	vld.idx.msk [tilespmem:v18+s31+$0x0], $0xffff;
	[tilespmem:s25+$0x180] =	vst v9  }
0x1e8: {  	[tilespmem:s25+$0xFFFFFE90] =	vst v15;
	v9 =	vld.idx.msk [tilespmem:v14+s31+$0x0], $0xffff;
	v14 =	vor.u32 s24, v3;
	s24 =	smov.u32 s17  }
0x1e9: {  	v15 =	vor.u32 s16, v2;
	[tilespmem:s25+$0xFFFFFE10] =	vst v7;
	v7 =	vor.u32 s24, v2;
	v8 =	vld.idx.msk [tilespmem:v8+s31+$0x0], $0xffff  }
0x1ea: {  	v12 =	vld.idx.msk [tilespmem:v12+s31+$0x0], $0xffff;
	[tilespmem:s25+$0xFFFFFF10] =	vst v13  }
0x1eb: {  	v13 =	vor.u32 s30, v2;
	v6 =	vld.idx.msk [tilespmem:v10+s31+$0x0], $0xffff;
	[tilespmem:s25+$0xFFFFFF90] =	vst v16  }
0x1ec: {  	v10 =	vld.idx.msk [tilespmem:v11+s31+$0x0], $0xffff;
	v11 =	vor.u32 s29, v2;
	[tilespmem:s26+$0xA0] =	vst v4  }
0x1ed: {  	v19 =	vor.u32 s15, v2;
	[tilespmem:s25+$0x90] =	vst v18;
	v18 =	vld.idx.msk [tilespmem:v14+s31+$0x0], $0xffff  }
0x1ee: {  	v20 =	vor.u32 s14, v3;
	v4 =	vld.idx.msk [tilespmem:v7+s31+$0x0], $0xffff;
	[tilespmem:s25+$0x110] =	vst v9  }
.Ltmp5:
0x1ef: {  	v16 =	vor.u32 s11, v3;
	v9 =	vld.idx.msk [tilespmem:v15+s31+$0x0], $0xffff;
	[tilespmem:s25+$0x190] =	vst v8;
	(pc) =	sbr.rel @p0 .LBB2_13-.Ltmp5, $4  }
0x1f0: {  	v15 =	vor.u32 s13, v3;
	v7 =	vld.idx.msk [tilespmem:v13+s31+$0x0], $0xffff;
	[tilespmem:s25+$0x10] =	vst v17  }
0x1f1: {  	v14 =	vor.u32 s16, v3;
	[tilespmem:s25+$0xFFFFFE20] =	vst v12;
	v8 =	vld.idx.msk [tilespmem:v11+s31+$0x0], $0xffff  }
0x1f2: {  	v13 =	vor.u32 s30, v3;
	[tilespmem:s25+$0xFFFFFFA0] =	vst v10;
	v10 =	vld.idx.msk [tilespmem:v19+s31+$0x0], $0xffff  }
0x1f3: {  	v12 =	vor.u32 s29, v3;
	v11 =	vld.idx.msk [tilespmem:v20+s31+$0x0], $0xffff;
	[tilespmem:s26+$0xB0] =	vst v18;
	s26 =	smov.u32 s25  }
0x1f4: {  	_ =	sdelay $0x1  }
0x1f5: {  	[tilespmem:s25+$0xFFFFFF20] =	vst v6  }
0x1f6: {  	[tilespmem:s25+$0x120] =	vst v9  }
0x1f7: {  	v6 =	vld.idx.msk [tilespmem:v16+s31+$0x0], $0xffff;
	[tilespmem:s26+$0xA0] =	vst v4  }
0x1f8: {  	[tilespmem:s25+$0xFFFFFEA0] =	vst v7;
	v7 =	vld.idx.msk [tilespmem:v15+s31+$0x0], $0xffff  }
0x1f9: {  	v9 =	vld.idx.msk [tilespmem:v14+s31+$0x0], $0xffff;
	[tilespmem:s25+$0x1A0] =	vst v8  }
0x1fa: {  	v8 =	vor.u32 s24, v3;
	[tilespmem:s25+$0x20] =	vst v10;
	v10 =	vld.idx.msk [tilespmem:v13+s31+$0x0], $0xffff  }
0x1fb: {  	[tilespmem:s25+$0xFFFFFFB0] =	vst v11;
	v11 =	vld.idx.msk [tilespmem:v12+s31+$0x0], $0xffff  }
0x1fc: {  	v5 =	vld.idx.msk [tilespmem:v5+s31+$0x0], $0xffff;
	[tilespmem:s25+$0xFFFFFE30] =	vst v6  }
0x1fd: {  	[tilespmem:s25+$0xFFFFFF30] =	vst v7  }
0x1fe: {  	[tilespmem:s25+$0x130] =	vst v9  }
0x1ff: {  	v4 =	vld.idx.msk [tilespmem:v8+s31+$0x0], $0xffff;
	[tilespmem:s25+$0xFFFFFEB0] =	vst v10  }
0x200: {  	[tilespmem:s25+$0x1B0] =	vst v11  }
0x201: {  	[tilespmem:s26+$0x30] =	vst v5  }
0x202: {  	s11 =	rddreg [dreg:$0xf]  }
0x203: {  	s11 =	sadd.s32 s11, s21  }
0x204: {  	s13 =	sadd.s32 s4, s22;
	s14 =	simm.s32 $0x0;
	[tilespmem:s26+$0xB0] =	vst v4;
	s22 =	smul.u32 $0xC80, s11  }
0x205: {  	[hbm4b:s13+s14] =	stream.linear.scatter [tilespmem:s7], [sflag:$0x5], $0x6400, $0x38;
	[tilespmem:$0x1F400] =	vst v63  }
0x206: {  	s11 =	sadd.s32 s2, s22  }
0x207: {  	[tilespmem:s31], [sflag:$0x2] =	stream.linear.gather [hbm4b:s11+s14], $0x6400, $0x38;
	[tilespmem:$0x1F400] =	vst v63  }
0x208: {  	s14 =	simm.s32 $0x0;
	_ =	swait.ge [sflag:s0], $0x6400  }
0x209: {  	s11 =	simm.s32 $0x80;
	v4 =	vor.u32 s14, v0;
	[sflag:s0] =	ssyncset.done $0x0  }
0x20a: {  	s29 =	simm.s32 $0x100;
	v5 =	vor.u32 s11, v0;
	[sflag:s0] =	ssyncadd.s32 $0xFFFF9C00  }
0x20b: {  	s30 =	simm.s32 $0x180;
	v6 =	vor.u32 s29, v0;
	_ =	swait.ge [sflag:s8], $0x6400  }
0x20c: {  	s17 =	simm.s32 $0x200;
	v7 =	vor.u32 s30, v0;
	[sflag:s8] =	ssyncset.done $0x0  }
0x20d: {  	s24 =	simm.s32 $0x280;
	v8 =	vor.u32 s17, v0;
	[sflag:s8] =	ssyncadd.s32 $0xFFFF9C00  }
0x20e: {  	s16 =	simm.s32 $0x300;
	v9 =	vor.u32 s24, v0;
	v4 =	vld.idx.msk [tilespmem:v4+s3+$0x0], $0xffff  }
0x20f: {  	s15 =	simm.s32 $0x380;
	v10 =	vor.u32 s16, v0;
	v5 =	vld.idx.msk [tilespmem:v5+s3+$0x0], $0xffff  }
0x210: {  	v11 =	vor.u32 s15, v0;
	v6 =	vld.idx.msk [tilespmem:v6+s3+$0x0], $0xffff  }
0x211: {  	v12 =	vor.u32 s11, v1;
	v7 =	vld.idx.msk [tilespmem:v7+s3+$0x0], $0xffff  }
0x212: {  	s25 =	simm.s32 $0xCA00;
	v13 =	vor.u32 s14, v1;
	v8 =	vld.idx.msk [tilespmem:v8+s3+$0x0], $0xffff  }
0x213: {  	v14 =	vor.u32 s29, v1;
	v9 =	vld.idx.msk [tilespmem:v9+s3+$0x0], $0xffff;
	[tilespmem:s25+$0xFFFFFE00] =	vst v4  }
0x214: {  	v15 =	vor.u32 s30, v1;
	v4 =	vld.idx.msk [tilespmem:v10+s3+$0x0], $0xffff;
	[tilespmem:s25+$0xFFFFFE80] =	vst v5  }
0x215: {  	v10 =	vor.u32 s17, v1;
	v5 =	vld.idx.msk [tilespmem:v11+s3+$0x0], $0xffff;
	[tilespmem:s25+$0xFFFFFF00] =	vst v6  }
0x216: {  	v11 =	vor.u32 s24, v1;
	[tilespmem:s25+$0xFFFFFF80] =	vst v7;
	v12 =	vld.idx.msk [tilespmem:v12+s3+$0x0], $0xffff  }
0x217: {  	v6 =	vor.u32 s16, v1;
	[tilespmem:s25+$0x0] =	vst v8;
	v13 =	vld.idx.msk [tilespmem:v13+s3+$0x0], $0xffff  }
0x218: {  	v7 =	vor.u32 s15, v1;
	[tilespmem:s25+$0x80] =	vst v9;
	v14 =	vld.idx.msk [tilespmem:v14+s3+$0x0], $0xffff  }
0x219: {  	v8 =	vor.u32 s14, v2;
	v15 =	vld.idx.msk [tilespmem:v15+s3+$0x0], $0xffff;
	[tilespmem:s25+$0x100] =	vst v4  }
0x21a: {  	v9 =	vor.u32 s29, v2;
	v10 =	vld.idx.msk [tilespmem:v10+s3+$0x0], $0xffff;
	[tilespmem:s25+$0x180] =	vst v5  }
0x21b: {  	v4 =	vor.u32 s30, v2;
	v11 =	vld.idx.msk [tilespmem:v11+s3+$0x0], $0xffff;
	[tilespmem:s25+$0xFFFFFE90] =	vst v12  }
0x21c: {  	v5 =	vld.idx.msk [tilespmem:v6+s3+$0x0], $0xffff;
	v12 =	vor.u32 s24, v2;
	[tilespmem:s25+$0xFFFFFE10] =	vst v13  }
0x21d: {  	v13 =	vor.u32 s16, v2;
	v7 =	vld.idx.msk [tilespmem:v7+s3+$0x0], $0xffff;
	[tilespmem:s25+$0xFFFFFF10] =	vst v14  }
0x21e: {  	[tilespmem:s25+$0xFFFFFF90] =	vst v15;
	v15 =	vor.u32 s15, v2;
	v8 =	vld.idx.msk [tilespmem:v8+s3+$0x0], $0xffff  }
0x21f: {  	v14 =	vor.u32 s11, v2;
	v6 =	vld.idx.msk [tilespmem:v9+s3+$0x0], $0xffff  }
0x220: {  	v18 =	vor.u32 s17, v2;
	v17 =	vld.idx.msk [tilespmem:v4+s3+$0x0], $0xffff;
	[tilespmem:s25+$0x90] =	vst v11  }
0x221: {  	v11 =	vor.u32 s30, v3;
	v4 =	vld.idx.msk [tilespmem:v12+s3+$0x0], $0xffff;
	[tilespmem:s25+$0x110] =	vst v5  }
0x222: {  	v16 =	vor.u32 s14, v3;
	[tilespmem:s25+$0x190] =	vst v7;
	v9 =	vld.idx.msk [tilespmem:v13+s3+$0x0], $0xffff  }
0x223: {  	[tilespmem:s25+$0xFFFFFE20] =	vst v8;
	v8 =	vld.idx.msk [tilespmem:v15+s3+$0x0], $0xffff;
	v15 =	vor.u32 s29, v3  }
0x224: {  	[tilespmem:s25+$0x10] =	vst v10;
	v7 =	vld.idx.msk [tilespmem:v14+s3+$0x0], $0xffff;
	v14 =	vor.u32 s16, v3  }
0x225: {  	v10 =	vld.idx.msk [tilespmem:v18+s3+$0x0], $0xffff;
	v13 =	vor.u32 s11, v3;
	[tilespmem:s25+$0xFFFFFFA0] =	vst v17  }
0x226: {  	s28 =	simm.s32 $0x8;
	s26 =	simm.s32 $0xCA00;
	v5 =	vor.u32 s17, v3;
	v12 =	vor.u32 s15, v3;
	v11 =	vld.idx.msk [tilespmem:v11+s3+$0x0], $0xffff  }
.LBB2_15:
0x227: {  	s11 =	sshll.u32 s28, $0x7;
	p0 =	slt.u32 s28, $0xC0;
	s28 =	sadd.s32 $0x8, s28;
	v16 =	vld.idx.msk [tilespmem:v16+s3+$0x0], $0xffff;
	[tilespmem:s25+$0xFFFFFF20] =	vst v6  }
0x228: {  	v6 =	vor.u32 s11, v0;
	s30 =	sadd.s32 $0x80, s11;
	s14 =	sadd.s32 $0x180, s11;
	s29 =	sadd.s32 $0x380, s11;
	v15 =	vld.idx.msk [tilespmem:v15+s3+$0x0], $0xffff;
	[tilespmem:s25+$0x120] =	vst v9  }
0x229: {  	s13 =	sadd.s32 $0x100, s11;
	s15 =	sadd.s32 $0x200, s11;
	s17 =	sadd.s32 $0x280, s11;
	v9 =	vor.u32 s30, v0;
	v17 =	vor.u32 s14, v1;
	[tilespmem:s25+$0xFFFFFEA0] =	vst v7;
	v7 =	vld.idx.msk [tilespmem:v14+s3+$0x0], $0xffff  }
0x22a: {  	v14 =	vor.u32 s13, v0;
	v18 =	vor.u32 s17, v1;
	v13 =	vld.idx.msk [tilespmem:v13+s3+$0x0], $0xffff;
	[tilespmem:s25+$0x1A0] =	vst v8  }
0x22b: {  	v19 =	vor.u32 s15, v3;
	v8 =	vor.u32 s14, v0;
	[tilespmem:s25+$0x20] =	vst v10;
	v10 =	vld.idx.msk [tilespmem:v12+s3+$0x0], $0xffff  }
0x22c: {  	v12 =	vor.u32 s15, v0;
	[tilespmem:s25+$0xFFFFFFB0] =	vst v11;
	v11 =	vld.idx.msk [tilespmem:v5+s3+$0x0], $0xffff;
	v5 =	vmov v19  }
0x22d: {  	s16 =	sadd.s32 $0x300, s11;
	v19 =	vor.u32 s17, v0;
	v6 =	vld.idx.msk [tilespmem:v6+s3+$0x0], $0xffff;
	[tilespmem:s25+$0xFFFFFE30] =	vst v16  }
0x22e: {  	v16 =	vor.u32 s16, v0;
	v9 =	vld.idx.msk [tilespmem:v9+s3+$0x0], $0xffff;
	[tilespmem:s25+$0xFFFFFF30] =	vst v15  }
0x22f: {  	v15 =	vor.u32 s29, v0;
	v14 =	vld.idx.msk [tilespmem:v14+s3+$0x0], $0xffff;
	[tilespmem:s25+$0x130] =	vst v7  }
0x230: {  	v20 =	vor.u32 s30, v1;
	v7 =	vor.u32 s11, v1;
	v8 =	vld.idx.msk [tilespmem:v8+s3+$0x0], $0xffff;
	[tilespmem:s25+$0xFFFFFEB0] =	vst v13  }
0x231: {  	v13 =	vor.u32 s13, v1;
	v12 =	vld.idx.msk [tilespmem:v12+s3+$0x0], $0xffff;
	[tilespmem:s25+$0x1B0] =	vst v10  }
0x232: {  	s25 =	sadd.s32 $0x400, s25;
	v10 =	vld.idx.msk [tilespmem:v19+s3+$0x0], $0xffff;
	[tilespmem:s26+$0x30] =	vst v11  }
0x233: {  	[tilespmem:s25+$0xFFFFFE00] =	vst v6;
	v6 =	vor.u32 s15, v1;
	v11 =	vld.idx.msk [tilespmem:v16+s3+$0x0], $0xffff  }
0x234: {  	[tilespmem:s25+$0xFFFFFE80] =	vst v9;
	v9 =	vld.idx.msk [tilespmem:v15+s3+$0x0], $0xffff  }
0x235: {  	v15 =	vld.idx.msk [tilespmem:v20+s3+$0x0], $0xffff;
	[tilespmem:s25+$0xFFFFFF00] =	vst v14;
	v14 =	vor.u32 s16, v1  }
0x236: {  	v7 =	vld.idx.msk [tilespmem:v7+s3+$0x0], $0xffff;
	[tilespmem:s25+$0xFFFFFF80] =	vst v8;
	v8 =	vor.u32 s29, v1  }
0x237: {  	v13 =	vld.idx.msk [tilespmem:v13+s3+$0x0], $0xffff;
	[tilespmem:s25+$0x0] =	vst v12  }
0x238: {  	v12 =	vor.u32 s11, v2;
	v16 =	vld.idx.msk [tilespmem:v17+s3+$0x0], $0xffff;
	[tilespmem:s25+$0x80] =	vst v10  }
0x239: {  	v10 =	vor.u32 s13, v2;
	v17 =	vld.idx.msk [tilespmem:v6+s3+$0x0], $0xffff;
	[tilespmem:s25+$0x100] =	vst v11  }
0x23a: {  	v11 =	vor.u32 s14, v2;
	v18 =	vld.idx.msk [tilespmem:v18+s3+$0x0], $0xffff;
	[tilespmem:s25+$0x180] =	vst v9  }
0x23b: {  	[tilespmem:s25+$0xFFFFFE90] =	vst v15;
	v9 =	vld.idx.msk [tilespmem:v14+s3+$0x0], $0xffff;
	v14 =	vor.u32 s24, v3;
	s24 =	smov.u32 s17  }
0x23c: {  	v15 =	vor.u32 s16, v2;
	[tilespmem:s25+$0xFFFFFE10] =	vst v7;
	v7 =	vor.u32 s24, v2;
	v8 =	vld.idx.msk [tilespmem:v8+s3+$0x0], $0xffff  }
0x23d: {  	v12 =	vld.idx.msk [tilespmem:v12+s3+$0x0], $0xffff;
	[tilespmem:s25+$0xFFFFFF10] =	vst v13  }
0x23e: {  	v13 =	vor.u32 s30, v2;
	v6 =	vld.idx.msk [tilespmem:v10+s3+$0x0], $0xffff;
	[tilespmem:s25+$0xFFFFFF90] =	vst v16  }
0x23f: {  	v10 =	vld.idx.msk [tilespmem:v11+s3+$0x0], $0xffff;
	v11 =	vor.u32 s29, v2;
	[tilespmem:s26+$0xA0] =	vst v4  }
0x240: {  	v19 =	vor.u32 s15, v2;
	[tilespmem:s25+$0x90] =	vst v18;
	v18 =	vld.idx.msk [tilespmem:v14+s3+$0x0], $0xffff  }
0x241: {  	v20 =	vor.u32 s14, v3;
	v4 =	vld.idx.msk [tilespmem:v7+s3+$0x0], $0xffff;
	[tilespmem:s25+$0x110] =	vst v9  }
.Ltmp6:
0x242: {  	v16 =	vor.u32 s11, v3;
	v9 =	vld.idx.msk [tilespmem:v15+s3+$0x0], $0xffff;
	[tilespmem:s25+$0x190] =	vst v8;
	(pc) =	sbr.rel @p0 .LBB2_15-.Ltmp6, $4  }
0x243: {  	v15 =	vor.u32 s13, v3;
	v7 =	vld.idx.msk [tilespmem:v13+s3+$0x0], $0xffff;
	[tilespmem:s25+$0x10] =	vst v17  }
0x244: {  	v14 =	vor.u32 s16, v3;
	[tilespmem:s25+$0xFFFFFE20] =	vst v12;
	v8 =	vld.idx.msk [tilespmem:v11+s3+$0x0], $0xffff  }
0x245: {  	v13 =	vor.u32 s30, v3;
	[tilespmem:s25+$0xFFFFFFA0] =	vst v10;
	v10 =	vld.idx.msk [tilespmem:v19+s3+$0x0], $0xffff  }
0x246: {  	v12 =	vor.u32 s29, v3;
	v11 =	vld.idx.msk [tilespmem:v20+s3+$0x0], $0xffff;
	[tilespmem:s26+$0xB0] =	vst v18;
	s26 =	smov.u32 s25  }
0x247: {  	_ =	sdelay $0x1  }
0x248: {  	[tilespmem:s25+$0xFFFFFF20] =	vst v6  }
0x249: {  	[tilespmem:s25+$0x120] =	vst v9  }
0x24a: {  	v6 =	vld.idx.msk [tilespmem:v16+s3+$0x0], $0xffff;
	[tilespmem:s25+$0xFFFFFEA0] =	vst v7  }
0x24b: {  	v7 =	vld.idx.msk [tilespmem:v15+s3+$0x0], $0xffff;
	[tilespmem:s25+$0x1A0] =	vst v8;
	v8 =	vor.u32 s24, v3  }
0x24c: {  	[tilespmem:s26+$0xA0] =	vst v4;
	v9 =	vld.idx.msk [tilespmem:v14+s3+$0x0], $0xffff  }
0x24d: {  	[tilespmem:s25+$0x20] =	vst v10;
	v10 =	vld.idx.msk [tilespmem:v13+s3+$0x0], $0xffff  }
0x24e: {  	[tilespmem:s25+$0xFFFFFFB0] =	vst v11;
	v11 =	vld.idx.msk [tilespmem:v12+s3+$0x0], $0xffff  }
0x24f: {  	v5 =	vld.idx.msk [tilespmem:v5+s3+$0x0], $0xffff;
	[tilespmem:s25+$0xFFFFFE30] =	vst v6  }
0x250: {  	[tilespmem:s25+$0xFFFFFF30] =	vst v7;
	v4 =	vld.idx.msk [tilespmem:v8+s3+$0x0], $0xffff  }
0x251: {  	[tilespmem:s25+$0x130] =	vst v9  }
0x252: {  	[tilespmem:s25+$0xFFFFFEB0] =	vst v10  }
0x253: {  	[tilespmem:s25+$0x1B0] =	vst v11  }
0x254: {  	s11 =	sadd.s32 s18, s21;
	[tilespmem:s26+$0x30] =	vst v5  }
0x255: {  	s13 =	sadd.s32 s4, s23;
	s14 =	simm.s32 $0x0;
	s23 =	smul.u32 $0xC80, s11;
	[tilespmem:s26+$0xB0] =	vst v4  }
0x256: {  	[hbm4b:s13+s14] =	stream.linear.scatter [tilespmem:s1], [sflag:$0x3], $0x6400, $0x38;
	[tilespmem:$0x1F400] =	vst v63  }
0x257: {  	s11 =	sadd.s32 s2, s23  }
0x258: {  	[tilespmem:s14], [sflag:$0x1] =	stream.linear.gather [hbm4b:s11+s14], $0x6400, $0x38;
	[tilespmem:$0x1F400] =	vst v63  }
0x259: {  	s14 =	simm.s32 $0x0;
	_ =	swait.ge [sflag:s5], $0x6400  }
0x25a: {  	s11 =	simm.s32 $0x80;
	v4 =	vor.u32 s14, v0;
	[sflag:s5] =	ssyncset.done $0x0  }
0x25b: {  	s29 =	simm.s32 $0x100;
	v5 =	vor.u32 s11, v0;
	[sflag:s5] =	ssyncadd.s32 $0xFFFF9C00  }
0x25c: {  	s30 =	simm.s32 $0x180;
	v6 =	vor.u32 s29, v0;
	_ =	swait.ge [sflag:s9], $0x6400  }
0x25d: {  	s17 =	simm.s32 $0x200;
	v7 =	vor.u32 s30, v0;
	[sflag:s9] =	ssyncset.done $0x0  }
0x25e: {  	s24 =	simm.s32 $0x280;
	v8 =	vor.u32 s17, v0;
	[sflag:s9] =	ssyncadd.s32 $0xFFFF9C00  }
0x25f: {  	s16 =	simm.s32 $0x300;
	v9 =	vor.u32 s24, v0;
	v4 =	vld.idx.msk [tilespmem:v4+s31+$0x0], $0xffff  }
0x260: {  	s15 =	simm.s32 $0x380;
	v10 =	vor.u32 s16, v0;
	v5 =	vld.idx.msk [tilespmem:v5+s31+$0x0], $0xffff  }
0x261: {  	v11 =	vor.u32 s15, v0;
	v6 =	vld.idx.msk [tilespmem:v6+s31+$0x0], $0xffff  }
0x262: {  	v12 =	vor.u32 s11, v1;
	v7 =	vld.idx.msk [tilespmem:v7+s31+$0x0], $0xffff  }
0x263: {  	s25 =	simm.s32 $0x12E00;
	v13 =	vor.u32 s14, v1;
	v8 =	vld.idx.msk [tilespmem:v8+s31+$0x0], $0xffff  }
0x264: {  	v14 =	vor.u32 s29, v1;
	v9 =	vld.idx.msk [tilespmem:v9+s31+$0x0], $0xffff;
	[tilespmem:s25+$0xFFFFFE00] =	vst v4  }
0x265: {  	v15 =	vor.u32 s30, v1;
	v4 =	vld.idx.msk [tilespmem:v10+s31+$0x0], $0xffff;
	[tilespmem:s25+$0xFFFFFE80] =	vst v5  }
0x266: {  	v10 =	vor.u32 s17, v1;
	v5 =	vld.idx.msk [tilespmem:v11+s31+$0x0], $0xffff;
	[tilespmem:s25+$0xFFFFFF00] =	vst v6  }
0x267: {  	v11 =	vor.u32 s24, v1;
	[tilespmem:s25+$0xFFFFFF80] =	vst v7;
	v12 =	vld.idx.msk [tilespmem:v12+s31+$0x0], $0xffff  }
0x268: {  	v6 =	vor.u32 s16, v1;
	[tilespmem:s25+$0x0] =	vst v8;
	v13 =	vld.idx.msk [tilespmem:v13+s31+$0x0], $0xffff  }
0x269: {  	v7 =	vor.u32 s15, v1;
	[tilespmem:s25+$0x80] =	vst v9;
	v14 =	vld.idx.msk [tilespmem:v14+s31+$0x0], $0xffff  }
0x26a: {  	v8 =	vor.u32 s14, v2;
	v15 =	vld.idx.msk [tilespmem:v15+s31+$0x0], $0xffff;
	[tilespmem:s25+$0x100] =	vst v4  }
0x26b: {  	v9 =	vor.u32 s29, v2;
	v10 =	vld.idx.msk [tilespmem:v10+s31+$0x0], $0xffff;
	[tilespmem:s25+$0x180] =	vst v5  }
0x26c: {  	v4 =	vor.u32 s30, v2;
	v11 =	vld.idx.msk [tilespmem:v11+s31+$0x0], $0xffff;
	[tilespmem:s25+$0xFFFFFE90] =	vst v12  }
0x26d: {  	v5 =	vld.idx.msk [tilespmem:v6+s31+$0x0], $0xffff;
	v12 =	vor.u32 s24, v2;
	[tilespmem:s25+$0xFFFFFE10] =	vst v13  }
0x26e: {  	v13 =	vor.u32 s16, v2;
	v7 =	vld.idx.msk [tilespmem:v7+s31+$0x0], $0xffff;
	[tilespmem:s25+$0xFFFFFF10] =	vst v14  }
0x26f: {  	[tilespmem:s25+$0xFFFFFF90] =	vst v15;
	v15 =	vor.u32 s15, v2;
	v8 =	vld.idx.msk [tilespmem:v8+s31+$0x0], $0xffff  }
0x270: {  	v14 =	vor.u32 s11, v2;
	v6 =	vld.idx.msk [tilespmem:v9+s31+$0x0], $0xffff  }
0x271: {  	v18 =	vor.u32 s17, v2;
	v17 =	vld.idx.msk [tilespmem:v4+s31+$0x0], $0xffff;
	[tilespmem:s25+$0x90] =	vst v11  }
0x272: {  	v11 =	vor.u32 s30, v3;
	v4 =	vld.idx.msk [tilespmem:v12+s31+$0x0], $0xffff;
	[tilespmem:s25+$0x110] =	vst v5  }
0x273: {  	v16 =	vor.u32 s14, v3;
	[tilespmem:s25+$0x190] =	vst v7;
	v9 =	vld.idx.msk [tilespmem:v13+s31+$0x0], $0xffff  }
0x274: {  	[tilespmem:s25+$0xFFFFFE20] =	vst v8;
	v8 =	vld.idx.msk [tilespmem:v15+s31+$0x0], $0xffff;
	v15 =	vor.u32 s29, v3  }
0x275: {  	[tilespmem:s25+$0x10] =	vst v10;
	v7 =	vld.idx.msk [tilespmem:v14+s31+$0x0], $0xffff;
	v14 =	vor.u32 s16, v3  }
0x276: {  	v10 =	vld.idx.msk [tilespmem:v18+s31+$0x0], $0xffff;
	v13 =	vor.u32 s11, v3;
	[tilespmem:s25+$0xFFFFFFA0] =	vst v17  }
0x277: {  	s28 =	simm.s32 $0x8;
	s26 =	simm.s32 $0x12E00;
	v5 =	vor.u32 s17, v3;
	v12 =	vor.u32 s15, v3;
	v11 =	vld.idx.msk [tilespmem:v11+s31+$0x0], $0xffff  }
.LBB2_17:
0x278: {  	s11 =	sshll.u32 s28, $0x7;
	p0 =	slt.u32 s28, $0xC0;
	s28 =	sadd.s32 $0x8, s28;
	v16 =	vld.idx.msk [tilespmem:v16+s31+$0x0], $0xffff;
	[tilespmem:s25+$0xFFFFFF20] =	vst v6  }
0x279: {  	v6 =	vor.u32 s11, v0;
	s30 =	sadd.s32 $0x80, s11;
	s14 =	sadd.s32 $0x180, s11;
	s29 =	sadd.s32 $0x380, s11;
	v15 =	vld.idx.msk [tilespmem:v15+s31+$0x0], $0xffff;
	[tilespmem:s25+$0x120] =	vst v9  }
0x27a: {  	s13 =	sadd.s32 $0x100, s11;
	s15 =	sadd.s32 $0x200, s11;
	s17 =	sadd.s32 $0x280, s11;
	v9 =	vor.u32 s30, v0;
	v17 =	vor.u32 s14, v1;
	[tilespmem:s25+$0xFFFFFEA0] =	vst v7;
	v7 =	vld.idx.msk [tilespmem:v14+s31+$0x0], $0xffff  }
0x27b: {  	v14 =	vor.u32 s13, v0;
	v18 =	vor.u32 s17, v1;
	v13 =	vld.idx.msk [tilespmem:v13+s31+$0x0], $0xffff;
	[tilespmem:s25+$0x1A0] =	vst v8  }
0x27c: {  	v19 =	vor.u32 s15, v3;
	v8 =	vor.u32 s14, v0;
	[tilespmem:s25+$0x20] =	vst v10;
	v10 =	vld.idx.msk [tilespmem:v12+s31+$0x0], $0xffff  }
0x27d: {  	v12 =	vor.u32 s15, v0;
	[tilespmem:s25+$0xFFFFFFB0] =	vst v11;
	v11 =	vld.idx.msk [tilespmem:v5+s31+$0x0], $0xffff;
	v5 =	vmov v19  }
0x27e: {  	s16 =	sadd.s32 $0x300, s11;
	v19 =	vor.u32 s17, v0;
	v6 =	vld.idx.msk [tilespmem:v6+s31+$0x0], $0xffff;
	[tilespmem:s25+$0xFFFFFE30] =	vst v16  }
0x27f: {  	v16 =	vor.u32 s16, v0;
	v9 =	vld.idx.msk [tilespmem:v9+s31+$0x0], $0xffff;
	[tilespmem:s25+$0xFFFFFF30] =	vst v15  }
0x280: {  	v15 =	vor.u32 s29, v0;
	v14 =	vld.idx.msk [tilespmem:v14+s31+$0x0], $0xffff;
	[tilespmem:s25+$0x130] =	vst v7  }
0x281: {  	v20 =	vor.u32 s30, v1;
	v7 =	vor.u32 s11, v1;
	v8 =	vld.idx.msk [tilespmem:v8+s31+$0x0], $0xffff;
	[tilespmem:s25+$0xFFFFFEB0] =	vst v13  }
0x282: {  	v13 =	vor.u32 s13, v1;
	v12 =	vld.idx.msk [tilespmem:v12+s31+$0x0], $0xffff;
	[tilespmem:s25+$0x1B0] =	vst v10  }
0x283: {  	s25 =	sadd.s32 $0x400, s25;
	v10 =	vld.idx.msk [tilespmem:v19+s31+$0x0], $0xffff;
	[tilespmem:s26+$0x30] =	vst v11  }
0x284: {  	[tilespmem:s25+$0xFFFFFE00] =	vst v6;
	v6 =	vor.u32 s15, v1;
	v11 =	vld.idx.msk [tilespmem:v16+s31+$0x0], $0xffff  }
0x285: {  	[tilespmem:s25+$0xFFFFFE80] =	vst v9;
	v9 =	vld.idx.msk [tilespmem:v15+s31+$0x0], $0xffff  }
0x286: {  	v15 =	vld.idx.msk [tilespmem:v20+s31+$0x0], $0xffff;
	[tilespmem:s25+$0xFFFFFF00] =	vst v14;
	v14 =	vor.u32 s16, v1  }
0x287: {  	v7 =	vld.idx.msk [tilespmem:v7+s31+$0x0], $0xffff;
	[tilespmem:s25+$0xFFFFFF80] =	vst v8;
	v8 =	vor.u32 s29, v1  }
0x288: {  	v13 =	vld.idx.msk [tilespmem:v13+s31+$0x0], $0xffff;
	[tilespmem:s25+$0x0] =	vst v12  }
0x289: {  	v12 =	vor.u32 s11, v2;
	v16 =	vld.idx.msk [tilespmem:v17+s31+$0x0], $0xffff;
	[tilespmem:s25+$0x80] =	vst v10  }
0x28a: {  	v10 =	vor.u32 s13, v2;
	v17 =	vld.idx.msk [tilespmem:v6+s31+$0x0], $0xffff;
	[tilespmem:s25+$0x100] =	vst v11  }
0x28b: {  	v11 =	vor.u32 s14, v2;
	v18 =	vld.idx.msk [tilespmem:v18+s31+$0x0], $0xffff;
	[tilespmem:s25+$0x180] =	vst v9  }
0x28c: {  	[tilespmem:s25+$0xFFFFFE90] =	vst v15;
	v9 =	vld.idx.msk [tilespmem:v14+s31+$0x0], $0xffff;
	v14 =	vor.u32 s24, v3;
	s24 =	smov.u32 s17  }
0x28d: {  	v15 =	vor.u32 s16, v2;
	[tilespmem:s25+$0xFFFFFE10] =	vst v7;
	v7 =	vor.u32 s24, v2;
	v8 =	vld.idx.msk [tilespmem:v8+s31+$0x0], $0xffff  }
0x28e: {  	v12 =	vld.idx.msk [tilespmem:v12+s31+$0x0], $0xffff;
	[tilespmem:s25+$0xFFFFFF10] =	vst v13  }
0x28f: {  	v13 =	vor.u32 s30, v2;
	v6 =	vld.idx.msk [tilespmem:v10+s31+$0x0], $0xffff;
	[tilespmem:s25+$0xFFFFFF90] =	vst v16  }
0x290: {  	v10 =	vld.idx.msk [tilespmem:v11+s31+$0x0], $0xffff;
	v11 =	vor.u32 s29, v2;
	[tilespmem:s26+$0xA0] =	vst v4  }
0x291: {  	v19 =	vor.u32 s15, v2;
	[tilespmem:s25+$0x90] =	vst v18;
	v18 =	vld.idx.msk [tilespmem:v14+s31+$0x0], $0xffff  }
0x292: {  	v20 =	vor.u32 s14, v3;
	v4 =	vld.idx.msk [tilespmem:v7+s31+$0x0], $0xffff;
	[tilespmem:s25+$0x110] =	vst v9  }
.Ltmp7:
0x293: {  	v16 =	vor.u32 s11, v3;
	v9 =	vld.idx.msk [tilespmem:v15+s31+$0x0], $0xffff;
	[tilespmem:s25+$0x190] =	vst v8;
	(pc) =	sbr.rel @p0 .LBB2_17-.Ltmp7, $4  }
0x294: {  	v15 =	vor.u32 s13, v3;
	v7 =	vld.idx.msk [tilespmem:v13+s31+$0x0], $0xffff;
	[tilespmem:s25+$0x10] =	vst v17  }
0x295: {  	v14 =	vor.u32 s16, v3;
	[tilespmem:s25+$0xFFFFFE20] =	vst v12;
	v8 =	vld.idx.msk [tilespmem:v11+s31+$0x0], $0xffff  }
0x296: {  	v13 =	vor.u32 s30, v3;
	[tilespmem:s25+$0xFFFFFFA0] =	vst v10;
	v10 =	vld.idx.msk [tilespmem:v19+s31+$0x0], $0xffff  }
0x297: {  	v12 =	vor.u32 s29, v3;
	v11 =	vld.idx.msk [tilespmem:v20+s31+$0x0], $0xffff;
	[tilespmem:s26+$0xB0] =	vst v18;
	s26 =	smov.u32 s25  }
0x298: {  	_ =	sdelay $0x1  }
0x299: {  	[tilespmem:s25+$0xFFFFFF20] =	vst v6  }
0x29a: {  	[tilespmem:s25+$0x120] =	vst v9  }
0x29b: {  	v6 =	vld.idx.msk [tilespmem:v16+s31+$0x0], $0xffff;
	[tilespmem:s25+$0xFFFFFEA0] =	vst v7  }
0x29c: {  	v7 =	vld.idx.msk [tilespmem:v15+s31+$0x0], $0xffff;
	[tilespmem:s25+$0x1A0] =	vst v8;
	v8 =	vor.u32 s24, v3  }
0x29d: {  	[tilespmem:s26+$0xA0] =	vst v4;
	v9 =	vld.idx.msk [tilespmem:v14+s31+$0x0], $0xffff  }
0x29e: {  	[tilespmem:s25+$0x20] =	vst v10;
	v10 =	vld.idx.msk [tilespmem:v13+s31+$0x0], $0xffff  }
0x29f: {  	[tilespmem:s25+$0xFFFFFFB0] =	vst v11;
	v11 =	vld.idx.msk [tilespmem:v12+s31+$0x0], $0xffff  }
0x2a0: {  	v5 =	vld.idx.msk [tilespmem:v5+s31+$0x0], $0xffff;
	[tilespmem:s25+$0xFFFFFE30] =	vst v6  }
0x2a1: {  	[tilespmem:s25+$0xFFFFFF30] =	vst v7;
	v4 =	vld.idx.msk [tilespmem:v8+s31+$0x0], $0xffff  }
0x2a2: {  	[tilespmem:s25+$0x130] =	vst v9  }
0x2a3: {  	[tilespmem:s25+$0xFFFFFEB0] =	vst v10  }
0x2a4: {  	[tilespmem:s25+$0x1B0] =	vst v11  }
0x2a5: {  	s11 =	sadd.s32 s19, s21;
	[tilespmem:s26+$0x30] =	vst v5  }
0x2a6: {  	s13 =	sadd.s32 s4, s22;
	s14 =	simm.s32 $0x0;
	s11 =	smul.u32 $0xC80, s11;
	[tilespmem:s26+$0xB0] =	vst v4  }
0x2a7: {  	[hbm4b:s13+s14] =	stream.linear.scatter [tilespmem:s6], [sflag:$0x4], $0x6400, $0x38;
	[tilespmem:$0x1F400] =	vst v63  }
0x2a8: {  	s11 =	sadd.s32 s2, s11  }
0x2a9: {  	[tilespmem:s31], [sflag:$0x2] =	stream.linear.gather [hbm4b:s11+s14], $0x6400, $0x38;
	[tilespmem:$0x1F400] =	vst v63  }
0x2aa: {  	s26 =	simm.s32 $0x0;
	_ =	swait.ge [sflag:s0], $0x6400  }
0x2ab: {  	s28 =	simm.s32 $0x80;
	v4 =	vor.u32 s26, v0;
	[sflag:s0] =	ssyncset.done $0x0  }
0x2ac: {  	s29 =	simm.s32 $0x100;
	v5 =	vor.u32 s28, v0;
	[sflag:s0] =	ssyncadd.s32 $0xFFFF9C00  }
0x2ad: {  	s30 =	simm.s32 $0x180;
	v6 =	vor.u32 s29, v0;
	_ =	swait.ge [sflag:s10], $0x6400  }
0x2ae: {  	s17 =	simm.s32 $0x200;
	v7 =	vor.u32 s30, v0;
	[sflag:s10] =	ssyncset.done $0x0  }
0x2af: {  	s22 =	simm.s32 $0x280;
	v8 =	vor.u32 s17, v0;
	[sflag:s10] =	ssyncadd.s32 $0xFFFF9C00  }
0x2b0: {  	s16 =	simm.s32 $0x300;
	v9 =	vor.u32 s22, v0;
	v4 =	vld.idx.msk [tilespmem:v4+s3+$0x0], $0xffff  }
0x2b1: {  	s15 =	simm.s32 $0x380;
	v10 =	vor.u32 s16, v0;
	v5 =	vld.idx.msk [tilespmem:v5+s3+$0x0], $0xffff  }
0x2b2: {  	v11 =	vor.u32 s15, v0;
	v6 =	vld.idx.msk [tilespmem:v6+s3+$0x0], $0xffff  }
0x2b3: {  	v12 =	vor.u32 s28, v1;
	v7 =	vld.idx.msk [tilespmem:v7+s3+$0x0], $0xffff  }
0x2b4: {  	s24 =	simm.s32 $0x19200;
	v13 =	vor.u32 s26, v1;
	v8 =	vld.idx.msk [tilespmem:v8+s3+$0x0], $0xffff  }
0x2b5: {  	v14 =	vor.u32 s29, v1;
	v9 =	vld.idx.msk [tilespmem:v9+s3+$0x0], $0xffff;
	[tilespmem:s24+$0xFFFFFE00] =	vst v4  }
0x2b6: {  	v15 =	vor.u32 s30, v1;
	v4 =	vld.idx.msk [tilespmem:v10+s3+$0x0], $0xffff;
	[tilespmem:s24+$0xFFFFFE80] =	vst v5  }
0x2b7: {  	v10 =	vor.u32 s17, v1;
	v5 =	vld.idx.msk [tilespmem:v11+s3+$0x0], $0xffff;
	[tilespmem:s24+$0xFFFFFF00] =	vst v6  }
0x2b8: {  	v11 =	vor.u32 s22, v1;
	[tilespmem:s24+$0xFFFFFF80] =	vst v7;
	v12 =	vld.idx.msk [tilespmem:v12+s3+$0x0], $0xffff  }
0x2b9: {  	v6 =	vor.u32 s16, v1;
	[tilespmem:s24+$0x0] =	vst v8;
	v13 =	vld.idx.msk [tilespmem:v13+s3+$0x0], $0xffff  }
0x2ba: {  	v7 =	vor.u32 s15, v1;
	[tilespmem:s24+$0x80] =	vst v9;
	v14 =	vld.idx.msk [tilespmem:v14+s3+$0x0], $0xffff  }
0x2bb: {  	v8 =	vor.u32 s26, v2;
	v15 =	vld.idx.msk [tilespmem:v15+s3+$0x0], $0xffff;
	[tilespmem:s24+$0x100] =	vst v4  }
0x2bc: {  	v9 =	vor.u32 s29, v2;
	v10 =	vld.idx.msk [tilespmem:v10+s3+$0x0], $0xffff;
	[tilespmem:s24+$0x180] =	vst v5  }
0x2bd: {  	v4 =	vor.u32 s30, v2;
	v11 =	vld.idx.msk [tilespmem:v11+s3+$0x0], $0xffff;
	[tilespmem:s24+$0xFFFFFE90] =	vst v12  }
0x2be: {  	v5 =	vld.idx.msk [tilespmem:v6+s3+$0x0], $0xffff;
	v12 =	vor.u32 s22, v2;
	[tilespmem:s24+$0xFFFFFE10] =	vst v13  }
0x2bf: {  	v13 =	vor.u32 s16, v2;
	v7 =	vld.idx.msk [tilespmem:v7+s3+$0x0], $0xffff;
	[tilespmem:s24+$0xFFFFFF10] =	vst v14  }
0x2c0: {  	[tilespmem:s24+$0xFFFFFF90] =	vst v15;
	v15 =	vor.u32 s15, v2;
	v8 =	vld.idx.msk [tilespmem:v8+s3+$0x0], $0xffff  }
0x2c1: {  	v14 =	vor.u32 s28, v2;
	v6 =	vld.idx.msk [tilespmem:v9+s3+$0x0], $0xffff  }
0x2c2: {  	v18 =	vor.u32 s17, v2;
	v17 =	vld.idx.msk [tilespmem:v4+s3+$0x0], $0xffff;
	[tilespmem:s24+$0x90] =	vst v11  }
0x2c3: {  	v11 =	vor.u32 s30, v3;
	v4 =	vld.idx.msk [tilespmem:v12+s3+$0x0], $0xffff;
	[tilespmem:s24+$0x110] =	vst v5  }
0x2c4: {  	v16 =	vor.u32 s26, v3;
	[tilespmem:s24+$0x190] =	vst v7;
	v9 =	vld.idx.msk [tilespmem:v13+s3+$0x0], $0xffff  }
0x2c5: {  	[tilespmem:s24+$0xFFFFFE20] =	vst v8;
	v8 =	vld.idx.msk [tilespmem:v15+s3+$0x0], $0xffff;
	v15 =	vor.u32 s29, v3  }
0x2c6: {  	[tilespmem:s24+$0x10] =	vst v10;
	v7 =	vld.idx.msk [tilespmem:v14+s3+$0x0], $0xffff;
	v14 =	vor.u32 s16, v3  }
0x2c7: {  	v10 =	vld.idx.msk [tilespmem:v18+s3+$0x0], $0xffff;
	v13 =	vor.u32 s28, v3;
	[tilespmem:s24+$0xFFFFFFA0] =	vst v17  }
0x2c8: {  	s25 =	simm.s32 $0x19200;
	s26 =	simm.s32 $0x8;
	v5 =	vor.u32 s17, v3;
	v12 =	vor.u32 s15, v3;
	v11 =	vld.idx.msk [tilespmem:v11+s3+$0x0], $0xffff  }
.LBB2_19:
0x2c9: {  	s11 =	sshll.u32 s26, $0x7;
	p0 =	slt.u32 s26, $0xC0;
	s26 =	sadd.s32 $0x8, s26;
	v16 =	vld.idx.msk [tilespmem:v16+s3+$0x0], $0xffff;
	[tilespmem:s24+$0xFFFFFF20] =	vst v6  }
0x2ca: {  	v6 =	vor.u32 s11, v0;
	s29 =	sadd.s32 $0x80, s11;
	s14 =	sadd.s32 $0x180, s11;
	s28 =	sadd.s32 $0x380, s11;
	v15 =	vld.idx.msk [tilespmem:v15+s3+$0x0], $0xffff;
	[tilespmem:s24+$0x120] =	vst v9  }
0x2cb: {  	s13 =	sadd.s32 $0x100, s11;
	s15 =	sadd.s32 $0x200, s11;
	s17 =	sadd.s32 $0x280, s11;
	v9 =	vor.u32 s29, v0;
	v17 =	vor.u32 s14, v1;
	[tilespmem:s24+$0xFFFFFEA0] =	vst v7;
	v7 =	vld.idx.msk [tilespmem:v14+s3+$0x0], $0xffff  }
0x2cc: {  	v14 =	vor.u32 s13, v0;
	v18 =	vor.u32 s17, v1;
	v13 =	vld.idx.msk [tilespmem:v13+s3+$0x0], $0xffff;
	[tilespmem:s24+$0x1A0] =	vst v8  }
0x2cd: {  	v19 =	vor.u32 s15, v3;
	v8 =	vor.u32 s14, v0;
	[tilespmem:s24+$0x20] =	vst v10;
	v10 =	vld.idx.msk [tilespmem:v12+s3+$0x0], $0xffff  }
0x2ce: {  	v12 =	vor.u32 s15, v0;
	[tilespmem:s24+$0xFFFFFFB0] =	vst v11;
	v11 =	vld.idx.msk [tilespmem:v5+s3+$0x0], $0xffff;
	v5 =	vmov v19  }
0x2cf: {  	s16 =	sadd.s32 $0x300, s11;
	v19 =	vor.u32 s17, v0;
	v6 =	vld.idx.msk [tilespmem:v6+s3+$0x0], $0xffff;
	[tilespmem:s24+$0xFFFFFE30] =	vst v16  }
0x2d0: {  	v16 =	vor.u32 s16, v0;
	v9 =	vld.idx.msk [tilespmem:v9+s3+$0x0], $0xffff;
	[tilespmem:s24+$0xFFFFFF30] =	vst v15  }
0x2d1: {  	v15 =	vor.u32 s28, v0;
	v14 =	vld.idx.msk [tilespmem:v14+s3+$0x0], $0xffff;
	[tilespmem:s24+$0x130] =	vst v7  }
0x2d2: {  	v20 =	vor.u32 s29, v1;
	v7 =	vor.u32 s11, v1;
	v8 =	vld.idx.msk [tilespmem:v8+s3+$0x0], $0xffff;
	[tilespmem:s24+$0xFFFFFEB0] =	vst v13  }
0x2d3: {  	v13 =	vor.u32 s13, v1;
	v12 =	vld.idx.msk [tilespmem:v12+s3+$0x0], $0xffff;
	[tilespmem:s24+$0x1B0] =	vst v10  }
0x2d4: {  	s24 =	sadd.s32 $0x400, s24;
	v10 =	vld.idx.msk [tilespmem:v19+s3+$0x0], $0xffff;
	[tilespmem:s25+$0x30] =	vst v11  }
0x2d5: {  	[tilespmem:s24+$0xFFFFFE00] =	vst v6;
	v6 =	vor.u32 s15, v1;
	v11 =	vld.idx.msk [tilespmem:v16+s3+$0x0], $0xffff  }
0x2d6: {  	[tilespmem:s24+$0xFFFFFE80] =	vst v9;
	v9 =	vld.idx.msk [tilespmem:v15+s3+$0x0], $0xffff  }
0x2d7: {  	v15 =	vld.idx.msk [tilespmem:v20+s3+$0x0], $0xffff;
	[tilespmem:s24+$0xFFFFFF00] =	vst v14;
	v14 =	vor.u32 s16, v1  }
0x2d8: {  	v7 =	vld.idx.msk [tilespmem:v7+s3+$0x0], $0xffff;
	[tilespmem:s24+$0xFFFFFF80] =	vst v8;
	v8 =	vor.u32 s28, v1  }
0x2d9: {  	v13 =	vld.idx.msk [tilespmem:v13+s3+$0x0], $0xffff;
	[tilespmem:s24+$0x0] =	vst v12  }
0x2da: {  	v12 =	vor.u32 s11, v2;
	v16 =	vld.idx.msk [tilespmem:v17+s3+$0x0], $0xffff;
	[tilespmem:s24+$0x80] =	vst v10  }
0x2db: {  	v10 =	vor.u32 s13, v2;
	v17 =	vld.idx.msk [tilespmem:v6+s3+$0x0], $0xffff;
	[tilespmem:s24+$0x100] =	vst v11  }
0x2dc: {  	v11 =	vor.u32 s14, v2;
	v18 =	vld.idx.msk [tilespmem:v18+s3+$0x0], $0xffff;
	[tilespmem:s24+$0x180] =	vst v9  }
0x2dd: {  	[tilespmem:s24+$0xFFFFFE90] =	vst v15;
	v9 =	vld.idx.msk [tilespmem:v14+s3+$0x0], $0xffff;
	v14 =	vor.u32 s22, v3;
	s22 =	smov.u32 s17  }
0x2de: {  	v15 =	vor.u32 s16, v2;
	[tilespmem:s24+$0xFFFFFE10] =	vst v7;
	v7 =	vor.u32 s22, v2;
	v8 =	vld.idx.msk [tilespmem:v8+s3+$0x0], $0xffff  }
0x2df: {  	v12 =	vld.idx.msk [tilespmem:v12+s3+$0x0], $0xffff;
	[tilespmem:s24+$0xFFFFFF10] =	vst v13  }
0x2e0: {  	v13 =	vor.u32 s29, v2;
	v6 =	vld.idx.msk [tilespmem:v10+s3+$0x0], $0xffff;
	[tilespmem:s24+$0xFFFFFF90] =	vst v16  }
0x2e1: {  	v10 =	vld.idx.msk [tilespmem:v11+s3+$0x0], $0xffff;
	v11 =	vor.u32 s28, v2;
	[tilespmem:s25+$0xA0] =	vst v4  }
0x2e2: {  	v19 =	vor.u32 s15, v2;
	[tilespmem:s24+$0x90] =	vst v18;
	v18 =	vld.idx.msk [tilespmem:v14+s3+$0x0], $0xffff  }
0x2e3: {  	v20 =	vor.u32 s14, v3;
	v4 =	vld.idx.msk [tilespmem:v7+s3+$0x0], $0xffff;
	[tilespmem:s24+$0x110] =	vst v9  }
.Ltmp8:
0x2e4: {  	v16 =	vor.u32 s11, v3;
	v9 =	vld.idx.msk [tilespmem:v15+s3+$0x0], $0xffff;
	[tilespmem:s24+$0x190] =	vst v8;
	(pc) =	sbr.rel @p0 .LBB2_19-.Ltmp8, $4  }
0x2e5: {  	v15 =	vor.u32 s13, v3;
	v7 =	vld.idx.msk [tilespmem:v13+s3+$0x0], $0xffff;
	[tilespmem:s24+$0x10] =	vst v17  }
0x2e6: {  	v14 =	vor.u32 s16, v3;
	[tilespmem:s24+$0xFFFFFE20] =	vst v12;
	v8 =	vld.idx.msk [tilespmem:v11+s3+$0x0], $0xffff  }
0x2e7: {  	v13 =	vor.u32 s29, v3;
	[tilespmem:s24+$0xFFFFFFA0] =	vst v10;
	v10 =	vld.idx.msk [tilespmem:v19+s3+$0x0], $0xffff  }
0x2e8: {  	v12 =	vor.u32 s28, v3;
	v11 =	vld.idx.msk [tilespmem:v20+s3+$0x0], $0xffff;
	[tilespmem:s25+$0xB0] =	vst v18;
	s25 =	smov.u32 s24  }
0x2e9: {  	_ =	sdelay $0x1  }
0x2ea: {  	[tilespmem:s24+$0xFFFFFF20] =	vst v6  }
0x2eb: {  	[tilespmem:s24+$0x120] =	vst v9  }
0x2ec: {  	v59 =	vld.idx.msk [tilespmem:v16+s3+$0x0], $0xffff;
	[tilespmem:s25+$0xA0] =	vst v4  }
0x2ed: {  	v61 =	vor.u32 s22, v3;
	[tilespmem:s24+$0xFFFFFEA0] =	vst v7;
	v60 =	vld.idx.msk [tilespmem:v15+s3+$0x0], $0xffff  }
0x2ee: {  	v9 =	vld.idx.msk [tilespmem:v14+s3+$0x0], $0xffff;
	[tilespmem:s24+$0x1A0] =	vst v8  }
0x2ef: {  	v62 =	vld.idx.msk [tilespmem:v13+s3+$0x0], $0xffff;
	[tilespmem:s24+$0x20] =	vst v10  }
0x2f0: {  	v63 =	vld.idx.msk [tilespmem:v12+s3+$0x0], $0xffff;
	[tilespmem:s24+$0xFFFFFFB0] =	vst v11  }
0x2f1: {  	v5 =	vld.idx.msk [tilespmem:v5+s3+$0x0], $0xffff;
	[tilespmem:s24+$0xFFFFFE30] =	vst v59  }
0x2f2: {  	v4 =	vld.idx.msk [tilespmem:v61+s3+$0x0], $0xffff;
	[tilespmem:s24+$0xFFFFFF30] =	vst v60  }
0x2f3: {  	[tilespmem:s24+$0x130] =	vst v9  }
0x2f4: {  	s12 =	sadd.s32 $0x1, s12;
	[tilespmem:s24+$0xFFFFFEB0] =	vst v62  }
0x2f5: {  	p0 =	sne.s32 s12, $0x14;
	[tilespmem:s24+$0x1B0] =	vst v63  }
.Ltmp9:
0x2f6: {  	s11 =	sadd.s32 s20, s21;
	[tilespmem:s25+$0x30] =	vst v5;
	(pc) =	sbr.rel @p0 .LBB2_8-.Ltmp9, $4  }
0x2f7: {  	s13 =	sadd.s32 s4, s23;
	s11 =	smul.u32 $0xC80, s11;
	[tilespmem:s25+$0xB0] =	vst v4  }
0x2f8: {  	[hbm4b:s13+s3] =	stream.linear.scatter [tilespmem:s7], [sflag:$0x5], $0x6400, $0x38;
	[tilespmem:$0x1F400] =	vst v63  }
0x2f9: {  	s11 =	sadd.s32 s2, s11  }
0x2fa: {  	[tilespmem:s3], [sflag:$0x1] =	stream.linear.gather [hbm4b:s11+s3], $0x6400, $0x38;
	[tilespmem:$0x1F400] =	vst v63  }
0x2fb: {  	_ =	swait.ge [sflag:s5], $0x6400;
	s13 =	simm.s32 $0x0  }
0x2fc: {  	s11 =	simm.s32 $0x80;
	[sflag:s5] =	ssyncset.done $0x0;
	v4 =	vor.u32 s13, v0  }
0x2fd: {  	s14 =	simm.s32 $0x100;
	v5 =	vor.u32 s11, v0;
	[sflag:s5] =	ssyncadd.s32 $0xFFFF9C00  }
0x2fe: {  	s22 =	simm.s32 $0x180;
	v6 =	vor.u32 s14, v0;
	_ =	swait.ge [sflag:s8], $0x6400  }
0x2ff: {  	s17 =	simm.s32 $0x200;
	v7 =	vor.u32 s22, v0;
	[sflag:s8] =	ssyncset.done $0x0  }
0x300: {  	s12 =	simm.s32 $0x280;
	v8 =	vor.u32 s17, v0;
	[sflag:s8] =	ssyncadd.s32 $0xFFFF9C00  }
0x301: {  	s16 =	simm.s32 $0x300;
	v9 =	vor.u32 s12, v0;
	v4 =	vld.idx.msk [tilespmem:v4+s31+$0x0], $0xffff  }
0x302: {  	s15 =	simm.s32 $0x380;
	v10 =	vor.u32 s16, v0;
	v5 =	vld.idx.msk [tilespmem:v5+s31+$0x0], $0xffff  }
0x303: {  	v11 =	vor.u32 s15, v0;
	v6 =	vld.idx.msk [tilespmem:v6+s31+$0x0], $0xffff  }
0x304: {  	v12 =	vor.u32 s11, v1;
	v7 =	vld.idx.msk [tilespmem:v7+s31+$0x0], $0xffff  }
0x305: {  	s21 =	simm.s32 $0xCA00;
	v13 =	vor.u32 s13, v1;
	v8 =	vld.idx.msk [tilespmem:v8+s31+$0x0], $0xffff  }
0x306: {  	v14 =	vor.u32 s14, v1;
	v9 =	vld.idx.msk [tilespmem:v9+s31+$0x0], $0xffff;
	[tilespmem:s21+$0xFFFFFE00] =	vst v4  }
0x307: {  	v15 =	vor.u32 s22, v1;
	v4 =	vld.idx.msk [tilespmem:v10+s31+$0x0], $0xffff;
	[tilespmem:s21+$0xFFFFFE80] =	vst v5  }
0x308: {  	v10 =	vor.u32 s17, v1;
	v5 =	vld.idx.msk [tilespmem:v11+s31+$0x0], $0xffff;
	[tilespmem:s21+$0xFFFFFF00] =	vst v6  }
0x309: {  	v11 =	vor.u32 s12, v1;
	[tilespmem:s21+$0xFFFFFF80] =	vst v7;
	v12 =	vld.idx.msk [tilespmem:v12+s31+$0x0], $0xffff  }
0x30a: {  	v6 =	vor.u32 s16, v1;
	[tilespmem:s21+$0x0] =	vst v8;
	v13 =	vld.idx.msk [tilespmem:v13+s31+$0x0], $0xffff  }
0x30b: {  	v7 =	vor.u32 s15, v1;
	[tilespmem:s21+$0x80] =	vst v9;
	v14 =	vld.idx.msk [tilespmem:v14+s31+$0x0], $0xffff  }
0x30c: {  	v8 =	vor.u32 s13, v2;
	v15 =	vld.idx.msk [tilespmem:v15+s31+$0x0], $0xffff;
	[tilespmem:s21+$0x100] =	vst v4  }
0x30d: {  	v9 =	vor.u32 s14, v2;
	v10 =	vld.idx.msk [tilespmem:v10+s31+$0x0], $0xffff;
	[tilespmem:s21+$0x180] =	vst v5  }
0x30e: {  	v4 =	vor.u32 s22, v2;
	v11 =	vld.idx.msk [tilespmem:v11+s31+$0x0], $0xffff;
	[tilespmem:s21+$0xFFFFFE90] =	vst v12  }
0x30f: {  	v5 =	vld.idx.msk [tilespmem:v6+s31+$0x0], $0xffff;
	v12 =	vor.u32 s12, v2;
	[tilespmem:s21+$0xFFFFFE10] =	vst v13  }
0x310: {  	v13 =	vor.u32 s16, v2;
	v7 =	vld.idx.msk [tilespmem:v7+s31+$0x0], $0xffff;
	[tilespmem:s21+$0xFFFFFF10] =	vst v14  }
0x311: {  	[tilespmem:s21+$0xFFFFFF90] =	vst v15;
	v15 =	vor.u32 s15, v2;
	v8 =	vld.idx.msk [tilespmem:v8+s31+$0x0], $0xffff  }
0x312: {  	v14 =	vor.u32 s11, v2;
	v6 =	vld.idx.msk [tilespmem:v9+s31+$0x0], $0xffff  }
0x313: {  	v18 =	vor.u32 s17, v2;
	v17 =	vld.idx.msk [tilespmem:v4+s31+$0x0], $0xffff;
	[tilespmem:s21+$0x90] =	vst v11  }
0x314: {  	v11 =	vor.u32 s22, v3;
	v4 =	vld.idx.msk [tilespmem:v12+s31+$0x0], $0xffff;
	[tilespmem:s21+$0x110] =	vst v5  }
0x315: {  	v16 =	vor.u32 s13, v3;
	[tilespmem:s21+$0x190] =	vst v7;
	v9 =	vld.idx.msk [tilespmem:v13+s31+$0x0], $0xffff  }
0x316: {  	[tilespmem:s21+$0xFFFFFE20] =	vst v8;
	v8 =	vld.idx.msk [tilespmem:v15+s31+$0x0], $0xffff;
	v15 =	vor.u32 s14, v3  }
0x317: {  	[tilespmem:s21+$0x10] =	vst v10;
	v7 =	vld.idx.msk [tilespmem:v14+s31+$0x0], $0xffff;
	v14 =	vor.u32 s16, v3  }
0x318: {  	v10 =	vld.idx.msk [tilespmem:v18+s31+$0x0], $0xffff;
	v13 =	vor.u32 s11, v3;
	[tilespmem:s21+$0xFFFFFFA0] =	vst v17  }
0x319: {  	s23 =	simm.s32 $0x8;
	s22 =	simm.s32 $0xCA00;
	v5 =	vor.u32 s17, v3;
	v12 =	vor.u32 s15, v3;
	v11 =	vld.idx.msk [tilespmem:v11+s31+$0x0], $0xffff  }
.LBB2_22:
0x31a: {  	s11 =	sshll.u32 s23, $0x7;
	p0 =	slt.u32 s23, $0xC0;
	s23 =	sadd.s32 $0x8, s23;
	v16 =	vld.idx.msk [tilespmem:v16+s31+$0x0], $0xffff;
	[tilespmem:s21+$0xFFFFFF20] =	vst v6  }
0x31b: {  	v6 =	vor.u32 s11, v0;
	s25 =	sadd.s32 $0x80, s11;
	s14 =	sadd.s32 $0x180, s11;
	s24 =	sadd.s32 $0x380, s11;
	v15 =	vld.idx.msk [tilespmem:v15+s31+$0x0], $0xffff;
	[tilespmem:s21+$0x120] =	vst v9  }
0x31c: {  	s13 =	sadd.s32 $0x100, s11;
	s15 =	sadd.s32 $0x200, s11;
	s17 =	sadd.s32 $0x280, s11;
	v9 =	vor.u32 s25, v0;
	v17 =	vor.u32 s14, v1;
	[tilespmem:s21+$0xFFFFFEA0] =	vst v7;
	v7 =	vld.idx.msk [tilespmem:v14+s31+$0x0], $0xffff  }
0x31d: {  	v14 =	vor.u32 s13, v0;
	v18 =	vor.u32 s17, v1;
	v13 =	vld.idx.msk [tilespmem:v13+s31+$0x0], $0xffff;
	[tilespmem:s21+$0x1A0] =	vst v8  }
0x31e: {  	v19 =	vor.u32 s15, v3;
	v8 =	vor.u32 s14, v0;
	[tilespmem:s21+$0x20] =	vst v10;
	v10 =	vld.idx.msk [tilespmem:v12+s31+$0x0], $0xffff  }
0x31f: {  	v12 =	vor.u32 s15, v0;
	[tilespmem:s21+$0xFFFFFFB0] =	vst v11;
	v11 =	vld.idx.msk [tilespmem:v5+s31+$0x0], $0xffff;
	v5 =	vmov v19  }
0x320: {  	s16 =	sadd.s32 $0x300, s11;
	v19 =	vor.u32 s17, v0;
	v6 =	vld.idx.msk [tilespmem:v6+s31+$0x0], $0xffff;
	[tilespmem:s21+$0xFFFFFE30] =	vst v16  }
0x321: {  	v16 =	vor.u32 s16, v0;
	v9 =	vld.idx.msk [tilespmem:v9+s31+$0x0], $0xffff;
	[tilespmem:s21+$0xFFFFFF30] =	vst v15  }
0x322: {  	v15 =	vor.u32 s24, v0;
	v14 =	vld.idx.msk [tilespmem:v14+s31+$0x0], $0xffff;
	[tilespmem:s21+$0x130] =	vst v7  }
0x323: {  	v20 =	vor.u32 s25, v1;
	v7 =	vor.u32 s11, v1;
	v8 =	vld.idx.msk [tilespmem:v8+s31+$0x0], $0xffff;
	[tilespmem:s21+$0xFFFFFEB0] =	vst v13  }
0x324: {  	v13 =	vor.u32 s13, v1;
	v12 =	vld.idx.msk [tilespmem:v12+s31+$0x0], $0xffff;
	[tilespmem:s21+$0x1B0] =	vst v10  }
0x325: {  	s21 =	sadd.s32 $0x400, s21;
	v10 =	vld.idx.msk [tilespmem:v19+s31+$0x0], $0xffff;
	[tilespmem:s22+$0x30] =	vst v11  }
0x326: {  	[tilespmem:s21+$0xFFFFFE00] =	vst v6;
	v6 =	vor.u32 s15, v1;
	v11 =	vld.idx.msk [tilespmem:v16+s31+$0x0], $0xffff  }
0x327: {  	[tilespmem:s21+$0xFFFFFE80] =	vst v9;
	v9 =	vld.idx.msk [tilespmem:v15+s31+$0x0], $0xffff  }
0x328: {  	v15 =	vld.idx.msk [tilespmem:v20+s31+$0x0], $0xffff;
	[tilespmem:s21+$0xFFFFFF00] =	vst v14;
	v14 =	vor.u32 s16, v1  }
0x329: {  	v7 =	vld.idx.msk [tilespmem:v7+s31+$0x0], $0xffff;
	[tilespmem:s21+$0xFFFFFF80] =	vst v8;
	v8 =	vor.u32 s24, v1  }
0x32a: {  	v13 =	vld.idx.msk [tilespmem:v13+s31+$0x0], $0xffff;
	[tilespmem:s21+$0x0] =	vst v12  }
0x32b: {  	v12 =	vor.u32 s11, v2;
	v16 =	vld.idx.msk [tilespmem:v17+s31+$0x0], $0xffff;
	[tilespmem:s21+$0x80] =	vst v10  }
0x32c: {  	v10 =	vor.u32 s13, v2;
	v17 =	vld.idx.msk [tilespmem:v6+s31+$0x0], $0xffff;
	[tilespmem:s21+$0x100] =	vst v11  }
0x32d: {  	v11 =	vor.u32 s14, v2;
	v18 =	vld.idx.msk [tilespmem:v18+s31+$0x0], $0xffff;
	[tilespmem:s21+$0x180] =	vst v9  }
0x32e: {  	[tilespmem:s21+$0xFFFFFE90] =	vst v15;
	v9 =	vld.idx.msk [tilespmem:v14+s31+$0x0], $0xffff;
	v14 =	vor.u32 s12, v3;
	s12 =	smov.u32 s17  }
0x32f: {  	v15 =	vor.u32 s16, v2;
	[tilespmem:s21+$0xFFFFFE10] =	vst v7;
	v7 =	vor.u32 s12, v2;
	v8 =	vld.idx.msk [tilespmem:v8+s31+$0x0], $0xffff  }
0x330: {  	v12 =	vld.idx.msk [tilespmem:v12+s31+$0x0], $0xffff;
	[tilespmem:s21+$0xFFFFFF10] =	vst v13  }
0x331: {  	v13 =	vor.u32 s25, v2;
	v6 =	vld.idx.msk [tilespmem:v10+s31+$0x0], $0xffff;
	[tilespmem:s21+$0xFFFFFF90] =	vst v16  }
0x332: {  	v10 =	vld.idx.msk [tilespmem:v11+s31+$0x0], $0xffff;
	v11 =	vor.u32 s24, v2;
	[tilespmem:s22+$0xA0] =	vst v4  }
0x333: {  	v19 =	vor.u32 s15, v2;
	[tilespmem:s21+$0x90] =	vst v18;
	v18 =	vld.idx.msk [tilespmem:v14+s31+$0x0], $0xffff  }
0x334: {  	v20 =	vor.u32 s14, v3;
	v4 =	vld.idx.msk [tilespmem:v7+s31+$0x0], $0xffff;
	[tilespmem:s21+$0x110] =	vst v9  }
.Ltmp10:
0x335: {  	v16 =	vor.u32 s11, v3;
	v9 =	vld.idx.msk [tilespmem:v15+s31+$0x0], $0xffff;
	[tilespmem:s21+$0x190] =	vst v8;
	(pc) =	sbr.rel @p0 .LBB2_22-.Ltmp10, $4  }
0x336: {  	v15 =	vor.u32 s13, v3;
	v7 =	vld.idx.msk [tilespmem:v13+s31+$0x0], $0xffff;
	[tilespmem:s21+$0x10] =	vst v17  }
0x337: {  	v14 =	vor.u32 s16, v3;
	[tilespmem:s21+$0xFFFFFE20] =	vst v12;
	v8 =	vld.idx.msk [tilespmem:v11+s31+$0x0], $0xffff  }
0x338: {  	v13 =	vor.u32 s25, v3;
	[tilespmem:s21+$0xFFFFFFA0] =	vst v10;
	v10 =	vld.idx.msk [tilespmem:v19+s31+$0x0], $0xffff  }
0x339: {  	v12 =	vor.u32 s24, v3;
	v11 =	vld.idx.msk [tilespmem:v20+s31+$0x0], $0xffff;
	[tilespmem:s22+$0xB0] =	vst v18;
	s22 =	smov.u32 s21  }
0x33a: {  	_ =	sdelay $0x1  }
0x33b: {  	[tilespmem:s21+$0xFFFFFF20] =	vst v6  }
0x33c: {  	[tilespmem:s21+$0x120] =	vst v9  }
0x33d: {  	v6 =	vld.idx.msk [tilespmem:v16+s31+$0x0], $0xffff;
	[tilespmem:s21+$0xFFFFFEA0] =	vst v7  }
0x33e: {  	v7 =	vld.idx.msk [tilespmem:v15+s31+$0x0], $0xffff;
	[tilespmem:s21+$0x1A0] =	vst v8;
	v8 =	vor.u32 s12, v3  }
0x33f: {  	[tilespmem:s22+$0xA0] =	vst v4;
	v9 =	vld.idx.msk [tilespmem:v14+s31+$0x0], $0xffff  }
0x340: {  	[tilespmem:s21+$0x20] =	vst v10;
	v10 =	vld.idx.msk [tilespmem:v13+s31+$0x0], $0xffff  }
0x341: {  	[tilespmem:s21+$0xFFFFFFB0] =	vst v11;
	v11 =	vld.idx.msk [tilespmem:v12+s31+$0x0], $0xffff  }
0x342: {  	v5 =	vld.idx.msk [tilespmem:v5+s31+$0x0], $0xffff;
	[tilespmem:s21+$0xFFFFFE30] =	vst v6  }
0x343: {  	[tilespmem:s21+$0xFFFFFF30] =	vst v7;
	v4 =	vld.idx.msk [tilespmem:v8+s31+$0x0], $0xffff  }
0x344: {  	[tilespmem:s21+$0x130] =	vst v9  }
0x345: {  	[tilespmem:s21+$0xFFFFFEB0] =	vst v10  }
0x346: {  	[tilespmem:s21+$0x1B0] =	vst v11  }
0x347: {  	[tilespmem:s22+$0x30] =	vst v5  }
0x348: {  	[tilespmem:s22+$0xB0] =	vst v4  }
0x349: {  	s11 =	simm.s32 $0x0;
	s26 =	rddreg [dreg:$0x10]  }
0x34a: {  	[hbm4b:s26+s11] =	stream.linear.scatter [tilespmem:s1], [sflag:$0x3], $0x6400, $0x38;
	[tilespmem:$0x1F400] =	vst v63  }
0x34b: {  	s28 =	rddreg [dreg:$0x12]  }
0x34c: {  	[tilespmem:s31], [sflag:$0x2] =	stream.linear.gather [hbm4b:s28+s11], $0x6400, $0x38;
	[tilespmem:$0x1F400] =	vst v63  }
0x34d: {  	s13 =	simm.s32 $0x0;
	_ =	swait.ge [sflag:s0], $0x6400  }
0x34e: {  	s29 =	simm.s32 $0x80;
	v4 =	vor.u32 s13, v0;
	[sflag:s0] =	ssyncset.done $0x0  }
0x34f: {  	s14 =	simm.s32 $0x100;
	v5 =	vor.u32 s29, v0;
	[sflag:s0] =	ssyncadd.s32 $0xFFFF9C00  }
0x350: {  	s30 =	simm.s32 $0x180;
	v6 =	vor.u32 s14, v0;
	_ =	swait.ge [sflag:s9], $0x6400  }
0x351: {  	s17 =	simm.s32 $0x200;
	v7 =	vor.u32 s30, v0;
	[sflag:s9] =	ssyncset.done $0x0  }
0x352: {  	s12 =	simm.s32 $0x280;
	v8 =	vor.u32 s17, v0;
	[sflag:s9] =	ssyncadd.s32 $0xFFFF9C00  }
0x353: {  	s16 =	simm.s32 $0x300;
	v9 =	vor.u32 s12, v0;
	v4 =	vld.idx.msk [tilespmem:v4+s3+$0x0], $0xffff  }
0x354: {  	s15 =	simm.s32 $0x380;
	v10 =	vor.u32 s16, v0;
	v5 =	vld.idx.msk [tilespmem:v5+s3+$0x0], $0xffff  }
0x355: {  	v11 =	vor.u32 s15, v0;
	v6 =	vld.idx.msk [tilespmem:v6+s3+$0x0], $0xffff  }
0x356: {  	v12 =	vor.u32 s29, v1;
	v7 =	vld.idx.msk [tilespmem:v7+s3+$0x0], $0xffff  }
0x357: {  	v13 =	vor.u32 s13, v1;
	s21 =	simm.s32 $0x12E00;
	v8 =	vld.idx.msk [tilespmem:v8+s3+$0x0], $0xffff  }
0x358: {  	v14 =	vor.u32 s14, v1;
	v9 =	vld.idx.msk [tilespmem:v9+s3+$0x0], $0xffff;
	[tilespmem:s21+$0xFFFFFE00] =	vst v4  }
0x359: {  	v15 =	vor.u32 s30, v1;
	v4 =	vld.idx.msk [tilespmem:v10+s3+$0x0], $0xffff;
	[tilespmem:s21+$0xFFFFFE80] =	vst v5  }
0x35a: {  	v10 =	vor.u32 s17, v1;
	v5 =	vld.idx.msk [tilespmem:v11+s3+$0x0], $0xffff;
	[tilespmem:s21+$0xFFFFFF00] =	vst v6  }
0x35b: {  	v11 =	vor.u32 s12, v1;
	[tilespmem:s21+$0xFFFFFF80] =	vst v7;
	v12 =	vld.idx.msk [tilespmem:v12+s3+$0x0], $0xffff  }
0x35c: {  	v6 =	vor.u32 s16, v1;
	[tilespmem:s21+$0x0] =	vst v8;
	v13 =	vld.idx.msk [tilespmem:v13+s3+$0x0], $0xffff  }
0x35d: {  	v7 =	vor.u32 s15, v1;
	[tilespmem:s21+$0x80] =	vst v9;
	v14 =	vld.idx.msk [tilespmem:v14+s3+$0x0], $0xffff  }
0x35e: {  	v8 =	vor.u32 s13, v2;
	v15 =	vld.idx.msk [tilespmem:v15+s3+$0x0], $0xffff;
	[tilespmem:s21+$0x100] =	vst v4  }
0x35f: {  	v9 =	vor.u32 s14, v2;
	v10 =	vld.idx.msk [tilespmem:v10+s3+$0x0], $0xffff;
	[tilespmem:s21+$0x180] =	vst v5  }
0x360: {  	v4 =	vor.u32 s30, v2;
	v11 =	vld.idx.msk [tilespmem:v11+s3+$0x0], $0xffff;
	[tilespmem:s21+$0xFFFFFE90] =	vst v12  }
0x361: {  	v5 =	vld.idx.msk [tilespmem:v6+s3+$0x0], $0xffff;
	v12 =	vor.u32 s12, v2;
	[tilespmem:s21+$0xFFFFFE10] =	vst v13  }
0x362: {  	v13 =	vor.u32 s16, v2;
	v7 =	vld.idx.msk [tilespmem:v7+s3+$0x0], $0xffff;
	[tilespmem:s21+$0xFFFFFF10] =	vst v14  }
0x363: {  	[tilespmem:s21+$0xFFFFFF90] =	vst v15;
	v15 =	vor.u32 s15, v2;
	v8 =	vld.idx.msk [tilespmem:v8+s3+$0x0], $0xffff  }
0x364: {  	v14 =	vor.u32 s29, v2;
	v6 =	vld.idx.msk [tilespmem:v9+s3+$0x0], $0xffff  }
0x365: {  	v18 =	vor.u32 s17, v2;
	v17 =	vld.idx.msk [tilespmem:v4+s3+$0x0], $0xffff;
	[tilespmem:s21+$0x90] =	vst v11  }
0x366: {  	v11 =	vor.u32 s30, v3;
	v4 =	vld.idx.msk [tilespmem:v12+s3+$0x0], $0xffff;
	[tilespmem:s21+$0x110] =	vst v5  }
0x367: {  	v16 =	vor.u32 s13, v3;
	[tilespmem:s21+$0x190] =	vst v7;
	v9 =	vld.idx.msk [tilespmem:v13+s3+$0x0], $0xffff  }
0x368: {  	[tilespmem:s21+$0xFFFFFE20] =	vst v8;
	v8 =	vld.idx.msk [tilespmem:v15+s3+$0x0], $0xffff;
	v15 =	vor.u32 s14, v3  }
0x369: {  	[tilespmem:s21+$0x10] =	vst v10;
	v7 =	vld.idx.msk [tilespmem:v14+s3+$0x0], $0xffff;
	v14 =	vor.u32 s16, v3  }
0x36a: {  	v10 =	vld.idx.msk [tilespmem:v18+s3+$0x0], $0xffff;
	v13 =	vor.u32 s29, v3;
	[tilespmem:s21+$0xFFFFFFA0] =	vst v17  }
0x36b: {  	s23 =	simm.s32 $0x8;
	s22 =	simm.s32 $0x12E00;
	v5 =	vor.u32 s17, v3;
	v12 =	vor.u32 s15, v3;
	v11 =	vld.idx.msk [tilespmem:v11+s3+$0x0], $0xffff  }
.LBB2_24:
0x36c: {  	s11 =	sshll.u32 s23, $0x7;
	p0 =	slt.u32 s23, $0xC0;
	s23 =	sadd.s32 $0x8, s23;
	v16 =	vld.idx.msk [tilespmem:v16+s3+$0x0], $0xffff;
	[tilespmem:s21+$0xFFFFFF20] =	vst v6  }
0x36d: {  	v6 =	vor.u32 s11, v0;
	s25 =	sadd.s32 $0x80, s11;
	s14 =	sadd.s32 $0x180, s11;
	s24 =	sadd.s32 $0x380, s11;
	v15 =	vld.idx.msk [tilespmem:v15+s3+$0x0], $0xffff;
	[tilespmem:s21+$0x120] =	vst v9  }
0x36e: {  	s13 =	sadd.s32 $0x100, s11;
	s15 =	sadd.s32 $0x200, s11;
	s17 =	sadd.s32 $0x280, s11;
	v9 =	vor.u32 s25, v0;
	v17 =	vor.u32 s14, v1;
	[tilespmem:s21+$0xFFFFFEA0] =	vst v7;
	v7 =	vld.idx.msk [tilespmem:v14+s3+$0x0], $0xffff  }
0x36f: {  	v14 =	vor.u32 s13, v0;
	v18 =	vor.u32 s17, v1;
	v13 =	vld.idx.msk [tilespmem:v13+s3+$0x0], $0xffff;
	[tilespmem:s21+$0x1A0] =	vst v8  }
0x370: {  	v19 =	vor.u32 s15, v3;
	v8 =	vor.u32 s14, v0;
	[tilespmem:s21+$0x20] =	vst v10;
	v10 =	vld.idx.msk [tilespmem:v12+s3+$0x0], $0xffff  }
0x371: {  	v12 =	vor.u32 s15, v0;
	[tilespmem:s21+$0xFFFFFFB0] =	vst v11;
	v11 =	vld.idx.msk [tilespmem:v5+s3+$0x0], $0xffff;
	v5 =	vmov v19  }
0x372: {  	s16 =	sadd.s32 $0x300, s11;
	v19 =	vor.u32 s17, v0;
	v6 =	vld.idx.msk [tilespmem:v6+s3+$0x0], $0xffff;
	[tilespmem:s21+$0xFFFFFE30] =	vst v16  }
0x373: {  	v16 =	vor.u32 s16, v0;
	v9 =	vld.idx.msk [tilespmem:v9+s3+$0x0], $0xffff;
	[tilespmem:s21+$0xFFFFFF30] =	vst v15  }
0x374: {  	v15 =	vor.u32 s24, v0;
	v14 =	vld.idx.msk [tilespmem:v14+s3+$0x0], $0xffff;
	[tilespmem:s21+$0x130] =	vst v7  }
0x375: {  	v20 =	vor.u32 s25, v1;
	v7 =	vor.u32 s11, v1;
	v8 =	vld.idx.msk [tilespmem:v8+s3+$0x0], $0xffff;
	[tilespmem:s21+$0xFFFFFEB0] =	vst v13  }
0x376: {  	v13 =	vor.u32 s13, v1;
	v12 =	vld.idx.msk [tilespmem:v12+s3+$0x0], $0xffff;
	[tilespmem:s21+$0x1B0] =	vst v10  }
0x377: {  	s21 =	sadd.s32 $0x400, s21;
	v10 =	vld.idx.msk [tilespmem:v19+s3+$0x0], $0xffff;
	[tilespmem:s22+$0x30] =	vst v11  }
0x378: {  	[tilespmem:s21+$0xFFFFFE00] =	vst v6;
	v6 =	vor.u32 s15, v1;
	v11 =	vld.idx.msk [tilespmem:v16+s3+$0x0], $0xffff  }
0x379: {  	[tilespmem:s21+$0xFFFFFE80] =	vst v9;
	v9 =	vld.idx.msk [tilespmem:v15+s3+$0x0], $0xffff  }
0x37a: {  	v15 =	vld.idx.msk [tilespmem:v20+s3+$0x0], $0xffff;
	[tilespmem:s21+$0xFFFFFF00] =	vst v14;
	v14 =	vor.u32 s16, v1  }
0x37b: {  	v7 =	vld.idx.msk [tilespmem:v7+s3+$0x0], $0xffff;
	[tilespmem:s21+$0xFFFFFF80] =	vst v8;
	v8 =	vor.u32 s24, v1  }
0x37c: {  	v13 =	vld.idx.msk [tilespmem:v13+s3+$0x0], $0xffff;
	[tilespmem:s21+$0x0] =	vst v12  }
0x37d: {  	v12 =	vor.u32 s11, v2;
	v16 =	vld.idx.msk [tilespmem:v17+s3+$0x0], $0xffff;
	[tilespmem:s21+$0x80] =	vst v10  }
0x37e: {  	v10 =	vor.u32 s13, v2;
	v17 =	vld.idx.msk [tilespmem:v6+s3+$0x0], $0xffff;
	[tilespmem:s21+$0x100] =	vst v11  }
0x37f: {  	v11 =	vor.u32 s14, v2;
	v18 =	vld.idx.msk [tilespmem:v18+s3+$0x0], $0xffff;
	[tilespmem:s21+$0x180] =	vst v9  }
0x380: {  	[tilespmem:s21+$0xFFFFFE90] =	vst v15;
	v9 =	vld.idx.msk [tilespmem:v14+s3+$0x0], $0xffff;
	v14 =	vor.u32 s12, v3;
	s12 =	smov.u32 s17  }
0x381: {  	v15 =	vor.u32 s16, v2;
	[tilespmem:s21+$0xFFFFFE10] =	vst v7;
	v7 =	vor.u32 s12, v2;
	v8 =	vld.idx.msk [tilespmem:v8+s3+$0x0], $0xffff  }
0x382: {  	v12 =	vld.idx.msk [tilespmem:v12+s3+$0x0], $0xffff;
	[tilespmem:s21+$0xFFFFFF10] =	vst v13  }
0x383: {  	v13 =	vor.u32 s25, v2;
	v6 =	vld.idx.msk [tilespmem:v10+s3+$0x0], $0xffff;
	[tilespmem:s21+$0xFFFFFF90] =	vst v16  }
0x384: {  	v10 =	vld.idx.msk [tilespmem:v11+s3+$0x0], $0xffff;
	v11 =	vor.u32 s24, v2;
	[tilespmem:s22+$0xA0] =	vst v4  }
0x385: {  	v19 =	vor.u32 s15, v2;
	[tilespmem:s21+$0x90] =	vst v18;
	v18 =	vld.idx.msk [tilespmem:v14+s3+$0x0], $0xffff  }
0x386: {  	v20 =	vor.u32 s14, v3;
	v4 =	vld.idx.msk [tilespmem:v7+s3+$0x0], $0xffff;
	[tilespmem:s21+$0x110] =	vst v9  }
.Ltmp11:
0x387: {  	v16 =	vor.u32 s11, v3;
	v9 =	vld.idx.msk [tilespmem:v15+s3+$0x0], $0xffff;
	[tilespmem:s21+$0x190] =	vst v8;
	(pc) =	sbr.rel @p0 .LBB2_24-.Ltmp11, $4  }
0x388: {  	v15 =	vor.u32 s13, v3;
	v7 =	vld.idx.msk [tilespmem:v13+s3+$0x0], $0xffff;
	[tilespmem:s21+$0x10] =	vst v17  }
0x389: {  	v14 =	vor.u32 s16, v3;
	[tilespmem:s21+$0xFFFFFE20] =	vst v12;
	v8 =	vld.idx.msk [tilespmem:v11+s3+$0x0], $0xffff  }
0x38a: {  	v13 =	vor.u32 s25, v3;
	[tilespmem:s21+$0xFFFFFFA0] =	vst v10;
	v10 =	vld.idx.msk [tilespmem:v19+s3+$0x0], $0xffff  }
0x38b: {  	v12 =	vor.u32 s24, v3;
	v11 =	vld.idx.msk [tilespmem:v20+s3+$0x0], $0xffff;
	[tilespmem:s22+$0xB0] =	vst v18;
	s22 =	smov.u32 s21  }
0x38c: {  	_ =	sdelay $0x1  }
0x38d: {  	[tilespmem:s21+$0xFFFFFF20] =	vst v6  }
0x38e: {  	[tilespmem:s21+$0x120] =	vst v9  }
0x38f: {  	v6 =	vld.idx.msk [tilespmem:v16+s3+$0x0], $0xffff;
	[tilespmem:s21+$0xFFFFFEA0] =	vst v7  }
0x390: {  	v7 =	vld.idx.msk [tilespmem:v15+s3+$0x0], $0xffff;
	[tilespmem:s21+$0x1A0] =	vst v8;
	v8 =	vor.u32 s12, v3  }
0x391: {  	[tilespmem:s22+$0xA0] =	vst v4;
	v9 =	vld.idx.msk [tilespmem:v14+s3+$0x0], $0xffff  }
0x392: {  	[tilespmem:s21+$0x20] =	vst v10;
	v10 =	vld.idx.msk [tilespmem:v13+s3+$0x0], $0xffff  }
0x393: {  	[tilespmem:s21+$0xFFFFFFB0] =	vst v11;
	v11 =	vld.idx.msk [tilespmem:v12+s3+$0x0], $0xffff  }
0x394: {  	v5 =	vld.idx.msk [tilespmem:v5+s3+$0x0], $0xffff;
	[tilespmem:s21+$0xFFFFFE30] =	vst v6  }
0x395: {  	[tilespmem:s21+$0xFFFFFF30] =	vst v7;
	v4 =	vld.idx.msk [tilespmem:v8+s3+$0x0], $0xffff  }
0x396: {  	[tilespmem:s21+$0x130] =	vst v9  }
0x397: {  	[tilespmem:s21+$0xFFFFFEB0] =	vst v10  }
0x398: {  	[tilespmem:s21+$0x1B0] =	vst v11  }
0x399: {  	[tilespmem:s22+$0x30] =	vst v5  }
0x39a: {  	[tilespmem:s22+$0xB0] =	vst v4  }
0x39b: {  	s11 =	simm.s32 $0x0;
	s26 =	rddreg [dreg:$0x11]  }
0x39c: {  	[hbm4b:s26+s11] =	stream.linear.scatter [tilespmem:s6], [sflag:$0x4], $0x6400, $0x38;
	[tilespmem:$0x1F400] =	vst v63  }
0x39d: {  	s28 =	rddreg [dreg:$0x14]  }
0x39e: {  	[tilespmem:s11], [sflag:$0x1] =	stream.linear.gather [hbm4b:s28+s11], $0x6400, $0x38;
	[tilespmem:$0x1F400] =	vst v63  }
0x39f: {  	s13 =	simm.s32 $0x0;
	_ =	swait.ge [sflag:s5], $0x6400  }
0x3a0: {  	s29 =	simm.s32 $0x80;
	v4 =	vor.u32 s13, v0;
	[sflag:s5] =	ssyncset.done $0x0  }
0x3a1: {  	s14 =	simm.s32 $0x100;
	v5 =	vor.u32 s29, v0;
	[sflag:s5] =	ssyncadd.s32 $0xFFFF9C00  }
0x3a2: {  	s30 =	simm.s32 $0x180;
	v6 =	vor.u32 s14, v0;
	_ =	swait.ge [sflag:s10], $0x6400  }
0x3a3: {  	s17 =	simm.s32 $0x200;
	v7 =	vor.u32 s30, v0;
	[sflag:s10] =	ssyncset.done $0x0  }
0x3a4: {  	s12 =	simm.s32 $0x280;
	v8 =	vor.u32 s17, v0;
	[sflag:s10] =	ssyncadd.s32 $0xFFFF9C00  }
0x3a5: {  	s16 =	simm.s32 $0x300;
	v9 =	vor.u32 s12, v0;
	v4 =	vld.idx.msk [tilespmem:v4+s31+$0x0], $0xffff  }
0x3a6: {  	s15 =	simm.s32 $0x380;
	v10 =	vor.u32 s16, v0;
	v5 =	vld.idx.msk [tilespmem:v5+s31+$0x0], $0xffff  }
0x3a7: {  	v11 =	vor.u32 s15, v0;
	v6 =	vld.idx.msk [tilespmem:v6+s31+$0x0], $0xffff  }
0x3a8: {  	v12 =	vor.u32 s29, v1;
	v7 =	vld.idx.msk [tilespmem:v7+s31+$0x0], $0xffff  }
0x3a9: {  	v13 =	vor.u32 s13, v1;
	s21 =	simm.s32 $0x19200;
	v8 =	vld.idx.msk [tilespmem:v8+s31+$0x0], $0xffff  }
0x3aa: {  	v14 =	vor.u32 s14, v1;
	v9 =	vld.idx.msk [tilespmem:v9+s31+$0x0], $0xffff;
	[tilespmem:s21+$0xFFFFFE00] =	vst v4  }
0x3ab: {  	v15 =	vor.u32 s30, v1;
	v4 =	vld.idx.msk [tilespmem:v10+s31+$0x0], $0xffff;
	[tilespmem:s21+$0xFFFFFE80] =	vst v5  }
0x3ac: {  	v10 =	vor.u32 s17, v1;
	v5 =	vld.idx.msk [tilespmem:v11+s31+$0x0], $0xffff;
	[tilespmem:s21+$0xFFFFFF00] =	vst v6  }
0x3ad: {  	v11 =	vor.u32 s12, v1;
	[tilespmem:s21+$0xFFFFFF80] =	vst v7;
	v12 =	vld.idx.msk [tilespmem:v12+s31+$0x0], $0xffff  }
0x3ae: {  	v6 =	vor.u32 s16, v1;
	[tilespmem:s21+$0x0] =	vst v8;
	v13 =	vld.idx.msk [tilespmem:v13+s31+$0x0], $0xffff  }
0x3af: {  	v7 =	vor.u32 s15, v1;
	[tilespmem:s21+$0x80] =	vst v9;
	v14 =	vld.idx.msk [tilespmem:v14+s31+$0x0], $0xffff  }
0x3b0: {  	v8 =	vor.u32 s13, v2;
	v15 =	vld.idx.msk [tilespmem:v15+s31+$0x0], $0xffff;
	[tilespmem:s21+$0x100] =	vst v4  }
0x3b1: {  	v9 =	vor.u32 s14, v2;
	v10 =	vld.idx.msk [tilespmem:v10+s31+$0x0], $0xffff;
	[tilespmem:s21+$0x180] =	vst v5  }
0x3b2: {  	v4 =	vor.u32 s30, v2;
	v11 =	vld.idx.msk [tilespmem:v11+s31+$0x0], $0xffff;
	[tilespmem:s21+$0xFFFFFE90] =	vst v12  }
0x3b3: {  	v5 =	vld.idx.msk [tilespmem:v6+s31+$0x0], $0xffff;
	v12 =	vor.u32 s12, v2;
	[tilespmem:s21+$0xFFFFFE10] =	vst v13  }
0x3b4: {  	v13 =	vor.u32 s16, v2;
	v7 =	vld.idx.msk [tilespmem:v7+s31+$0x0], $0xffff;
	[tilespmem:s21+$0xFFFFFF10] =	vst v14  }
0x3b5: {  	[tilespmem:s21+$0xFFFFFF90] =	vst v15;
	v15 =	vor.u32 s15, v2;
	v8 =	vld.idx.msk [tilespmem:v8+s31+$0x0], $0xffff  }
0x3b6: {  	v14 =	vor.u32 s29, v2;
	v6 =	vld.idx.msk [tilespmem:v9+s31+$0x0], $0xffff  }
0x3b7: {  	v18 =	vor.u32 s17, v2;
	v17 =	vld.idx.msk [tilespmem:v4+s31+$0x0], $0xffff;
	[tilespmem:s21+$0x90] =	vst v11  }
0x3b8: {  	v11 =	vor.u32 s30, v3;
	v4 =	vld.idx.msk [tilespmem:v12+s31+$0x0], $0xffff;
	[tilespmem:s21+$0x110] =	vst v5  }
0x3b9: {  	v16 =	vor.u32 s13, v3;
	[tilespmem:s21+$0x190] =	vst v7;
	v9 =	vld.idx.msk [tilespmem:v13+s31+$0x0], $0xffff  }
0x3ba: {  	[tilespmem:s21+$0xFFFFFE20] =	vst v8;
	v8 =	vld.idx.msk [tilespmem:v15+s31+$0x0], $0xffff;
	v15 =	vor.u32 s14, v3  }
0x3bb: {  	[tilespmem:s21+$0x10] =	vst v10;
	v7 =	vld.idx.msk [tilespmem:v14+s31+$0x0], $0xffff;
	v14 =	vor.u32 s16, v3  }
0x3bc: {  	v10 =	vld.idx.msk [tilespmem:v18+s31+$0x0], $0xffff;
	v13 =	vor.u32 s29, v3;
	[tilespmem:s21+$0xFFFFFFA0] =	vst v17  }
0x3bd: {  	s23 =	simm.s32 $0x8;
	s22 =	simm.s32 $0x19200;
	v5 =	vor.u32 s17, v3;
	v12 =	vor.u32 s15, v3;
	v11 =	vld.idx.msk [tilespmem:v11+s31+$0x0], $0xffff  }
.LBB2_26:
0x3be: {  	s11 =	sshll.u32 s23, $0x7;
	p0 =	slt.u32 s23, $0xC0;
	s23 =	sadd.s32 $0x8, s23;
	v16 =	vld.idx.msk [tilespmem:v16+s31+$0x0], $0xffff;
	[tilespmem:s21+$0xFFFFFF20] =	vst v6  }
0x3bf: {  	v6 =	vor.u32 s11, v0;
	s25 =	sadd.s32 $0x80, s11;
	s14 =	sadd.s32 $0x180, s11;
	s24 =	sadd.s32 $0x380, s11;
	v15 =	vld.idx.msk [tilespmem:v15+s31+$0x0], $0xffff;
	[tilespmem:s21+$0x120] =	vst v9  }
0x3c0: {  	s13 =	sadd.s32 $0x100, s11;
	s15 =	sadd.s32 $0x200, s11;
	s17 =	sadd.s32 $0x280, s11;
	v9 =	vor.u32 s25, v0;
	v17 =	vor.u32 s14, v1;
	[tilespmem:s21+$0xFFFFFEA0] =	vst v7;
	v7 =	vld.idx.msk [tilespmem:v14+s31+$0x0], $0xffff  }
0x3c1: {  	v14 =	vor.u32 s13, v0;
	v18 =	vor.u32 s17, v1;
	v13 =	vld.idx.msk [tilespmem:v13+s31+$0x0], $0xffff;
	[tilespmem:s21+$0x1A0] =	vst v8  }
0x3c2: {  	v19 =	vor.u32 s15, v3;
	v8 =	vor.u32 s14, v0;
	[tilespmem:s21+$0x20] =	vst v10;
	v10 =	vld.idx.msk [tilespmem:v12+s31+$0x0], $0xffff  }
0x3c3: {  	v12 =	vor.u32 s15, v0;
	[tilespmem:s21+$0xFFFFFFB0] =	vst v11;
	v11 =	vld.idx.msk [tilespmem:v5+s31+$0x0], $0xffff;
	v5 =	vmov v19  }
0x3c4: {  	s16 =	sadd.s32 $0x300, s11;
	v19 =	vor.u32 s17, v0;
	v6 =	vld.idx.msk [tilespmem:v6+s31+$0x0], $0xffff;
	[tilespmem:s21+$0xFFFFFE30] =	vst v16  }
0x3c5: {  	v16 =	vor.u32 s16, v0;
	v9 =	vld.idx.msk [tilespmem:v9+s31+$0x0], $0xffff;
	[tilespmem:s21+$0xFFFFFF30] =	vst v15  }
0x3c6: {  	v15 =	vor.u32 s24, v0;
	v14 =	vld.idx.msk [tilespmem:v14+s31+$0x0], $0xffff;
	[tilespmem:s21+$0x130] =	vst v7  }
0x3c7: {  	v20 =	vor.u32 s25, v1;
	v7 =	vor.u32 s11, v1;
	v8 =	vld.idx.msk [tilespmem:v8+s31+$0x0], $0xffff;
	[tilespmem:s21+$0xFFFFFEB0] =	vst v13  }
0x3c8: {  	v13 =	vor.u32 s13, v1;
	v12 =	vld.idx.msk [tilespmem:v12+s31+$0x0], $0xffff;
	[tilespmem:s21+$0x1B0] =	vst v10  }
0x3c9: {  	s21 =	sadd.s32 $0x400, s21;
	v10 =	vld.idx.msk [tilespmem:v19+s31+$0x0], $0xffff;
	[tilespmem:s22+$0x30] =	vst v11  }
0x3ca: {  	[tilespmem:s21+$0xFFFFFE00] =	vst v6;
	v6 =	vor.u32 s15, v1;
	v11 =	vld.idx.msk [tilespmem:v16+s31+$0x0], $0xffff  }
0x3cb: {  	[tilespmem:s21+$0xFFFFFE80] =	vst v9;
	v9 =	vld.idx.msk [tilespmem:v15+s31+$0x0], $0xffff  }
0x3cc: {  	v15 =	vld.idx.msk [tilespmem:v20+s31+$0x0], $0xffff;
	[tilespmem:s21+$0xFFFFFF00] =	vst v14;
	v14 =	vor.u32 s16, v1  }
0x3cd: {  	v7 =	vld.idx.msk [tilespmem:v7+s31+$0x0], $0xffff;
	[tilespmem:s21+$0xFFFFFF80] =	vst v8;
	v8 =	vor.u32 s24, v1  }
0x3ce: {  	v13 =	vld.idx.msk [tilespmem:v13+s31+$0x0], $0xffff;
	[tilespmem:s21+$0x0] =	vst v12  }
0x3cf: {  	v12 =	vor.u32 s11, v2;
	v16 =	vld.idx.msk [tilespmem:v17+s31+$0x0], $0xffff;
	[tilespmem:s21+$0x80] =	vst v10  }
0x3d0: {  	v10 =	vor.u32 s13, v2;
	v17 =	vld.idx.msk [tilespmem:v6+s31+$0x0], $0xffff;
	[tilespmem:s21+$0x100] =	vst v11  }
0x3d1: {  	v11 =	vor.u32 s14, v2;
	v18 =	vld.idx.msk [tilespmem:v18+s31+$0x0], $0xffff;
	[tilespmem:s21+$0x180] =	vst v9  }
0x3d2: {  	[tilespmem:s21+$0xFFFFFE90] =	vst v15;
	v9 =	vld.idx.msk [tilespmem:v14+s31+$0x0], $0xffff;
	v14 =	vor.u32 s12, v3;
	s12 =	smov.u32 s17  }
0x3d3: {  	v15 =	vor.u32 s16, v2;
	[tilespmem:s21+$0xFFFFFE10] =	vst v7;
	v7 =	vor.u32 s12, v2;
	v8 =	vld.idx.msk [tilespmem:v8+s31+$0x0], $0xffff  }
0x3d4: {  	v12 =	vld.idx.msk [tilespmem:v12+s31+$0x0], $0xffff;
	[tilespmem:s21+$0xFFFFFF10] =	vst v13  }
0x3d5: {  	v13 =	vor.u32 s25, v2;
	v6 =	vld.idx.msk [tilespmem:v10+s31+$0x0], $0xffff;
	[tilespmem:s21+$0xFFFFFF90] =	vst v16  }
0x3d6: {  	v10 =	vld.idx.msk [tilespmem:v11+s31+$0x0], $0xffff;
	v11 =	vor.u32 s24, v2;
	[tilespmem:s22+$0xA0] =	vst v4  }
0x3d7: {  	v19 =	vor.u32 s15, v2;
	[tilespmem:s21+$0x90] =	vst v18;
	v18 =	vld.idx.msk [tilespmem:v14+s31+$0x0], $0xffff  }
0x3d8: {  	v20 =	vor.u32 s14, v3;
	v4 =	vld.idx.msk [tilespmem:v7+s31+$0x0], $0xffff;
	[tilespmem:s21+$0x110] =	vst v9  }
.Ltmp12:
0x3d9: {  	v16 =	vor.u32 s11, v3;
	v9 =	vld.idx.msk [tilespmem:v15+s31+$0x0], $0xffff;
	[tilespmem:s21+$0x190] =	vst v8;
	(pc) =	sbr.rel @p0 .LBB2_26-.Ltmp12, $4  }
0x3da: {  	v15 =	vor.u32 s13, v3;
	v7 =	vld.idx.msk [tilespmem:v13+s31+$0x0], $0xffff;
	[tilespmem:s21+$0x10] =	vst v17  }
0x3db: {  	v14 =	vor.u32 s16, v3;
	[tilespmem:s21+$0xFFFFFE20] =	vst v12;
	v8 =	vld.idx.msk [tilespmem:v11+s31+$0x0], $0xffff  }
0x3dc: {  	v13 =	vor.u32 s25, v3;
	[tilespmem:s21+$0xFFFFFFA0] =	vst v10;
	v10 =	vld.idx.msk [tilespmem:v19+s31+$0x0], $0xffff  }
0x3dd: {  	v12 =	vor.u32 s24, v3;
	v11 =	vld.idx.msk [tilespmem:v20+s31+$0x0], $0xffff;
	[tilespmem:s22+$0xB0] =	vst v18;
	s22 =	smov.u32 s21  }
0x3de: {  	_ =	sdelay $0x1  }
0x3df: {  	[tilespmem:s21+$0xFFFFFF20] =	vst v6  }
0x3e0: {  	[tilespmem:s21+$0x120] =	vst v9  }
0x3e1: {  	v6 =	vld.idx.msk [tilespmem:v16+s31+$0x0], $0xffff;
	[tilespmem:s21+$0xFFFFFEA0] =	vst v7  }
0x3e2: {  	v7 =	vld.idx.msk [tilespmem:v15+s31+$0x0], $0xffff;
	[tilespmem:s21+$0x1A0] =	vst v8;
	v8 =	vor.u32 s12, v3  }
0x3e3: {  	[tilespmem:s22+$0xA0] =	vst v4;
	v9 =	vld.idx.msk [tilespmem:v14+s31+$0x0], $0xffff  }
0x3e4: {  	[tilespmem:s21+$0x20] =	vst v10;
	v10 =	vld.idx.msk [tilespmem:v13+s31+$0x0], $0xffff  }
0x3e5: {  	[tilespmem:s21+$0xFFFFFFB0] =	vst v11;
	v11 =	vld.idx.msk [tilespmem:v12+s31+$0x0], $0xffff  }
0x3e6: {  	v5 =	vld.idx.msk [tilespmem:v5+s31+$0x0], $0xffff;
	[tilespmem:s21+$0xFFFFFE30] =	vst v6  }
0x3e7: {  	[tilespmem:s21+$0xFFFFFF30] =	vst v7;
	v4 =	vld.idx.msk [tilespmem:v8+s31+$0x0], $0xffff  }
0x3e8: {  	[tilespmem:s21+$0x130] =	vst v9  }
0x3e9: {  	[tilespmem:s21+$0xFFFFFEB0] =	vst v10  }
0x3ea: {  	[tilespmem:s21+$0x1B0] =	vst v11  }
0x3eb: {  	[tilespmem:s22+$0x30] =	vst v5  }
0x3ec: {  	[tilespmem:s22+$0xB0] =	vst v4  }
0x3ed: {  	s11 =	simm.s32 $0x0;
	s26 =	rddreg [dreg:$0x13]  }
0x3ee: {  	[hbm4b:s26+s11] =	stream.linear.scatter [tilespmem:s7], [sflag:$0x5], $0x6400, $0x38;
	[tilespmem:$0x1F400] =	vst v63  }
0x3ef: {  	s28 =	rddreg [dreg:$0x16]  }
0x3f0: {  	[tilespmem:s31], [sflag:$0x2] =	stream.linear.gather [hbm4b:s28+s11], $0x6400, $0x38;
	[tilespmem:$0x1F400] =	vst v63  }
0x3f1: {  	s13 =	simm.s32 $0x0;
	_ =	swait.ge [sflag:s0], $0x6400  }
0x3f2: {  	s29 =	simm.s32 $0x80;
	v4 =	vor.u32 s13, v0;
	[sflag:s0] =	ssyncset.done $0x0  }
0x3f3: {  	s14 =	simm.s32 $0x100;
	v5 =	vor.u32 s29, v0;
	[sflag:s0] =	ssyncadd.s32 $0xFFFF9C00  }
0x3f4: {  	s30 =	simm.s32 $0x180;
	v6 =	vor.u32 s14, v0;
	_ =	swait.ge [sflag:s8], $0x6400  }
0x3f5: {  	s17 =	simm.s32 $0x200;
	v7 =	vor.u32 s30, v0;
	[sflag:s8] =	ssyncset.done $0x0  }
0x3f6: {  	s12 =	simm.s32 $0x280;
	v8 =	vor.u32 s17, v0;
	[sflag:s8] =	ssyncadd.s32 $0xFFFF9C00  }
0x3f7: {  	s16 =	simm.s32 $0x300;
	v9 =	vor.u32 s12, v0;
	v4 =	vld.idx.msk [tilespmem:v4+s3+$0x0], $0xffff  }
0x3f8: {  	s15 =	simm.s32 $0x380;
	v10 =	vor.u32 s16, v0;
	v5 =	vld.idx.msk [tilespmem:v5+s3+$0x0], $0xffff  }
0x3f9: {  	v11 =	vor.u32 s15, v0;
	v6 =	vld.idx.msk [tilespmem:v6+s3+$0x0], $0xffff  }
0x3fa: {  	v12 =	vor.u32 s29, v1;
	v7 =	vld.idx.msk [tilespmem:v7+s3+$0x0], $0xffff  }
0x3fb: {  	v13 =	vor.u32 s13, v1;
	s21 =	simm.s32 $0xCA00;
	v8 =	vld.idx.msk [tilespmem:v8+s3+$0x0], $0xffff  }
0x3fc: {  	v14 =	vor.u32 s14, v1;
	v9 =	vld.idx.msk [tilespmem:v9+s3+$0x0], $0xffff;
	[tilespmem:s21+$0xFFFFFE00] =	vst v4  }
0x3fd: {  	v15 =	vor.u32 s30, v1;
	v4 =	vld.idx.msk [tilespmem:v10+s3+$0x0], $0xffff;
	[tilespmem:s21+$0xFFFFFE80] =	vst v5  }
0x3fe: {  	v10 =	vor.u32 s17, v1;
	v5 =	vld.idx.msk [tilespmem:v11+s3+$0x0], $0xffff;
	[tilespmem:s21+$0xFFFFFF00] =	vst v6  }
0x3ff: {  	v11 =	vor.u32 s12, v1;
	[tilespmem:s21+$0xFFFFFF80] =	vst v7;
	v12 =	vld.idx.msk [tilespmem:v12+s3+$0x0], $0xffff  }
0x400: {  	v6 =	vor.u32 s16, v1;
	[tilespmem:s21+$0x0] =	vst v8;
	v13 =	vld.idx.msk [tilespmem:v13+s3+$0x0], $0xffff  }
0x401: {  	v7 =	vor.u32 s15, v1;
	[tilespmem:s21+$0x80] =	vst v9;
	v14 =	vld.idx.msk [tilespmem:v14+s3+$0x0], $0xffff  }
0x402: {  	v8 =	vor.u32 s13, v2;
	v15 =	vld.idx.msk [tilespmem:v15+s3+$0x0], $0xffff;
	[tilespmem:s21+$0x100] =	vst v4  }
0x403: {  	v9 =	vor.u32 s14, v2;
	v10 =	vld.idx.msk [tilespmem:v10+s3+$0x0], $0xffff;
	[tilespmem:s21+$0x180] =	vst v5  }
0x404: {  	v4 =	vor.u32 s30, v2;
	v11 =	vld.idx.msk [tilespmem:v11+s3+$0x0], $0xffff;
	[tilespmem:s21+$0xFFFFFE90] =	vst v12  }
0x405: {  	v5 =	vld.idx.msk [tilespmem:v6+s3+$0x0], $0xffff;
	v12 =	vor.u32 s12, v2;
	[tilespmem:s21+$0xFFFFFE10] =	vst v13  }
0x406: {  	v13 =	vor.u32 s16, v2;
	v7 =	vld.idx.msk [tilespmem:v7+s3+$0x0], $0xffff;
	[tilespmem:s21+$0xFFFFFF10] =	vst v14  }
0x407: {  	[tilespmem:s21+$0xFFFFFF90] =	vst v15;
	v15 =	vor.u32 s15, v2;
	v8 =	vld.idx.msk [tilespmem:v8+s3+$0x0], $0xffff  }
0x408: {  	v14 =	vor.u32 s29, v2;
	v6 =	vld.idx.msk [tilespmem:v9+s3+$0x0], $0xffff  }
0x409: {  	v18 =	vor.u32 s17, v2;
	v17 =	vld.idx.msk [tilespmem:v4+s3+$0x0], $0xffff;
	[tilespmem:s21+$0x90] =	vst v11  }
0x40a: {  	v11 =	vor.u32 s30, v3;
	v4 =	vld.idx.msk [tilespmem:v12+s3+$0x0], $0xffff;
	[tilespmem:s21+$0x110] =	vst v5  }
0x40b: {  	v16 =	vor.u32 s13, v3;
	[tilespmem:s21+$0x190] =	vst v7;
	v9 =	vld.idx.msk [tilespmem:v13+s3+$0x0], $0xffff  }
0x40c: {  	[tilespmem:s21+$0xFFFFFE20] =	vst v8;
	v8 =	vld.idx.msk [tilespmem:v15+s3+$0x0], $0xffff;
	v15 =	vor.u32 s14, v3  }
0x40d: {  	[tilespmem:s21+$0x10] =	vst v10;
	v7 =	vld.idx.msk [tilespmem:v14+s3+$0x0], $0xffff;
	v14 =	vor.u32 s16, v3  }
0x40e: {  	v10 =	vld.idx.msk [tilespmem:v18+s3+$0x0], $0xffff;
	v13 =	vor.u32 s29, v3;
	[tilespmem:s21+$0xFFFFFFA0] =	vst v17  }
0x40f: {  	s23 =	simm.s32 $0x8;
	s22 =	simm.s32 $0xCA00;
	v5 =	vor.u32 s17, v3;
	v12 =	vor.u32 s15, v3;
	v11 =	vld.idx.msk [tilespmem:v11+s3+$0x0], $0xffff  }
.LBB2_28:
0x410: {  	s11 =	sshll.u32 s23, $0x7;
	p0 =	slt.u32 s23, $0xC0;
	s23 =	sadd.s32 $0x8, s23;
	v16 =	vld.idx.msk [tilespmem:v16+s3+$0x0], $0xffff;
	[tilespmem:s21+$0xFFFFFF20] =	vst v6  }
0x411: {  	v6 =	vor.u32 s11, v0;
	s25 =	sadd.s32 $0x80, s11;
	s14 =	sadd.s32 $0x180, s11;
	s24 =	sadd.s32 $0x380, s11;
	v15 =	vld.idx.msk [tilespmem:v15+s3+$0x0], $0xffff;
	[tilespmem:s21+$0x120] =	vst v9  }
0x412: {  	s13 =	sadd.s32 $0x100, s11;
	s15 =	sadd.s32 $0x200, s11;
	s17 =	sadd.s32 $0x280, s11;
	v9 =	vor.u32 s25, v0;
	v17 =	vor.u32 s14, v1;
	[tilespmem:s21+$0xFFFFFEA0] =	vst v7;
	v7 =	vld.idx.msk [tilespmem:v14+s3+$0x0], $0xffff  }
0x413: {  	v14 =	vor.u32 s13, v0;
	v18 =	vor.u32 s17, v1;
	v13 =	vld.idx.msk [tilespmem:v13+s3+$0x0], $0xffff;
	[tilespmem:s21+$0x1A0] =	vst v8  }
0x414: {  	v19 =	vor.u32 s15, v3;
	v8 =	vor.u32 s14, v0;
	[tilespmem:s21+$0x20] =	vst v10;
	v10 =	vld.idx.msk [tilespmem:v12+s3+$0x0], $0xffff  }
0x415: {  	v12 =	vor.u32 s15, v0;
	[tilespmem:s21+$0xFFFFFFB0] =	vst v11;
	v11 =	vld.idx.msk [tilespmem:v5+s3+$0x0], $0xffff;
	v5 =	vmov v19  }
0x416: {  	s16 =	sadd.s32 $0x300, s11;
	v19 =	vor.u32 s17, v0;
	v6 =	vld.idx.msk [tilespmem:v6+s3+$0x0], $0xffff;
	[tilespmem:s21+$0xFFFFFE30] =	vst v16  }
0x417: {  	v16 =	vor.u32 s16, v0;
	v9 =	vld.idx.msk [tilespmem:v9+s3+$0x0], $0xffff;
	[tilespmem:s21+$0xFFFFFF30] =	vst v15  }
0x418: {  	v15 =	vor.u32 s24, v0;
	v14 =	vld.idx.msk [tilespmem:v14+s3+$0x0], $0xffff;
	[tilespmem:s21+$0x130] =	vst v7  }
0x419: {  	v20 =	vor.u32 s25, v1;
	v7 =	vor.u32 s11, v1;
	v8 =	vld.idx.msk [tilespmem:v8+s3+$0x0], $0xffff;
	[tilespmem:s21+$0xFFFFFEB0] =	vst v13  }
0x41a: {  	v13 =	vor.u32 s13, v1;
	v12 =	vld.idx.msk [tilespmem:v12+s3+$0x0], $0xffff;
	[tilespmem:s21+$0x1B0] =	vst v10  }
0x41b: {  	s21 =	sadd.s32 $0x400, s21;
	v10 =	vld.idx.msk [tilespmem:v19+s3+$0x0], $0xffff;
	[tilespmem:s22+$0x30] =	vst v11  }
0x41c: {  	[tilespmem:s21+$0xFFFFFE00] =	vst v6;
	v6 =	vor.u32 s15, v1;
	v11 =	vld.idx.msk [tilespmem:v16+s3+$0x0], $0xffff  }
0x41d: {  	[tilespmem:s21+$0xFFFFFE80] =	vst v9;
	v9 =	vld.idx.msk [tilespmem:v15+s3+$0x0], $0xffff  }
0x41e: {  	v15 =	vld.idx.msk [tilespmem:v20+s3+$0x0], $0xffff;
	[tilespmem:s21+$0xFFFFFF00] =	vst v14;
	v14 =	vor.u32 s16, v1  }
0x41f: {  	v7 =	vld.idx.msk [tilespmem:v7+s3+$0x0], $0xffff;
	[tilespmem:s21+$0xFFFFFF80] =	vst v8;
	v8 =	vor.u32 s24, v1  }
0x420: {  	v13 =	vld.idx.msk [tilespmem:v13+s3+$0x0], $0xffff;
	[tilespmem:s21+$0x0] =	vst v12  }
0x421: {  	v12 =	vor.u32 s11, v2;
	v16 =	vld.idx.msk [tilespmem:v17+s3+$0x0], $0xffff;
	[tilespmem:s21+$0x80] =	vst v10  }
0x422: {  	v10 =	vor.u32 s13, v2;
	v17 =	vld.idx.msk [tilespmem:v6+s3+$0x0], $0xffff;
	[tilespmem:s21+$0x100] =	vst v11  }
0x423: {  	v11 =	vor.u32 s14, v2;
	v18 =	vld.idx.msk [tilespmem:v18+s3+$0x0], $0xffff;
	[tilespmem:s21+$0x180] =	vst v9  }
0x424: {  	[tilespmem:s21+$0xFFFFFE90] =	vst v15;
	v9 =	vld.idx.msk [tilespmem:v14+s3+$0x0], $0xffff;
	v14 =	vor.u32 s12, v3;
	s12 =	smov.u32 s17  }
0x425: {  	v15 =	vor.u32 s16, v2;
	[tilespmem:s21+$0xFFFFFE10] =	vst v7;
	v7 =	vor.u32 s12, v2;
	v8 =	vld.idx.msk [tilespmem:v8+s3+$0x0], $0xffff  }
0x426: {  	v12 =	vld.idx.msk [tilespmem:v12+s3+$0x0], $0xffff;
	[tilespmem:s21+$0xFFFFFF10] =	vst v13  }
0x427: {  	v13 =	vor.u32 s25, v2;
	v6 =	vld.idx.msk [tilespmem:v10+s3+$0x0], $0xffff;
	[tilespmem:s21+$0xFFFFFF90] =	vst v16  }
0x428: {  	v10 =	vld.idx.msk [tilespmem:v11+s3+$0x0], $0xffff;
	v11 =	vor.u32 s24, v2;
	[tilespmem:s22+$0xA0] =	vst v4  }
0x429: {  	v19 =	vor.u32 s15, v2;
	[tilespmem:s21+$0x90] =	vst v18;
	v18 =	vld.idx.msk [tilespmem:v14+s3+$0x0], $0xffff  }
0x42a: {  	v20 =	vor.u32 s14, v3;
	v4 =	vld.idx.msk [tilespmem:v7+s3+$0x0], $0xffff;
	[tilespmem:s21+$0x110] =	vst v9  }
.Ltmp13:
0x42b: {  	v16 =	vor.u32 s11, v3;
	v9 =	vld.idx.msk [tilespmem:v15+s3+$0x0], $0xffff;
	[tilespmem:s21+$0x190] =	vst v8;
	(pc) =	sbr.rel @p0 .LBB2_28-.Ltmp13, $4  }
0x42c: {  	v15 =	vor.u32 s13, v3;
	v7 =	vld.idx.msk [tilespmem:v13+s3+$0x0], $0xffff;
	[tilespmem:s21+$0x10] =	vst v17  }
0x42d: {  	v14 =	vor.u32 s16, v3;
	[tilespmem:s21+$0xFFFFFE20] =	vst v12;
	v8 =	vld.idx.msk [tilespmem:v11+s3+$0x0], $0xffff  }
0x42e: {  	v13 =	vor.u32 s25, v3;
	[tilespmem:s21+$0xFFFFFFA0] =	vst v10;
	v10 =	vld.idx.msk [tilespmem:v19+s3+$0x0], $0xffff  }
0x42f: {  	v12 =	vor.u32 s24, v3;
	v11 =	vld.idx.msk [tilespmem:v20+s3+$0x0], $0xffff;
	[tilespmem:s22+$0xB0] =	vst v18;
	s22 =	smov.u32 s21  }
0x430: {  	_ =	sdelay $0x1  }
0x431: {  	[tilespmem:s21+$0xFFFFFF20] =	vst v6  }
0x432: {  	[tilespmem:s21+$0x120] =	vst v9  }
0x433: {  	v6 =	vld.idx.msk [tilespmem:v16+s3+$0x0], $0xffff;
	[tilespmem:s21+$0xFFFFFEA0] =	vst v7  }
0x434: {  	v7 =	vld.idx.msk [tilespmem:v15+s3+$0x0], $0xffff;
	[tilespmem:s21+$0x1A0] =	vst v8;
	v8 =	vor.u32 s12, v3  }
0x435: {  	[tilespmem:s22+$0xA0] =	vst v4;
	v9 =	vld.idx.msk [tilespmem:v14+s3+$0x0], $0xffff  }
0x436: {  	[tilespmem:s21+$0x20] =	vst v10;
	v10 =	vld.idx.msk [tilespmem:v13+s3+$0x0], $0xffff  }
0x437: {  	[tilespmem:s21+$0xFFFFFFB0] =	vst v11;
	v11 =	vld.idx.msk [tilespmem:v12+s3+$0x0], $0xffff  }
0x438: {  	v5 =	vld.idx.msk [tilespmem:v5+s3+$0x0], $0xffff;
	[tilespmem:s21+$0xFFFFFE30] =	vst v6  }
0x439: {  	[tilespmem:s21+$0xFFFFFF30] =	vst v7;
	v4 =	vld.idx.msk [tilespmem:v8+s3+$0x0], $0xffff  }
0x43a: {  	[tilespmem:s21+$0x130] =	vst v9  }
0x43b: {  	[tilespmem:s21+$0xFFFFFEB0] =	vst v10  }
0x43c: {  	[tilespmem:s21+$0x1B0] =	vst v11  }
0x43d: {  	[tilespmem:s22+$0x30] =	vst v5  }
0x43e: {  	[tilespmem:s22+$0xB0] =	vst v4  }
0x43f: {  	s11 =	simm.s32 $0x0;
	s28 =	rddreg [dreg:$0x15]  }
0x440: {  	[hbm4b:s28+s11] =	stream.linear.scatter [tilespmem:s1], [sflag:$0x3], $0x6400, $0x38;
	[tilespmem:$0x1F400] =	vst v63  }
0x441: {  	s13 =	simm.s32 $0x0;
	_ =	swait.ge [sflag:s5], $0x6400  }
0x442: {  	s29 =	simm.s32 $0x80;
	v4 =	vor.u32 s13, v0;
	[sflag:s5] =	ssyncset.done $0x0  }
0x443: {  	s14 =	simm.s32 $0x100;
	v5 =	vor.u32 s29, v0;
	[sflag:s5] =	ssyncadd.s32 $0xFFFF9C00  }
0x444: {  	s30 =	simm.s32 $0x180;
	v6 =	vor.u32 s14, v0;
	_ =	swait.ge [sflag:s9], $0x6400  }
0x445: {  	s17 =	simm.s32 $0x200;
	v7 =	vor.u32 s30, v0;
	[sflag:s9] =	ssyncset.done $0x0  }
0x446: {  	s12 =	simm.s32 $0x280;
	v8 =	vor.u32 s17, v0;
	[sflag:s9] =	ssyncadd.s32 $0xFFFF9C00  }
0x447: {  	s16 =	simm.s32 $0x300;
	v9 =	vor.u32 s12, v0;
	v4 =	vld.idx.msk [tilespmem:v4+s31+$0x0], $0xffff  }
0x448: {  	s15 =	simm.s32 $0x380;
	v10 =	vor.u32 s16, v0;
	v5 =	vld.idx.msk [tilespmem:v5+s31+$0x0], $0xffff  }
0x449: {  	v11 =	vor.u32 s15, v0;
	v6 =	vld.idx.msk [tilespmem:v6+s31+$0x0], $0xffff  }
0x44a: {  	v12 =	vor.u32 s29, v1;
	v7 =	vld.idx.msk [tilespmem:v7+s31+$0x0], $0xffff  }
0x44b: {  	v13 =	vor.u32 s13, v1;
	s21 =	simm.s32 $0x12E00;
	v8 =	vld.idx.msk [tilespmem:v8+s31+$0x0], $0xffff  }
0x44c: {  	v14 =	vor.u32 s14, v1;
	v9 =	vld.idx.msk [tilespmem:v9+s31+$0x0], $0xffff;
	[tilespmem:s21+$0xFFFFFE00] =	vst v4  }
0x44d: {  	v15 =	vor.u32 s30, v1;
	v4 =	vld.idx.msk [tilespmem:v10+s31+$0x0], $0xffff;
	[tilespmem:s21+$0xFFFFFE80] =	vst v5  }
0x44e: {  	v10 =	vor.u32 s17, v1;
	v5 =	vld.idx.msk [tilespmem:v11+s31+$0x0], $0xffff;
	[tilespmem:s21+$0xFFFFFF00] =	vst v6  }
0x44f: {  	v11 =	vor.u32 s12, v1;
	[tilespmem:s21+$0xFFFFFF80] =	vst v7;
	v12 =	vld.idx.msk [tilespmem:v12+s31+$0x0], $0xffff  }
0x450: {  	v6 =	vor.u32 s16, v1;
	[tilespmem:s21+$0x0] =	vst v8;
	v13 =	vld.idx.msk [tilespmem:v13+s31+$0x0], $0xffff  }
0x451: {  	v7 =	vor.u32 s15, v1;
	[tilespmem:s21+$0x80] =	vst v9;
	v14 =	vld.idx.msk [tilespmem:v14+s31+$0x0], $0xffff  }
0x452: {  	v8 =	vor.u32 s13, v2;
	v15 =	vld.idx.msk [tilespmem:v15+s31+$0x0], $0xffff;
	[tilespmem:s21+$0x100] =	vst v4  }
0x453: {  	v9 =	vor.u32 s14, v2;
	v10 =	vld.idx.msk [tilespmem:v10+s31+$0x0], $0xffff;
	[tilespmem:s21+$0x180] =	vst v5  }
0x454: {  	v4 =	vor.u32 s30, v2;
	v11 =	vld.idx.msk [tilespmem:v11+s31+$0x0], $0xffff;
	[tilespmem:s21+$0xFFFFFE90] =	vst v12  }
0x455: {  	v5 =	vld.idx.msk [tilespmem:v6+s31+$0x0], $0xffff;
	v12 =	vor.u32 s12, v2;
	[tilespmem:s21+$0xFFFFFE10] =	vst v13  }
0x456: {  	v13 =	vor.u32 s16, v2;
	v7 =	vld.idx.msk [tilespmem:v7+s31+$0x0], $0xffff;
	[tilespmem:s21+$0xFFFFFF10] =	vst v14  }
0x457: {  	[tilespmem:s21+$0xFFFFFF90] =	vst v15;
	v15 =	vor.u32 s15, v2;
	v8 =	vld.idx.msk [tilespmem:v8+s31+$0x0], $0xffff  }
0x458: {  	v14 =	vor.u32 s29, v2;
	v6 =	vld.idx.msk [tilespmem:v9+s31+$0x0], $0xffff  }
0x459: {  	v18 =	vor.u32 s17, v2;
	v17 =	vld.idx.msk [tilespmem:v4+s31+$0x0], $0xffff;
	[tilespmem:s21+$0x90] =	vst v11  }
0x45a: {  	v11 =	vor.u32 s30, v3;
	v4 =	vld.idx.msk [tilespmem:v12+s31+$0x0], $0xffff;
	[tilespmem:s21+$0x110] =	vst v5  }
0x45b: {  	v16 =	vor.u32 s13, v3;
	[tilespmem:s21+$0x190] =	vst v7;
	v9 =	vld.idx.msk [tilespmem:v13+s31+$0x0], $0xffff  }
0x45c: {  	[tilespmem:s21+$0xFFFFFE20] =	vst v8;
	v8 =	vld.idx.msk [tilespmem:v15+s31+$0x0], $0xffff;
	v15 =	vor.u32 s14, v3  }
0x45d: {  	[tilespmem:s21+$0x10] =	vst v10;
	v7 =	vld.idx.msk [tilespmem:v14+s31+$0x0], $0xffff;
	v14 =	vor.u32 s16, v3  }
0x45e: {  	v10 =	vld.idx.msk [tilespmem:v18+s31+$0x0], $0xffff;
	v13 =	vor.u32 s29, v3;
	[tilespmem:s21+$0xFFFFFFA0] =	vst v17  }
0x45f: {  	s23 =	simm.s32 $0x8;
	s22 =	simm.s32 $0x12E00;
	v5 =	vor.u32 s17, v3;
	v12 =	vor.u32 s15, v3;
	v11 =	vld.idx.msk [tilespmem:v11+s31+$0x0], $0xffff  }
.LBB2_30:
0x460: {  	s11 =	sshll.u32 s23, $0x7;
	p0 =	slt.u32 s23, $0xC0;
	s23 =	sadd.s32 $0x8, s23;
	v16 =	vld.idx.msk [tilespmem:v16+s31+$0x0], $0xffff;
	[tilespmem:s21+$0xFFFFFF20] =	vst v6  }
0x461: {  	v6 =	vor.u32 s11, v0;
	s25 =	sadd.s32 $0x80, s11;
	s14 =	sadd.s32 $0x180, s11;
	s24 =	sadd.s32 $0x380, s11;
	v15 =	vld.idx.msk [tilespmem:v15+s31+$0x0], $0xffff;
	[tilespmem:s21+$0x120] =	vst v9  }
0x462: {  	s13 =	sadd.s32 $0x100, s11;
	s15 =	sadd.s32 $0x200, s11;
	s17 =	sadd.s32 $0x280, s11;
	v9 =	vor.u32 s25, v0;
	v17 =	vor.u32 s14, v1;
	[tilespmem:s21+$0xFFFFFEA0] =	vst v7;
	v7 =	vld.idx.msk [tilespmem:v14+s31+$0x0], $0xffff  }
0x463: {  	v14 =	vor.u32 s13, v0;
	v18 =	vor.u32 s17, v1;
	v13 =	vld.idx.msk [tilespmem:v13+s31+$0x0], $0xffff;
	[tilespmem:s21+$0x1A0] =	vst v8  }
0x464: {  	v19 =	vor.u32 s15, v3;
	v8 =	vor.u32 s14, v0;
	[tilespmem:s21+$0x20] =	vst v10;
	v10 =	vld.idx.msk [tilespmem:v12+s31+$0x0], $0xffff  }
0x465: {  	v12 =	vor.u32 s15, v0;
	[tilespmem:s21+$0xFFFFFFB0] =	vst v11;
	v11 =	vld.idx.msk [tilespmem:v5+s31+$0x0], $0xffff;
	v5 =	vmov v19  }
0x466: {  	s16 =	sadd.s32 $0x300, s11;
	v19 =	vor.u32 s17, v0;
	v6 =	vld.idx.msk [tilespmem:v6+s31+$0x0], $0xffff;
	[tilespmem:s21+$0xFFFFFE30] =	vst v16  }
0x467: {  	v16 =	vor.u32 s16, v0;
	v9 =	vld.idx.msk [tilespmem:v9+s31+$0x0], $0xffff;
	[tilespmem:s21+$0xFFFFFF30] =	vst v15  }
0x468: {  	v15 =	vor.u32 s24, v0;
	v14 =	vld.idx.msk [tilespmem:v14+s31+$0x0], $0xffff;
	[tilespmem:s21+$0x130] =	vst v7  }
0x469: {  	v20 =	vor.u32 s25, v1;
	v7 =	vor.u32 s11, v1;
	v8 =	vld.idx.msk [tilespmem:v8+s31+$0x0], $0xffff;
	[tilespmem:s21+$0xFFFFFEB0] =	vst v13  }
0x46a: {  	v13 =	vor.u32 s13, v1;
	v12 =	vld.idx.msk [tilespmem:v12+s31+$0x0], $0xffff;
	[tilespmem:s21+$0x1B0] =	vst v10  }
0x46b: {  	s21 =	sadd.s32 $0x400, s21;
	v10 =	vld.idx.msk [tilespmem:v19+s31+$0x0], $0xffff;
	[tilespmem:s22+$0x30] =	vst v11  }
0x46c: {  	[tilespmem:s21+$0xFFFFFE00] =	vst v6;
	v6 =	vor.u32 s15, v1;
	v11 =	vld.idx.msk [tilespmem:v16+s31+$0x0], $0xffff  }
0x46d: {  	[tilespmem:s21+$0xFFFFFE80] =	vst v9;
	v9 =	vld.idx.msk [tilespmem:v15+s31+$0x0], $0xffff  }
0x46e: {  	v15 =	vld.idx.msk [tilespmem:v20+s31+$0x0], $0xffff;
	[tilespmem:s21+$0xFFFFFF00] =	vst v14;
	v14 =	vor.u32 s16, v1  }
0x46f: {  	v7 =	vld.idx.msk [tilespmem:v7+s31+$0x0], $0xffff;
	[tilespmem:s21+$0xFFFFFF80] =	vst v8;
	v8 =	vor.u32 s24, v1  }
0x470: {  	v13 =	vld.idx.msk [tilespmem:v13+s31+$0x0], $0xffff;
	[tilespmem:s21+$0x0] =	vst v12  }
0x471: {  	v12 =	vor.u32 s11, v2;
	v16 =	vld.idx.msk [tilespmem:v17+s31+$0x0], $0xffff;
	[tilespmem:s21+$0x80] =	vst v10  }
0x472: {  	v10 =	vor.u32 s13, v2;
	v17 =	vld.idx.msk [tilespmem:v6+s31+$0x0], $0xffff;
	[tilespmem:s21+$0x100] =	vst v11  }
0x473: {  	v11 =	vor.u32 s14, v2;
	v18 =	vld.idx.msk [tilespmem:v18+s31+$0x0], $0xffff;
	[tilespmem:s21+$0x180] =	vst v9  }
0x474: {  	[tilespmem:s21+$0xFFFFFE90] =	vst v15;
	v9 =	vld.idx.msk [tilespmem:v14+s31+$0x0], $0xffff;
	v14 =	vor.u32 s12, v3;
	s12 =	smov.u32 s17  }
0x475: {  	v15 =	vor.u32 s16, v2;
	[tilespmem:s21+$0xFFFFFE10] =	vst v7;
	v7 =	vor.u32 s12, v2;
	v8 =	vld.idx.msk [tilespmem:v8+s31+$0x0], $0xffff  }
0x476: {  	v12 =	vld.idx.msk [tilespmem:v12+s31+$0x0], $0xffff;
	[tilespmem:s21+$0xFFFFFF10] =	vst v13  }
0x477: {  	v13 =	vor.u32 s25, v2;
	v6 =	vld.idx.msk [tilespmem:v10+s31+$0x0], $0xffff;
	[tilespmem:s21+$0xFFFFFF90] =	vst v16  }
0x478: {  	v10 =	vld.idx.msk [tilespmem:v11+s31+$0x0], $0xffff;
	v11 =	vor.u32 s24, v2;
	[tilespmem:s22+$0xA0] =	vst v4  }
0x479: {  	v19 =	vor.u32 s15, v2;
	[tilespmem:s21+$0x90] =	vst v18;
	v18 =	vld.idx.msk [tilespmem:v14+s31+$0x0], $0xffff  }
0x47a: {  	v20 =	vor.u32 s14, v3;
	v4 =	vld.idx.msk [tilespmem:v7+s31+$0x0], $0xffff;
	[tilespmem:s21+$0x110] =	vst v9  }
.Ltmp14:
0x47b: {  	v16 =	vor.u32 s11, v3;
	v9 =	vld.idx.msk [tilespmem:v15+s31+$0x0], $0xffff;
	[tilespmem:s21+$0x190] =	vst v8;
	(pc) =	sbr.rel @p0 .LBB2_30-.Ltmp14, $4  }
0x47c: {  	v15 =	vor.u32 s13, v3;
	v7 =	vld.idx.msk [tilespmem:v13+s31+$0x0], $0xffff;
	[tilespmem:s21+$0x10] =	vst v17  }
0x47d: {  	v14 =	vor.u32 s16, v3;
	[tilespmem:s21+$0xFFFFFE20] =	vst v12;
	v8 =	vld.idx.msk [tilespmem:v11+s31+$0x0], $0xffff  }
0x47e: {  	v13 =	vor.u32 s25, v3;
	[tilespmem:s21+$0xFFFFFFA0] =	vst v10;
	v10 =	vld.idx.msk [tilespmem:v19+s31+$0x0], $0xffff  }
0x47f: {  	v12 =	vor.u32 s24, v3;
	v11 =	vld.idx.msk [tilespmem:v20+s31+$0x0], $0xffff;
	[tilespmem:s22+$0xB0] =	vst v18;
	s22 =	smov.u32 s21  }
0x480: {  	_ =	sdelay $0x1  }
0x481: {  	[tilespmem:s21+$0xFFFFFF20] =	vst v6  }
0x482: {  	[tilespmem:s21+$0x120] =	vst v9  }
0x483: {  	v59 =	vld.idx.msk [tilespmem:v16+s31+$0x0], $0xffff;
	[tilespmem:s22+$0xA0] =	vst v4  }
0x484: {  	v61 =	vor.u32 s12, v3;
	[tilespmem:s21+$0xFFFFFEA0] =	vst v7;
	v60 =	vld.idx.msk [tilespmem:v15+s31+$0x0], $0xffff  }
0x485: {  	v9 =	vld.idx.msk [tilespmem:v14+s31+$0x0], $0xffff;
	[tilespmem:s21+$0x1A0] =	vst v8  }
0x486: {  	v62 =	vld.idx.msk [tilespmem:v13+s31+$0x0], $0xffff;
	[tilespmem:s21+$0x20] =	vst v10  }
0x487: {  	v63 =	vld.idx.msk [tilespmem:v12+s31+$0x0], $0xffff;
	[tilespmem:s21+$0xFFFFFFB0] =	vst v11  }
0x488: {  	v5 =	vld.idx.msk [tilespmem:v5+s31+$0x0], $0xffff;
	[tilespmem:s21+$0xFFFFFE30] =	vst v59  }
0x489: {  	v4 =	vld.idx.msk [tilespmem:v61+s31+$0x0], $0xffff;
	[tilespmem:s21+$0xFFFFFF30] =	vst v60  }
0x48a: {  	[tilespmem:s21+$0x130] =	vst v9  }
0x48b: {  	[tilespmem:s21+$0xFFFFFEB0] =	vst v62  }
0x48c: {  	[tilespmem:s21+$0x1B0] =	vst v63  }
0x48d: {  	[tilespmem:s22+$0x30] =	vst v5  }
0x48e: {  	[tilespmem:s22+$0xB0] =	vst v4  }
0x48f: {  	s11 =	rddreg [dreg:$0x17]  }
0x490: {  	[hbm4b:s11+s3] =	stream.linear.scatter [tilespmem:s6], [sflag:$0x4], $0x6400, $0x38;
	[tilespmem:$0x1F400] =	vst v63  }
0x491: {  	_ =	swait.ge [sflag:s8], $0x6400  }
0x492: {  	[sflag:s8] =	ssyncset.done $0x0  }
0x493: {  	[sflag:s8] =	ssyncadd.s32 $0xFFFF9C00  }
0x494: {  	_ =	swait.ge [sflag:s9], $0x6400  }
0x495: {  	[sflag:s9] =	ssyncset.done $0x0  }
0x496: {  	[sflag:s9] =	ssyncadd.s32 $0xFFFF9C00  }
0x497: {  	_ =	swait.ge [sflag:s10], $0x6400  }
0x498: {  	s29 =	rddreg [dreg:$0x19]  }
0x499: {  	s30 =	rddreg [dreg:$0x18];
	s12 =	sadd.s32 $0x1, s29  }
0x49a: {  	p0 =	sne.s32 s12, s30  }
.Ltmp15:
0x49b: {  	_ = 	snop;
	(pc) =	sbr.rel @p0 .LBB2_1-.Ltmp15, $3  }
0x49c: {  	_ =	sdelay $0x1  }
0x49d: {  	[sflag:s10] =	ssyncset.done $0x0  }
0x49e: {  	[sflag:s10] =	ssyncadd.s32 $0xFFFF9C00  }
0x49f: {  	_ =	sfence.sel $0x180000  }
0x4a0: {  	[bflag:$0x0] =	sbarrier.arrive $0xFFFF  }
0x4a1: {  	_ =	strace $0x90000047  }
0x4a2: {  	s0 =	stileid.u32;
	[bflag:$0x2] =	sbarrier.arrive $0xFFFF  }
0x4a3: {  	p0 =	sne.s32 s0, $0x0;
	s0 =	rddreg [dreg:$0x2]  }
0x4a4: {  	s0 =	sadd.s32 @!p0 $0x100000, s0  }
0x4a5: {  	[sflag:s0] =	ssyncadd.tile.s32 @!p0 $0x1;
	_ =	shalt  }
.Lfunc_end2:
_tile_overlayer_lowered:
.L_overlay_start_2:
0x4a6: {  	(tag) =	ssettag $0x2  }
0x4a7: {  	s0 =	rddreg [dreg:$0x0];
	s2 =	stileid.u32  }
0x4a8: {  	s1 =	rddreg [dreg:$0x1];
	p0 =	sne.s32 s2, $0x0  }
0x4a9: {  	s3 =	rddreg [dreg:$0x2];
	[bflag:$0x3] =	sbarrier.arrive $0xFFFF;
	s2 =	simm.s32 @!p0 $0x1C06  }
0x4aa: {  	[timem:s3], [sflag:s2] =	dma.local @!p0 [hbm:s0], s1  }
0x4ab: {  	s0 =	simm.s32 @!p0 $0x6  }
0x4ac: {  	_ =	swait.ge @!p0 [sflag:s0], s1  }
0x4ad: {  	s1 =	ssub.s32 @!p0 $0x0, s1;
	[sflag:s0] =	ssyncset.done @!p0 $0x0  }
0x4ae: {  	[sflag:s0] =	ssyncadd.s32 @!p0 s1  }
0x4af: {  	[bflag:$0x3] =	sbarrier.arrive $0xFFFF  }
0x4b0: {  	_ =	shalt  }

</sc_bundles>
